<compile_context>
chip_gen: v7x
topology: tpu7x:2x2x1
jax: 0.10.2.dev20260603
libtpu: 0.0.44.dev20260713+nightly
codegen_flags: <defaults>
</compile_context>

<pallas_src>
import functools
import math

import jax
import jax.numpy as jnp
from jax import lax
from jax.experimental import pallas as pl
from jax.experimental.pallas import tpu as pltpu
from jax.experimental.pallas import tpu_sc as plsc

B = 1024
L = 200
D = 512
NV = 65
NC = 11
REP = 34

_NCORES = 2
_NSUB = 16
_NW = _NCORES * _NSUB
_ROWS_W = B * L // _NW
_CH = 32
_NCHUNK = _ROWS_W // _CH


def _tab_body(ct_ref, aa_ref, pc_ref, rep_ref):
    rows = NC * L
    d_idx = lax.broadcasted_iota(jnp.int32, (rows, D), 1)
    r_idx = lax.broadcasted_iota(jnp.int32, (rows, D), 0)
    pos = (r_idx % L).astype(jnp.float32)
    d_even = ((d_idx // 2) * 2).astype(jnp.float32)
    ang = pos * jnp.exp(d_even * (-math.log(10000.0) / D))
    pe = jnp.where(d_idx % 2 == 0, jnp.sin(ang), jnp.cos(ang))
    c1 = lax.broadcasted_iota(jnp.int32, (rows, NC), 0) // L
    oh = (c1 == lax.broadcasted_iota(jnp.int32, (rows, NC), 1)
          ).astype(jnp.float32)
    ch = lax.dot_general(oh, ct_ref[...], (((1,), (0,)), ((), ())),
                         preferred_element_type=jnp.float32)
    pc_ref[...] = pe + ch
    aa = aa_ref[...]
    for k in range(REP):
        rep_ref[k * NV:(k + 1) * NV, :] = aa


def _build_tabs(aa_table, charge_table):
    return pl.pallas_call(
        _tab_body,
        out_shape=[
            jax.ShapeDtypeStruct((NC * L, D), jnp.float32),
            jax.ShapeDtypeStruct((REP * NV, D), jnp.float32),
        ],
    )(charge_table, aa_table)


def _sc_body(tok_hbm, chg_hbm, rep_hbm, pc_hbm, out_hbm,
             charges_v, tok_v, pcidx_v, aaidx_v, buf_v, buf2_v,
             sem_pc, sem_aa, sem_w):
    cid = lax.axis_index("c")
    sid = lax.axis_index("s")
    wid = sid * _NCORES + cid
    base = wid * _ROWS_W

    pltpu.sync_copy(chg_hbm, charges_v)
    pltpu.sync_copy(tok_hbm.at[pl.ds(base, _ROWS_W)], tok_v)

    @plsc.parallel_loop(0, _ROWS_W // 16, unroll=4)
    def _(j):
        loc = j * 16 + lax.iota(jnp.int32, 16)
        row = base + loc
        cvec = plsc.load_gather(charges_v, [row // L])
        pcidx_v[pl.ds(j * 16, 16)] = cvec * L + row % L
        tvec = plsc.load_gather(tok_v, [loc])
        aaidx_v[pl.ds(j * 16, 16)] = ((wid + loc) % REP) * NV + tvec

    def pair(g, carry):
        offs = [(2 * g + s) * _CH for s in range(2)]
        descs_pc = []
        descs_aa = []
        for s in range(2):
            descs_pc.append(pltpu.async_copy(
                pc_hbm.at[pcidx_v.at[pl.ds(offs[s], _CH)]],
                buf_v.at[s], sem_pc.at[s]))
            descs_aa.append(pltpu.async_copy(
                rep_hbm.at[aaidx_v.at[pl.ds(offs[s], _CH)]],
                buf2_v.at[s], sem_aa.at[s]))
        descs_w = []
        for s in range(2):
            descs_pc[s].wait()
            descs_aa[s].wait()

            @plsc.parallel_loop(0, _CH, unroll=2)
            def _(r, s=s):
                for k in range(D // 16):
                    sl = pl.ds(k * 16, 16)
                    plsc.addupdate(buf_v.at[s, r, sl], buf2_v[s, r, sl])

            descs_w.append(pltpu.async_copy(
                buf_v.at[s], out_hbm.at[pl.ds(base + offs[s], _CH)],
                sem_w.at[s]))
        for s in range(2):
            descs_w[s].wait()
        return carry

    lax.fori_loop(0, _NCHUNK // 2, pair, 0)


def kernel(tokens, charges, aa_table, charge_table):
    pc, aa_rep = _build_tabs(aa_table, charge_table)
    mesh = plsc.VectorSubcoreMesh(
        core_axis_name="c", subcore_axis_name="s",
        num_cores=_NCORES, num_subcores=_NSUB)
    sc = functools.partial(
        pl.kernel,
        out_type=jax.ShapeDtypeStruct((B * L, D), jnp.float32),
        mesh=mesh,
        compiler_params=pltpu.CompilerParams(needs_layout_passes=False),
        scratch_types=[
            pltpu.VMEM((B,), jnp.int32),
            pltpu.VMEM((_ROWS_W,), jnp.int32),
            pltpu.VMEM((_ROWS_W,), jnp.int32),
            pltpu.VMEM((_ROWS_W,), jnp.int32),
            pltpu.VMEM((2, _CH, D), jnp.float32),
            pltpu.VMEM((2, _CH, D), jnp.float32),
            pltpu.SemaphoreType.DMA((2,)),
            pltpu.SemaphoreType.DMA((2,)),
            pltpu.SemaphoreType.DMA((2,)),
        ],
    )(_sc_body)
    out2 = sc(tokens.reshape(B * L), charges, aa_rep, pc)
    return out2.reshape(B, L, D)

# --- scband reference (transcript-rebuilt; emitter-appended) ---
"""Pipeline reference for scband-peptide-transformer-61847529062481 (READ-ONLY COPY).

The authoritative reference and input builder live on the scoring server;
editing this copy changes nothing except your own understanding.
"""

import jax, jax.numpy as jnp
import numpy as np

N_TOKENS = 64
D_MODEL = 512
MAX_CHARGE = 10
B = 1024
L = 200


def _pos_encoding(seq_len, d_model):
    pos = jnp.arange(seq_len, dtype=jnp.float32)[:, None]
    div = jnp.exp(jnp.arange(0, d_model, 2, dtype=jnp.float32) * (-np.log(10000.0) / d_model))
    pe = jnp.zeros((seq_len, d_model), dtype=jnp.float32)
    pe = pe.at[:, 0::2].set(jnp.sin(pos * div))
    pe = pe.at[:, 1::2].set(jnp.cos(pos * div))
    return pe


def setup_inputs(seed: int = 0):
    key = jax.random.key(seed)
    k1, k2, k3, k4 = jax.random.split(key, 4)
    tokens = jax.random.randint(k1, (B, L), 0, N_TOKENS)
    charges = jax.random.randint(k2, (B,), 0, MAX_CHARGE + 1)
    # torch.nn.Embedding default init: N(0, 1); padding_idx=0 row zeroed
    aa_table = jax.random.normal(k3, (N_TOKENS + 1, D_MODEL), dtype=jnp.float32)
    aa_table = aa_table.at[0].set(0.0)
    charge_table = jax.random.normal(k4, (MAX_CHARGE + 1, D_MODEL), dtype=jnp.float32)
    return {"tokens": tokens, "charges": charges, "aa_table": aa_table, "charge_table": charge_table}


def reference(tokens, charges, aa_table, charge_table):
    # aa_encoder(tokens) with padding_idx=0 semantics (row 0 zero, no grad flow)
    mask = (tokens != 0)[..., None].astype(aa_table.dtype)
    aa = jnp.take(aa_table, tokens, axis=0) * mask
    # positional_encoder: standard sinusoidal PE added
    aa = aa + _pos_encoding(aa.shape[1], aa.shape[-1])[None, :, :]
    # charge_encoder(charges) broadcast-added as sequence conditioning
    ch = jnp.take(charge_table, charges, axis=0)
    return aa + ch[:, None, :]

if __name__ == "__main__":
    import jax
    _d = setup_inputs()
    print(jax.jit(kernel)(*tuple(_d.values())))

</pallas_src>

<mosaic_0001>
#map = affine_map<(d0, d1) -> (0)>
#map1 = affine_map<(d0, d1) -> (0, 0)>
module attributes {stable_mosaic.version = 14 : i64} {
  func.func @_sc_body(%arg0: i32, %arg1: i32, %arg2: memref<204800xi32, #tpu.memory_space<hbm>>, %arg3: memref<1024xi32, #tpu.memory_space<hbm>>, %arg4: memref<2210x512xf32, #tpu.memory_space<hbm>>, %arg5: memref<2200x512xf32, #tpu.memory_space<hbm>>, %arg6: memref<204800x512xf32, #tpu.memory_space<hbm>>, %arg7: memref<1024xi32, #tpu.memory_space<vmem>>, %arg8: memref<6400xi32, #tpu.memory_space<vmem>>, %arg9: memref<6400xi32, #tpu.memory_space<vmem>>, %arg10: memref<6400xi32, #tpu.memory_space<vmem>>, %arg11: memref<2x32x512xf32, #tpu.memory_space<vmem>>, %arg12: memref<2x32x512xf32, #tpu.memory_space<vmem>>, %arg13: memref<2x!tpu.dma_semaphore, #tpu.memory_space<semaphore_mem>>, %arg14: memref<2x!tpu.dma_semaphore, #tpu.memory_space<semaphore_mem>>, %arg15: memref<2x!tpu.dma_semaphore, #tpu.memory_space<semaphore_mem>>) attributes {dimension_semantics = [#tpu.dimension_semantics<core_parallel>, #tpu.dimension_semantics<subcore_parallel>], iteration_bounds = array<i64: 2, 16>, scalar_prefetch = 0 : i64, scratch_operands = 9 : i64, tpu.core_type = #tpu.core_type<sc_vector_subcore>, window_params = [{transform_indices = #map}, {transform_indices = #map}, {transform_indices = #map1}, {transform_indices = #map1}, {transform_indices = #map1}]} {
    %mul3A = arith.constant 2 : i32
    %mul3A_0 = arith.muli %arg1, %mul3A : i32
    %add3A = arith.addi %mul3A_0, %arg0 : i32
    %mul3A_1 = arith.constant 6400 : i32
    %mul3A_2 = arith.muli %add3A, %mul3A_1 : i32
    "tpu.region"() ({
      %run_scoped3A = tpu.sem_alloc : memref<!tpu.dma_semaphore, #tpu.memory_space<semaphore_mem>>
      tpu.enqueue_dma source(%arg3 : memref<1024xi32, #tpu.memory_space<hbm>>) target(%arg7 : memref<1024xi32, #tpu.memory_space<vmem>>) target_semaphore(%run_scoped3A : memref<!tpu.dma_semaphore, #tpu.memory_space<semaphore_mem>>)
      tpu.wait_dma2 semaphore(%run_scoped3A : memref<!tpu.dma_semaphore, #tpu.memory_space<semaphore_mem>>) src(%arg3 : memref<1024xi32, #tpu.memory_space<hbm>>) dst(%arg7 : memref<1024xi32, #tpu.memory_space<vmem>>)
      tpu.yield
    }) : () -> ()
    "tpu.region"() ({
      %run_scoped3A = tpu.sem_alloc : memref<!tpu.dma_semaphore, #tpu.memory_space<semaphore_mem>>
      %dma_start3A = tpu.memref_slice %arg2[%mul3A_2] : memref<204800xi32, #tpu.memory_space<hbm>> -> memref<6400xi32, #tpu.memory_space<hbm>>
      %dma_start3A_10 = tpu.memref_slice %arg2[%mul3A_2] : memref<204800xi32, #tpu.memory_space<hbm>> -> memref<6400xi32, #tpu.memory_space<hbm>>
      tpu.enqueue_dma source(%dma_start3A_10 : memref<6400xi32, #tpu.memory_space<hbm>>) target(%arg8 : memref<6400xi32, #tpu.memory_space<vmem>>) target_semaphore(%run_scoped3A : memref<!tpu.dma_semaphore, #tpu.memory_space<semaphore_mem>>)
      %dma_wait3A = tpu.memref_slice %arg2[%mul3A_2] : memref<204800xi32, #tpu.memory_space<hbm>> -> memref<6400xi32, #tpu.memory_space<hbm>>
      %dma_wait3A_11 = tpu.memref_slice %arg2[%mul3A_2] : memref<204800xi32, #tpu.memory_space<hbm>> -> memref<6400xi32, #tpu.memory_space<hbm>>
      tpu.wait_dma2 semaphore(%run_scoped3A : memref<!tpu.dma_semaphore, #tpu.memory_space<semaphore_mem>>) src(%dma_wait3A_11 : memref<6400xi32, #tpu.memory_space<hbm>>) dst(%arg8 : memref<6400xi32, #tpu.memory_space<vmem>>)
      tpu.yield
    }) : () -> ()
    %parallel_loop3A = arith.constant 0 : i32
    %parallel_loop3A_3 = arith.constant 400 : i32
    %parallel_loop3A_4 = arith.constant 1 : i32
    scf.for %parallel_loop3A_10 = %parallel_loop3A to %parallel_loop3A_3 step %parallel_loop3A_4  : i32 {
      %parallel_loop3A_11 = arith.constant 16 : i32
      %parallel_loop3A_12 = arith.muli %parallel_loop3A_10, %parallel_loop3A_11 : i32
      %parallel_loop3A_13 = tpu.iota {dimensions = array<i32: 0>} : vector<16xi32>
      %parallel_loop3A_14 = vector.broadcast %parallel_loop3A_12 : i32 to vector<16xi32>
      %parallel_loop3A_15 = arith.addi %parallel_loop3A_14, %parallel_loop3A_13 : vector<16xi32>
      %parallel_loop3A_16 = vector.broadcast %mul3A_2 : i32 to vector<16xi32>
      %parallel_loop3A_17 = arith.addi %parallel_loop3A_16, %parallel_loop3A_15 : vector<16xi32>
      %parallel_loop3A_18 = arith.constant 200 : i32
      %parallel_loop3A_19 = vector.broadcast %parallel_loop3A_18 : i32 to vector<16xi32>
      %parallel_loop3A_20 = arith.divsi %parallel_loop3A_17, %parallel_loop3A_19 : vector<16xi32>
      %parallel_loop3A_21 = arith.constant 0 : i32
      %parallel_loop3A_22 = vector.broadcast %parallel_loop3A_21 : i32 to vector<16xi32>
      %parallel_loop3A_23 = arith.cmpi sgt, %parallel_loop3A_17, %parallel_loop3A_22 : vector<16xi32>
      %parallel_loop3A_24 = arith.extui %parallel_loop3A_23 : vector<16xi1> to vector<16xi32>
      %parallel_loop3A_25 = arith.constant 0 : i32
      %parallel_loop3A_26 = vector.broadcast %parallel_loop3A_25 : i32 to vector<16xi32>
      %parallel_loop3A_27 = arith.cmpi slt, %parallel_loop3A_17, %parallel_loop3A_26 : vector<16xi32>
      %parallel_loop3A_28 = arith.extui %parallel_loop3A_27 : vector<16xi1> to vector<16xi32>
      %parallel_loop3A_29 = arith.subi %parallel_loop3A_24, %parallel_loop3A_28 : vector<16xi32>
      %parallel_loop3A_30 = arith.constant 0 : i32
      %parallel_loop3A_31 = arith.cmpi sgt, %parallel_loop3A_18, %parallel_loop3A_30 : i32
      %parallel_loop3A_32 = arith.extui %parallel_loop3A_31 : i1 to i32
      %parallel_loop3A_33 = arith.constant 0 : i32
      %parallel_loop3A_34 = arith.cmpi slt, %parallel_loop3A_18, %parallel_loop3A_33 : i32
      %parallel_loop3A_35 = arith.extui %parallel_loop3A_34 : i1 to i32
      %parallel_loop3A_36 = arith.subi %parallel_loop3A_32, %parallel_loop3A_35 : i32
      %parallel_loop3A_37 = vector.broadcast %parallel_loop3A_36 : i32 to vector<16xi32>
      %parallel_loop3A_38 = arith.cmpi ne, %parallel_loop3A_29, %parallel_loop3A_37 : vector<16xi32>
      %parallel_loop3A_39 = vector.broadcast %parallel_loop3A_18 : i32 to vector<16xi32>
      %parallel_loop3A_40 = arith.remsi %parallel_loop3A_17, %parallel_loop3A_39 : vector<16xi32>
      %parallel_loop3A_41 = arith.constant 0 : i32
      %parallel_loop3A_42 = vector.broadcast %parallel_loop3A_41 : i32 to vector<16xi32>
      %parallel_loop3A_43 = arith.cmpi ne, %parallel_loop3A_40, %parallel_loop3A_42 : vector<16xi32>
      %parallel_loop3A_44 = arith.andi %parallel_loop3A_38, %parallel_loop3A_43 : vector<16xi1>
      %parallel_loop3A_45 = arith.constant 1 : i32
      %parallel_loop3A_46 = vector.broadcast %parallel_loop3A_45 : i32 to vector<16xi32>
      %parallel_loop3A_47 = arith.subi %parallel_loop3A_20, %parallel_loop3A_46 : vector<16xi32>
      %parallel_loop3A_48 = arith.select %parallel_loop3A_44, %parallel_loop3A_47, %parallel_loop3A_20 : vector<16xi1>, vector<16xi32>
      %parallel_loop3A_49 = tpu.vector_load_idx %arg7[%parallel_loop3A_48] : memref<1024xi32, #tpu.memory_space<vmem>>[vector<16xi32>], vector<16xi32>,
      %parallel_loop3A_50 = arith.constant 200 : i32
      %parallel_loop3A_51 = vector.broadcast %parallel_loop3A_50 : i32 to vector<16xi32>
      %parallel_loop3A_52 = arith.muli %parallel_loop3A_49, %parallel_loop3A_51 : vector<16xi32>
      %parallel_loop3A_53 = arith.constant 200 : i32
      %parallel_loop3A_54 = arith.constant 0 : i32
      %parallel_loop3A_55 = arith.cmpi eq, %parallel_loop3A_53, %parallel_loop3A_54 : i32
      %parallel_loop3A_56 = arith.constant 1 : i32
      %parallel_loop3A_57 = arith.select %parallel_loop3A_55, %parallel_loop3A_56, %parallel_loop3A_53 : i32
      %parallel_loop3A_58 = vector.broadcast %parallel_loop3A_57 : i32 to vector<16xi32>
      %parallel_loop3A_59 = arith.remsi %parallel_loop3A_17, %parallel_loop3A_58 : vector<16xi32>
      %parallel_loop3A_60 = arith.constant 0 : i32
      %parallel_loop3A_61 = vector.broadcast %parallel_loop3A_60 : i32 to vector<16xi32>
      %parallel_loop3A_62 = arith.cmpi ne, %parallel_loop3A_59, %parallel_loop3A_61 : vector<16xi32>
      %parallel_loop3A_63 = arith.constant 0 : i32
      %parallel_loop3A_64 = vector.broadcast %parallel_loop3A_63 : i32 to vector<16xi32>
      %parallel_loop3A_65 = arith.cmpi slt, %parallel_loop3A_59, %parallel_loop3A_64 : vector<16xi32>
      %parallel_loop3A_66 = arith.constant 0 : i32
      %parallel_loop3A_67 = arith.cmpi slt, %parallel_loop3A_57, %parallel_loop3A_66 : i32
      %parallel_loop3A_68 = vector.broadcast %parallel_loop3A_67 : i1 to vector<16xi1>
      %parallel_loop3A_69 = vector.broadcast %parallel_loop3A_68 : vector<16xi1> to vector<16xi1>
      %parallel_loop3A_70 = arith.xori %parallel_loop3A_65, %parallel_loop3A_69 : vector<16xi1>
      %parallel_loop3A_71 = arith.andi %parallel_loop3A_70, %parallel_loop3A_62 : vector<16xi1>
      %parallel_loop3A_72 = vector.broadcast %parallel_loop3A_57 : i32 to vector<16xi32>
      %parallel_loop3A_73 = arith.addi %parallel_loop3A_59, %parallel_loop3A_72 : vector<16xi32>
      %parallel_loop3A_74 = arith.select %parallel_loop3A_71, %parallel_loop3A_73, %parallel_loop3A_59 : vector<16xi1>, vector<16xi32>
      %parallel_loop3A_75 = arith.addi %parallel_loop3A_52, %parallel_loop3A_74 : vector<16xi32>
      %parallel_loop3A_76 = arith.constant 16 : i32
      %parallel_loop3A_77 = arith.muli %parallel_loop3A_10, %parallel_loop3A_76 : i32
      %parallel_loop3A_78 = arith.index_cast %parallel_loop3A_77 : i32 to index
      %parallel_loop3A_79 = tpu.vector_load %arg9[%parallel_loop3A_78] {strides = array<i32>} : memref<6400xi32, #tpu.memory_space<vmem>>, vector<16xi32>,
      tpu.vector_store %arg9[%parallel_loop3A_78], %parallel_loop3A_75 {strides = array<i32>} : memref<6400xi32, #tpu.memory_space<vmem>>, vector<16xi32>,
      %parallel_loop3A_80 = tpu.vector_load_idx %arg8[%parallel_loop3A_15] : memref<6400xi32, #tpu.memory_space<vmem>>[vector<16xi32>], vector<16xi32>,
      %parallel_loop3A_81 = vector.broadcast %add3A : i32 to vector<16xi32>
      %parallel_loop3A_82 = arith.addi %parallel_loop3A_81, %parallel_loop3A_15 : vector<16xi32>
      %parallel_loop3A_83 = arith.constant 34 : i32
      %parallel_loop3A_84 = arith.constant 0 : i32
      %parallel_loop3A_85 = arith.cmpi eq, %parallel_loop3A_83, %parallel_loop3A_84 : i32
      %parallel_loop3A_86 = arith.constant 1 : i32
      %parallel_loop3A_87 = arith.select %parallel_loop3A_85, %parallel_loop3A_86, %parallel_loop3A_83 : i32
      %parallel_loop3A_88 = vector.broadcast %parallel_loop3A_87 : i32 to vector<16xi32>
      %parallel_loop3A_89 = arith.remsi %parallel_loop3A_82, %parallel_loop3A_88 : vector<16xi32>
      %parallel_loop3A_90 = arith.constant 0 : i32
      %parallel_loop3A_91 = vector.broadcast %parallel_loop3A_90 : i32 to vector<16xi32>
      %parallel_loop3A_92 = arith.cmpi ne, %parallel_loop3A_89, %parallel_loop3A_91 : vector<16xi32>
      %parallel_loop3A_93 = arith.constant 0 : i32
      %parallel_loop3A_94 = vector.broadcast %parallel_loop3A_93 : i32 to vector<16xi32>
      %parallel_loop3A_95 = arith.cmpi slt, %parallel_loop3A_89, %parallel_loop3A_94 : vector<16xi32>
      %parallel_loop3A_96 = arith.constant 0 : i32
      %parallel_loop3A_97 = arith.cmpi slt, %parallel_loop3A_87, %parallel_loop3A_96 : i32
      %parallel_loop3A_98 = vector.broadcast %parallel_loop3A_97 : i1 to vector<16xi1>
      %parallel_loop3A_99 = vector.broadcast %parallel_loop3A_98 : vector<16xi1> to vector<16xi1>
      %parallel_loop3A_100 = arith.xori %parallel_loop3A_95, %parallel_loop3A_99 : vector<16xi1>
      %parallel_loop3A_101 = arith.andi %parallel_loop3A_100, %parallel_loop3A_92 : vector<16xi1>
      %parallel_loop3A_102 = vector.broadcast %parallel_loop3A_87 : i32 to vector<16xi32>
      %parallel_loop3A_103 = arith.addi %parallel_loop3A_89, %parallel_loop3A_102 : vector<16xi32>
      %parallel_loop3A_104 = arith.select %parallel_loop3A_101, %parallel_loop3A_103, %parallel_loop3A_89 : vector<16xi1>, vector<16xi32>
      %parallel_loop3A_105 = arith.constant 65 : i32
      %parallel_loop3A_106 = vector.broadcast %parallel_loop3A_105 : i32 to vector<16xi32>
      %parallel_loop3A_107 = arith.muli %parallel_loop3A_104, %parallel_loop3A_106 : vector<16xi32>
      %parallel_loop3A_108 = arith.addi %parallel_loop3A_107, %parallel_loop3A_80 : vector<16xi32>
      %parallel_loop3A_109 = arith.constant 16 : i32
      %parallel_loop3A_110 = arith.muli %parallel_loop3A_10, %parallel_loop3A_109 : i32
      %parallel_loop3A_111 = arith.index_cast %parallel_loop3A_110 : i32 to index
      %parallel_loop3A_112 = tpu.vector_load %arg10[%parallel_loop3A_111] {strides = array<i32>} : memref<6400xi32, #tpu.memory_space<vmem>>, vector<16xi32>,
      tpu.vector_store %arg10[%parallel_loop3A_111], %parallel_loop3A_108 {strides = array<i32>} : memref<6400xi32, #tpu.memory_space<vmem>>, vector<16xi32>,
    } {sc.loop_unroll_factor = 4 : i64, sc.parallel_access}
    %scan3A = arith.constant 0 : i32
    %scan3A_5 = arith.constant 0 : i32
    %scan3A_6 = arith.constant 100 : i32
    %scan3A_7 = arith.addi %scan3A_5, %scan3A_6 : i32
    %scan3A_8 = arith.constant 1 : i32
    scf.for %scan3A_10 = %scan3A_5 to %scan3A_7 step %scan3A_8  : i32 {
      %mul3A_11 = arith.constant 2 : i32
      %mul3A_12 = arith.muli %mul3A_11, %scan3A_10 : i32
      %add3A_13 = arith.constant 0 : i32
      %add3A_14 = arith.addi %mul3A_12, %add3A_13 : i32
      %mul3A_15 = arith.constant 32 : i32
      %mul3A_16 = arith.muli %add3A_14, %mul3A_15 : i32
      %mul3A_17 = arith.constant 2 : i32
      %mul3A_18 = arith.muli %mul3A_17, %scan3A_10 : i32
      %add3A_19 = arith.constant 1 : i32
      %add3A_20 = arith.addi %mul3A_18, %add3A_19 : i32
      %mul3A_21 = arith.constant 32 : i32
      %mul3A_22 = arith.muli %add3A_20, %mul3A_21 : i32
      %dma_start3A = arith.constant 0 : i32
      %dma_start3A_23 = arith.constant 0 : i32
      %dma_start3A_24 = arith.constant 0 : i32
      %dma_start3A_25 = arith.constant 0 : i32
      %dma_start3A_26 = tpu.memref_slice %arg11[%dma_start3A, %dma_start3A_24, %dma_start3A_25] : memref<2x32x512xf32, #tpu.memory_space<vmem>> -> memref<1x32x512xf32, #tpu.memory_space<vmem>>
      %dma_start3A_27 = tpu.memref_squeeze %dma_start3A_26 : memref<1x32x512xf32, #tpu.memory_space<vmem>> -> memref<32x512xf32, #tpu.memory_space<vmem>>
      %dma_start3A_28 = tpu.memref_slice %arg9[%mul3A_16] : memref<6400xi32, #tpu.memory_space<vmem>> -> memref<32xi32, #tpu.memory_space<vmem>>
      %dma_start3A_29 = arith.constant 0 : i32
      %dma_start3A_30 = arith.constant 0 : i32
      %dma_start3A_31 = tpu.memref_slice %arg5[%dma_start3A_29, %dma_start3A_30] : memref<2200x512xf32, #tpu.memory_space<hbm>> -> memref<2200x512xf32, #tpu.memory_space<hbm>>
      %dma_start3A_32 = tpu.memref_slice %arg13[%dma_start3A_23] : memref<2x!tpu.dma_semaphore, #tpu.memory_space<semaphore_mem>> -> memref<1x!tpu.dma_semaphore, #tpu.memory_space<semaphore_mem>>
      %dma_start3A_33 = tpu.memref_squeeze %dma_start3A_32 : memref<1x!tpu.dma_semaphore, #tpu.memory_space<semaphore_mem>> -> memref<!tpu.dma_semaphore, #tpu.memory_space<semaphore_mem>>
      tpu.enqueue_indirect_dma source(%dma_start3A_31 : memref<2200x512xf32, #tpu.memory_space<hbm>>) target(%dma_start3A_27 : memref<32x512xf32, #tpu.memory_space<vmem>>) offsets(%dma_start3A_28 : memref<32xi32, #tpu.memory_space<vmem>>) semaphore(%dma_start3A_33 : memref<!tpu.dma_semaphore, #tpu.memory_space<semaphore_mem>>)
      %dma_start3A_34 = arith.constant 0 : i32
      %dma_start3A_35 = arith.constant 0 : i32
      %dma_start3A_36 = arith.constant 0 : i32
      %dma_start3A_37 = arith.constant 0 : i32
      %dma_start3A_38 = tpu.memref_slice %arg12[%dma_start3A_34, %dma_start3A_36, %dma_start3A_37] : memref<2x32x512xf32, #tpu.memory_space<vmem>> -> memref<1x32x512xf32, #tpu.memory_space<vmem>>
      %dma_start3A_39 = tpu.memref_squeeze %dma_start3A_38 : memref<1x32x512xf32, #tpu.memory_space<vmem>> -> memref<32x512xf32, #tpu.memory_space<vmem>>
      %dma_start3A_40 = tpu.memref_slice %arg10[%mul3A_16] : memref<6400xi32, #tpu.memory_space<vmem>> -> memref<32xi32, #tpu.memory_space<vmem>>
      %dma_start3A_41 = arith.constant 0 : i32
      %dma_start3A_42 = arith.constant 0 : i32
      %dma_start3A_43 = tpu.memref_slice %arg4[%dma_start3A_41, %dma_start3A_42] : memref<2210x512xf32, #tpu.memory_space<hbm>> -> memref<2210x512xf32, #tpu.memory_space<hbm>>
      %dma_start3A_44 = tpu.memref_slice %arg14[%dma_start3A_35] : memref<2x!tpu.dma_semaphore, #tpu.memory_space<semaphore_mem>> -> memref<1x!tpu.dma_semaphore, #tpu.memory_space<semaphore_mem>>
      %dma_start3A_45 = tpu.memref_squeeze %dma_start3A_44 : memref<1x!tpu.dma_semaphore, #tpu.memory_space<semaphore_mem>> -> memref<!tpu.dma_semaphore, #tpu.memory_space<semaphore_mem>>
      tpu.enqueue_indirect_dma source(%dma_start3A_43 : memref<2210x512xf32, #tpu.memory_space<hbm>>) target(%dma_start3A_39 : memref<32x512xf32, #tpu.memory_space<vmem>>) offsets(%dma_start3A_40 : memref<32xi32, #tpu.memory_space<vmem>>) semaphore(%dma_start3A_45 : memref<!tpu.dma_semaphore, #tpu.memory_space<semaphore_mem>>)
      %dma_start3A_46 = arith.constant 1 : i32
      %dma_start3A_47 = arith.constant 1 : i32
      %dma_start3A_48 = arith.constant 0 : i32
      %dma_start3A_49 = arith.constant 0 : i32
      %dma_start3A_50 = tpu.memref_slice %arg11[%dma_start3A_46, %dma_start3A_48, %dma_start3A_49] : memref<2x32x512xf32, #tpu.memory_space<vmem>> -> memref<1x32x512xf32, #tpu.memory_space<vmem>>
      %dma_start3A_51 = tpu.memref_squeeze %dma_start3A_50 : memref<1x32x512xf32, #tpu.memory_space<vmem>> -> memref<32x512xf32, #tpu.memory_space<vmem>>
      %dma_start3A_52 = tpu.memref_slice %arg9[%mul3A_22] : memref<6400xi32, #tpu.memory_space<vmem>> -> memref<32xi32, #tpu.memory_space<vmem>>
      %dma_start3A_53 = arith.constant 0 : i32
      %dma_start3A_54 = arith.constant 0 : i32
      %dma_start3A_55 = tpu.memref_slice %arg5[%dma_start3A_53, %dma_start3A_54] : memref<2200x512xf32, #tpu.memory_space<hbm>> -> memref<2200x512xf32, #tpu.memory_space<hbm>>
      %dma_start3A_56 = tpu.memref_slice %arg13[%dma_start3A_47] : memref<2x!tpu.dma_semaphore, #tpu.memory_space<semaphore_mem>> -> memref<1x!tpu.dma_semaphore, #tpu.memory_space<semaphore_mem>>
      %dma_start3A_57 = tpu.memref_squeeze %dma_start3A_56 : memref<1x!tpu.dma_semaphore, #tpu.memory_space<semaphore_mem>> -> memref<!tpu.dma_semaphore, #tpu.memory_space<semaphore_mem>>
      tpu.enqueue_indirect_dma source(%dma_start3A_55 : memref<2200x512xf32, #tpu.memory_space<hbm>>) target(%dma_start3A_51 : memref<32x512xf32, #tpu.memory_space<vmem>>) offsets(%dma_start3A_52 : memref<32xi32, #tpu.memory_space<vmem>>) semaphore(%dma_start3A_57 : memref<!tpu.dma_semaphore, #tpu.memory_space<semaphore_mem>>)
      %dma_start3A_58 = arith.constant 1 : i32
      %dma_start3A_59 = arith.constant 1 : i32
      %dma_start3A_60 = arith.constant 0 : i32
      %dma_start3A_61 = arith.constant 0 : i32
      %dma_start3A_62 = tpu.memref_slice %arg12[%dma_start3A_58, %dma_start3A_60, %dma_start3A_61] : memref<2x32x512xf32, #tpu.memory_space<vmem>> -> memref<1x32x512xf32, #tpu.memory_space<vmem>>
      %dma_start3A_63 = tpu.memref_squeeze %dma_start3A_62 : memref<1x32x512xf32, #tpu.memory_space<vmem>> -> memref<32x512xf32, #tpu.memory_space<vmem>>
      %dma_start3A_64 = tpu.memref_slice %arg10[%mul3A_22] : memref<6400xi32, #tpu.memory_space<vmem>> -> memref<32xi32, #tpu.memory_space<vmem>>
      %dma_start3A_65 = arith.constant 0 : i32
      %dma_start3A_66 = arith.constant 0 : i32
      %dma_start3A_67 = tpu.memref_slice %arg4[%dma_start3A_65, %dma_start3A_66] : memref<2210x512xf32, #tpu.memory_space<hbm>> -> memref<2210x512xf32, #tpu.memory_space<hbm>>
      %dma_start3A_68 = tpu.memref_slice %arg14[%dma_start3A_59] : memref<2x!tpu.dma_semaphore, #tpu.memory_space<semaphore_mem>> -> memref<1x!tpu.dma_semaphore, #tpu.memory_space<semaphore_mem>>
      %dma_start3A_69 = tpu.memref_squeeze %dma_start3A_68 : memref<1x!tpu.dma_semaphore, #tpu.memory_space<semaphore_mem>> -> memref<!tpu.dma_semaphore, #tpu.memory_space<semaphore_mem>>
      tpu.enqueue_indirect_dma source(%dma_start3A_67 : memref<2210x512xf32, #tpu.memory_space<hbm>>) target(%dma_start3A_63 : memref<32x512xf32, #tpu.memory_space<vmem>>) offsets(%dma_start3A_64 : memref<32xi32, #tpu.memory_space<vmem>>) semaphore(%dma_start3A_69 : memref<!tpu.dma_semaphore, #tpu.memory_space<semaphore_mem>>)
      %dma_wait3A = arith.constant 0 : i32
      %dma_wait3A_70 = arith.constant 0 : i32
      %dma_wait3A_71 = arith.constant 0 : i32
      %dma_wait3A_72 = arith.constant 0 : i32
      %dma_wait3A_73 = tpu.memref_slice %arg11[%dma_wait3A, %dma_wait3A_71, %dma_wait3A_72] : memref<2x32x512xf32, #tpu.memory_space<vmem>> -> memref<1x32x512xf32, #tpu.memory_space<vmem>>
      %dma_wait3A_74 = tpu.memref_squeeze %dma_wait3A_73 : memref<1x32x512xf32, #tpu.memory_space<vmem>> -> memref<32x512xf32, #tpu.memory_space<vmem>>
      %dma_wait3A_75 = tpu.memref_slice %arg9[%mul3A_16] : memref<6400xi32, #tpu.memory_space<vmem>> -> memref<32xi32, #tpu.memory_space<vmem>>
      %dma_wait3A_76 = arith.constant 0 : i32
      %dma_wait3A_77 = arith.constant 0 : i32
      %dma_wait3A_78 = tpu.memref_slice %arg5[%dma_wait3A_76, %dma_wait3A_77] : memref<2200x512xf32, #tpu.memory_space<hbm>> -> memref<2200x512xf32, #tpu.memory_space<hbm>>
      %dma_wait3A_79 = tpu.memref_slice %arg13[%dma_wait3A_70] : memref<2x!tpu.dma_semaphore, #tpu.memory_space<semaphore_mem>> -> memref<1x!tpu.dma_semaphore, #tpu.memory_space<semaphore_mem>>
      %dma_wait3A_80 = tpu.memref_squeeze %dma_wait3A_79 : memref<1x!tpu.dma_semaphore, #tpu.memory_space<semaphore_mem>> -> memref<!tpu.dma_semaphore, #tpu.memory_space<semaphore_mem>>
      tpu.wait_indirect_dma semaphore(%dma_wait3A_80 : memref<!tpu.dma_semaphore, #tpu.memory_space<semaphore_mem>>) src(%dma_wait3A_78 : memref<2200x512xf32, #tpu.memory_space<hbm>>) dst(%dma_wait3A_74 : memref<32x512xf32, #tpu.memory_space<vmem>>)
      %dma_wait3A_81 = arith.constant 0 : i32
      %dma_wait3A_82 = arith.constant 0 : i32
      %dma_wait3A_83 = arith.constant 0 : i32
      %dma_wait3A_84 = arith.constant 0 : i32
      %dma_wait3A_85 = tpu.memref_slice %arg12[%dma_wait3A_81, %dma_wait3A_83, %dma_wait3A_84] : memref<2x32x512xf32, #tpu.memory_space<vmem>> -> memref<1x32x512xf32, #tpu.memory_space<vmem>>
      %dma_wait3A_86 = tpu.memref_squeeze %dma_wait3A_85 : memref<1x32x512xf32, #tpu.memory_space<vmem>> -> memref<32x512xf32, #tpu.memory_space<vmem>>
      %dma_wait3A_87 = tpu.memref_slice %arg10[%mul3A_16] : memref<6400xi32, #tpu.memory_space<vmem>> -> memref<32xi32, #tpu.memory_space<vmem>>
      %dma_wait3A_88 = arith.constant 0 : i32
      %dma_wait3A_89 = arith.constant 0 : i32
      %dma_wait3A_90 = tpu.memref_slice %arg4[%dma_wait3A_88, %dma_wait3A_89] : memref<2210x512xf32, #tpu.memory_space<hbm>> -> memref<2210x512xf32, #tpu.memory_space<hbm>>
      %dma_wait3A_91 = tpu.memref_slice %arg14[%dma_wait3A_82] : memref<2x!tpu.dma_semaphore, #tpu.memory_space<semaphore_mem>> -> memref<1x!tpu.dma_semaphore, #tpu.memory_space<semaphore_mem>>
      %dma_wait3A_92 = tpu.memref_squeeze %dma_wait3A_91 : memref<1x!tpu.dma_semaphore, #tpu.memory_space<semaphore_mem>> -> memref<!tpu.dma_semaphore, #tpu.memory_space<semaphore_mem>>
      tpu.wait_indirect_dma semaphore(%dma_wait3A_92 : memref<!tpu.dma_semaphore, #tpu.memory_space<semaphore_mem>>) src(%dma_wait3A_90 : memref<2210x512xf32, #tpu.memory_space<hbm>>) dst(%dma_wait3A_86 : memref<32x512xf32, #tpu.memory_space<vmem>>)
      %parallel_loop3A_93 = arith.constant 0 : i32
      %parallel_loop3A_94 = arith.constant 32 : i32
      %parallel_loop3A_95 = arith.constant 1 : i32
      scf.for %parallel_loop3A_189 = %parallel_loop3A_93 to %parallel_loop3A_94 step %parallel_loop3A_95  : i32 {
        %parallel_loop3A_190 = arith.constant 0 : i32
        %parallel_loop3A_191 = arith.index_cast %parallel_loop3A_190 : i32 to index
        %parallel_loop3A_192 = arith.index_cast %parallel_loop3A_189 : i32 to index
        %parallel_loop3A_193 = arith.constant 0 : index
        %parallel_loop3A_194 = tpu.vector_load %arg12[%parallel_loop3A_191, %parallel_loop3A_192, %parallel_loop3A_193] {strides = array<i32>} : memref<2x32x512xf32, #tpu.memory_space<vmem>>, vector<16xf32>,
        %parallel_loop3A_195 = arith.constant 0 : i32
        %parallel_loop3A_196 = arith.index_cast %parallel_loop3A_195 : i32 to index
        %parallel_loop3A_197 = arith.index_cast %parallel_loop3A_189 : i32 to index
        %parallel_loop3A_198 = arith.constant 0 : index
        %parallel_loop3A_199 = tpu.vector_load %arg11[%parallel_loop3A_196, %parallel_loop3A_197, %parallel_loop3A_198] {strides = array<i32>} : memref<2x32x512xf32, #tpu.memory_space<vmem>>, vector<16xf32>,
        tpu.vector_store %arg11[%parallel_loop3A_196, %parallel_loop3A_197, %parallel_loop3A_198], %parallel_loop3A_194 {add = true, strides = array<i32>} : memref<2x32x512xf32, #tpu.memory_space<vmem>>, vector<16xf32>,
        %parallel_loop3A_200 = arith.constant 0 : i32
        %parallel_loop3A_201 = arith.index_cast %parallel_loop3A_200 : i32 to index
        %parallel_loop3A_202 = arith.index_cast %parallel_loop3A_189 : i32 to index
        %parallel_loop3A_203 = arith.constant 16 : index
        %parallel_loop3A_204 = tpu.vector_load %arg12[%parallel_loop3A_201, %parallel_loop3A_202, %parallel_loop3A_203] {strides = array<i32>} : memref<2x32x512xf32, #tpu.memory_space<vmem>>, vector<16xf32>,
        %parallel_loop3A_205 = arith.constant 0 : i32
        %parallel_loop3A_206 = arith.index_cast %parallel_loop3A_205 : i32 to index
        %parallel_loop3A_207 = arith.index_cast %parallel_loop3A_189 : i32 to index
        %parallel_loop3A_208 = arith.constant 16 : index
        %parallel_loop3A_209 = tpu.vector_load %arg11[%parallel_loop3A_206, %parallel_loop3A_207, %parallel_loop3A_208] {strides = array<i32>} : memref<2x32x512xf32, #tpu.memory_space<vmem>>, vector<16xf32>,
        tpu.vector_store %arg11[%parallel_loop3A_206, %parallel_loop3A_207, %parallel_loop3A_208], %parallel_loop3A_204 {add = true, strides = array<i32>} : memref<2x32x512xf32, #tpu.memory_space<vmem>>, vector<16xf32>,
        %parallel_loop3A_210 = arith.constant 0 : i32
        %parallel_loop3A_211 = arith.index_cast %parallel_loop3A_210 : i32 to index
        %parallel_loop3A_212 = arith.index_cast %parallel_loop3A_189 : i32 to index
        %parallel_loop3A_213 = arith.constant 32 : index
        %parallel_loop3A_214 = tpu.vector_load %arg12[%parallel_loop3A_211, %parallel_loop3A_212, %parallel_loop3A_213] {strides = array<i32>} : memref<2x32x512xf32, #tpu.memory_space<vmem>>, vector<16xf32>,
        %parallel_loop3A_215 = arith.constant 0 : i32
        %parallel_loop3A_216 = arith.index_cast %parallel_loop3A_215 : i32 to index
        %parallel_loop3A_217 = arith.index_cast %parallel_loop3A_189 : i32 to index
        %parallel_loop3A_218 = arith.constant 32 : index
        %parallel_loop3A_219 = tpu.vector_load %arg11[%parallel_loop3A_216, %parallel_loop3A_217, %parallel_loop3A_218] {strides = array<i32>} : memref<2x32x512xf32, #tpu.memory_space<vmem>>, vector<16xf32>,
        tpu.vector_store %arg11[%parallel_loop3A_216, %parallel_loop3A_217, %parallel_loop3A_218], %parallel_loop3A_214 {add = true, strides = array<i32>} : memref<2x32x512xf32, #tpu.memory_space<vmem>>, vector<16xf32>,
        %parallel_loop3A_220 = arith.constant 0 : i32
        %parallel_loop3A_221 = arith.index_cast %parallel_loop3A_220 : i32 to index
        %parallel_loop3A_222 = arith.index_cast %parallel_loop3A_189 : i32 to index
        %parallel_loop3A_223 = arith.constant 48 : index
        %parallel_loop3A_224 = tpu.vector_load %arg12[%parallel_loop3A_221, %parallel_loop3A_222, %parallel_loop3A_223] {strides = array<i32>} : memref<2x32x512xf32, #tpu.memory_space<vmem>>, vector<16xf32>,
        %parallel_loop3A_225 = arith.constant 0 : i32
        %parallel_loop3A_226 = arith.index_cast %parallel_loop3A_225 : i32 to index
        %parallel_loop3A_227 = arith.index_cast %parallel_loop3A_189 : i32 to index
        %parallel_loop3A_228 = arith.constant 48 : index
        %parallel_loop3A_229 = tpu.vector_load %arg11[%parallel_loop3A_226, %parallel_loop3A_227, %parallel_loop3A_228] {strides = array<i32>} : memref<2x32x512xf32, #tpu.memory_space<vmem>>, vector<16xf32>,
        tpu.vector_store %arg11[%parallel_loop3A_226, %parallel_loop3A_227, %parallel_loop3A_228], %parallel_loop3A_224 {add = true, strides = array<i32>} : memref<2x32x512xf32, #tpu.memory_space<vmem>>, vector<16xf32>,
        %parallel_loop3A_230 = arith.constant 0 : i32
        %parallel_loop3A_231 = arith.index_cast %parallel_loop3A_230 : i32 to index
        %parallel_loop3A_232 = arith.index_cast %parallel_loop3A_189 : i32 to index
        %parallel_loop3A_233 = arith.constant 64 : index
        %parallel_loop3A_234 = tpu.vector_load %arg12[%parallel_loop3A_231, %parallel_loop3A_232, %parallel_loop3A_233] {strides = array<i32>} : memref<2x32x512xf32, #tpu.memory_space<vmem>>, vector<16xf32>,
        %parallel_loop3A_235 = arith.constant 0 : i32
        %parallel_loop3A_236 = arith.index_cast %parallel_loop3A_235 : i32 to index
        %parallel_loop3A_237 = arith.index_cast %parallel_loop3A_189 : i32 to index
        %parallel_loop3A_238 = arith.constant 64 : index
        %parallel_loop3A_239 = tpu.vector_load %arg11[%parallel_loop3A_236, %parallel_loop3A_237, %parallel_loop3A_238] {strides = array<i32>} : memref<2x32x512xf32, #tpu.memory_space<vmem>>, vector<16xf32>,
        tpu.vector_store %arg11[%parallel_loop3A_236, %parallel_loop3A_237, %parallel_loop3A_238], %parallel_loop3A_234 {add = true, strides = array<i32>} : memref<2x32x512xf32, #tpu.memory_space<vmem>>, vector<16xf32>,
        %parallel_loop3A_240 = arith.constant 0 : i32
        %parallel_loop3A_241 = arith.index_cast %parallel_loop3A_240 : i32 to index
        %parallel_loop3A_242 = arith.index_cast %parallel_loop3A_189 : i32 to index
        %parallel_loop3A_243 = arith.constant 80 : index
        %parallel_loop3A_244 = tpu.vector_load %arg12[%parallel_loop3A_241, %parallel_loop3A_242, %parallel_loop3A_243] {strides = array<i32>} : memref<2x32x512xf32, #tpu.memory_space<vmem>>, vector<16xf32>,
        %parallel_loop3A_245 = arith.constant 0 : i32
        %parallel_loop3A_246 = arith.index_cast %parallel_loop3A_245 : i32 to index
        %parallel_loop3A_247 = arith.index_cast %parallel_loop3A_189 : i32 to index
        %parallel_loop3A_248 = arith.constant 80 : index
        %parallel_loop3A_249 = tpu.vector_load %arg11[%parallel_loop3A_246, %parallel_loop3A_247, %parallel_loop3A_248] {strides = array<i32>} : memref<2x32x512xf32, #tpu.memory_space<vmem>>, vector<16xf32>,
        tpu.vector_store %arg11[%parallel_loop3A_246, %parallel_loop3A_247, %parallel_loop3A_248], %parallel_loop3A_244 {add = true, strides = array<i32>} : memref<2x32x512xf32, #tpu.memory_space<vmem>>, vector<16xf32>,
        %parallel_loop3A_250 = arith.constant 0 : i32
        %parallel_loop3A_251 = arith.index_cast %parallel_loop3A_250 : i32 to index
        %parallel_loop3A_252 = arith.index_cast %parallel_loop3A_189 : i32 to index
        %parallel_loop3A_253 = arith.constant 96 : index
        %parallel_loop3A_254 = tpu.vector_load %arg12[%parallel_loop3A_251, %parallel_loop3A_252, %parallel_loop3A_253] {strides = array<i32>} : memref<2x32x512xf32, #tpu.memory_space<vmem>>, vector<16xf32>,
        %parallel_loop3A_255 = arith.constant 0 : i32
        %parallel_loop3A_256 = arith.index_cast %parallel_loop3A_255 : i32 to index
        %parallel_loop3A_257 = arith.index_cast %parallel_loop3A_189 : i32 to index
        %parallel_loop3A_258 = arith.constant 96 : index
        %parallel_loop3A_259 = tpu.vector_load %arg11[%parallel_loop3A_256, %parallel_loop3A_257, %parallel_loop3A_258] {strides = array<i32>} : memref<2x32x512xf32, #tpu.memory_space<vmem>>, vector<16xf32>,
        tpu.vector_store %arg11[%parallel_loop3A_256, %parallel_loop3A_257, %parallel_loop3A_258], %parallel_loop3A_254 {add = true, strides = array<i32>} : memref<2x32x512xf32, #tpu.memory_space<vmem>>, vector<16xf32>,
        %parallel_loop3A_260 = arith.constant 0 : i32
        %parallel_loop3A_261 = arith.index_cast %parallel_loop3A_260 : i32 to index
        %parallel_loop3A_262 = arith.index_cast %parallel_loop3A_189 : i32 to index
        %parallel_loop3A_263 = arith.constant 112 : index
        %parallel_loop3A_264 = tpu.vector_load %arg12[%parallel_loop3A_261, %parallel_loop3A_262, %parallel_loop3A_263] {strides = array<i32>} : memref<2x32x512xf32, #tpu.memory_space<vmem>>, vector<16xf32>,
        %parallel_loop3A_265 = arith.constant 0 : i32
        %parallel_loop3A_266 = arith.index_cast %parallel_loop3A_265 : i32 to index
        %parallel_loop3A_267 = arith.index_cast %parallel_loop3A_189 : i32 to index
        %parallel_loop3A_268 = arith.constant 112 : index
        %parallel_loop3A_269 = tpu.vector_load %arg11[%parallel_loop3A_266, %parallel_loop3A_267, %parallel_loop3A_268] {strides = array<i32>} : memref<2x32x512xf32, #tpu.memory_space<vmem>>, vector<16xf32>,
        tpu.vector_store %arg11[%parallel_loop3A_266, %parallel_loop3A_267, %parallel_loop3A_268], %parallel_loop3A_264 {add = true, strides = array<i32>} : memref<2x32x512xf32, #tpu.memory_space<vmem>>, vector<16xf32>,
        %parallel_loop3A_270 = arith.constant 0 : i32
        %parallel_loop3A_271 = arith.index_cast %parallel_loop3A_270 : i32 to index
        %parallel_loop3A_272 = arith.index_cast %parallel_loop3A_189 : i32 to index
        %parallel_loop3A_273 = arith.constant 128 : index
        %parallel_loop3A_274 = tpu.vector_load %arg12[%parallel_loop3A_271, %parallel_loop3A_272, %parallel_loop3A_273] {strides = array<i32>} : memref<2x32x512xf32, #tpu.memory_space<vmem>>, vector<16xf32>,
        %parallel_loop3A_275 = arith.constant 0 : i32
        %parallel_loop3A_276 = arith.index_cast %parallel_loop3A_275 : i32 to index
        %parallel_loop3A_277 = arith.index_cast %parallel_loop3A_189 : i32 to index
        %parallel_loop3A_278 = arith.constant 128 : index
        %parallel_loop3A_279 = tpu.vector_load %arg11[%parallel_loop3A_276, %parallel_loop3A_277, %parallel_loop3A_278] {strides = array<i32>} : memref<2x32x512xf32, #tpu.memory_space<vmem>>, vector<16xf32>,
        tpu.vector_store %arg11[%parallel_loop3A_276, %parallel_loop3A_277, %parallel_loop3A_278], %parallel_loop3A_274 {add = true, strides = array<i32>} : memref<2x32x512xf32, #tpu.memory_space<vmem>>, vector<16xf32>,
        %parallel_loop3A_280 = arith.constant 0 : i32
        %parallel_loop3A_281 = arith.index_cast %parallel_loop3A_280 : i32 to index
        %parallel_loop3A_282 = arith.index_cast %parallel_loop3A_189 : i32 to index
        %parallel_loop3A_283 = arith.constant 144 : index
        %parallel_loop3A_284 = tpu.vector_load %arg12[%parallel_loop3A_281, %parallel_loop3A_282, %parallel_loop3A_283] {strides = array<i32>} : memref<2x32x512xf32, #tpu.memory_space<vmem>>, vector<16xf32>,
        %parallel_loop3A_285 = arith.constant 0 : i32
        %parallel_loop3A_286 = arith.index_cast %parallel_loop3A_285 : i32 to index
        %parallel_loop3A_287 = arith.index_cast %parallel_loop3A_189 : i32 to index
        %parallel_loop3A_288 = arith.constant 144 : index
        %parallel_loop3A_289 = tpu.vector_load %arg11[%parallel_loop3A_286, %parallel_loop3A_287, %parallel_loop3A_288] {strides = array<i32>} : memref<2x32x512xf32, #tpu.memory_space<vmem>>, vector<16xf32>,
        tpu.vector_store %arg11[%parallel_loop3A_286, %parallel_loop3A_287, %parallel_loop3A_288], %parallel_loop3A_284 {add = true, strides = array<i32>} : memref<2x32x512xf32, #tpu.memory_space<vmem>>, vector<16xf32>,
        %parallel_loop3A_290 = arith.constant 0 : i32
        %parallel_loop3A_291 = arith.index_cast %parallel_loop3A_290 : i32 to index
        %parallel_loop3A_292 = arith.index_cast %parallel_loop3A_189 : i32 to index
        %parallel_loop3A_293 = arith.constant 160 : index
        %parallel_loop3A_294 = tpu.vector_load %arg12[%parallel_loop3A_291, %parallel_loop3A_292, %parallel_loop3A_293] {strides = array<i32>} : memref<2x32x512xf32, #tpu.memory_space<vmem>>, vector<16xf32>,
        %parallel_loop3A_295 = arith.constant 0 : i32
        %parallel_loop3A_296 = arith.index_cast %parallel_loop3A_295 : i32 to index
        %parallel_loop3A_297 = arith.index_cast %parallel_loop3A_189 : i32 to index
        %parallel_loop3A_298 = arith.constant 160 : index
        %parallel_loop3A_299 = tpu.vector_load %arg11[%parallel_loop3A_296, %parallel_loop3A_297, %parallel_loop3A_298] {strides = array<i32>} : memref<2x32x512xf32, #tpu.memory_space<vmem>>, vector<16xf32>,
        tpu.vector_store %arg11[%parallel_loop3A_296, %parallel_loop3A_297, %parallel_loop3A_298], %parallel_loop3A_294 {add = true, strides = array<i32>} : memref<2x32x512xf32, #tpu.memory_space<vmem>>, vector<16xf32>,
        %parallel_loop3A_300 = arith.constant 0 : i32
        %parallel_loop3A_301 = arith.index_cast %parallel_loop3A_300 : i32 to index
        %parallel_loop3A_302 = arith.index_cast %parallel_loop3A_189 : i32 to index
        %parallel_loop3A_303 = arith.constant 176 : index
        %parallel_loop3A_304 = tpu.vector_load %arg12[%parallel_loop3A_301, %parallel_loop3A_302, %parallel_loop3A_303] {strides = array<i32>} : memref<2x32x512xf32, #tpu.memory_space<vmem>>, vector<16xf32>,
        %parallel_loop3A_305 = arith.constant 0 : i32
        %parallel_loop3A_306 = arith.index_cast %parallel_loop3A_305 : i32 to index
        %parallel_loop3A_307 = arith.index_cast %parallel_loop3A_189 : i32 to index
        %parallel_loop3A_308 = arith.constant 176 : index
        %parallel_loop3A_309 = tpu.vector_load %arg11[%parallel_loop3A_306, %parallel_loop3A_307, %parallel_loop3A_308] {strides = array<i32>} : memref<2x32x512xf32, #tpu.memory_space<vmem>>, vector<16xf32>,
        tpu.vector_store %arg11[%parallel_loop3A_306, %parallel_loop3A_307, %parallel_loop3A_308], %parallel_loop3A_304 {add = true, strides = array<i32>} : memref<2x32x512xf32, #tpu.memory_space<vmem>>, vector<16xf32>,
        %parallel_loop3A_310 = arith.constant 0 : i32
        %parallel_loop3A_311 = arith.index_cast %parallel_loop3A_310 : i32 to index
        %parallel_loop3A_312 = arith.index_cast %parallel_loop3A_189 : i32 to index
        %parallel_loop3A_313 = arith.constant 192 : index
        %parallel_loop3A_314 = tpu.vector_load %arg12[%parallel_loop3A_311, %parallel_loop3A_312, %parallel_loop3A_313] {strides = array<i32>} : memref<2x32x512xf32, #tpu.memory_space<vmem>>, vector<16xf32>,
        %parallel_loop3A_315 = arith.constant 0 : i32
        %parallel_loop3A_316 = arith.index_cast %parallel_loop3A_315 : i32 to index
        %parallel_loop3A_317 = arith.index_cast %parallel_loop3A_189 : i32 to index
        %parallel_loop3A_318 = arith.constant 192 : index
        %parallel_loop3A_319 = tpu.vector_load %arg11[%parallel_loop3A_316, %parallel_loop3A_317, %parallel_loop3A_318] {strides = array<i32>} : memref<2x32x512xf32, #tpu.memory_space<vmem>>, vector<16xf32>,
        tpu.vector_store %arg11[%parallel_loop3A_316, %parallel_loop3A_317, %parallel_loop3A_318], %parallel_loop3A_314 {add = true, strides = array<i32>} : memref<2x32x512xf32, #tpu.memory_space<vmem>>, vector<16xf32>,
        %parallel_loop3A_320 = arith.constant 0 : i32
        %parallel_loop3A_321 = arith.index_cast %parallel_loop3A_320 : i32 to index
        %parallel_loop3A_322 = arith.index_cast %parallel_loop3A_189 : i32 to index
        %parallel_loop3A_323 = arith.constant 208 : index
        %parallel_loop3A_324 = tpu.vector_load %arg12[%parallel_loop3A_321, %parallel_loop3A_322, %parallel_loop3A_323] {strides = array<i32>} : memref<2x32x512xf32, #tpu.memory_space<vmem>>, vector<16xf32>,
        %parallel_loop3A_325 = arith.constant 0 : i32
        %parallel_loop3A_326 = arith.index_cast %parallel_loop3A_325 : i32 to index
        %parallel_loop3A_327 = arith.index_cast %parallel_loop3A_189 : i32 to index
        %parallel_loop3A_328 = arith.constant 208 : index
        %parallel_loop3A_329 = tpu.vector_load %arg11[%parallel_loop3A_326, %parallel_loop3A_327, %parallel_loop3A_328] {strides = array<i32>} : memref<2x32x512xf32, #tpu.memory_space<vmem>>, vector<16xf32>,
        tpu.vector_store %arg11[%parallel_loop3A_326, %parallel_loop3A_327, %parallel_loop3A_328], %parallel_loop3A_324 {add = true, strides = array<i32>} : memref<2x32x512xf32, #tpu.memory_space<vmem>>, vector<16xf32>,
        %parallel_loop3A_330 = arith.constant 0 : i32
        %parallel_loop3A_331 = arith.index_cast %parallel_loop3A_330 : i32 to index
        %parallel_loop3A_332 = arith.index_cast %parallel_loop3A_189 : i32 to index
        %parallel_loop3A_333 = arith.constant 224 : index
        %parallel_loop3A_334 = tpu.vector_load %arg12[%parallel_loop3A_331, %parallel_loop3A_332, %parallel_loop3A_333] {strides = array<i32>} : memref<2x32x512xf32, #tpu.memory_space<vmem>>, vector<16xf32>,
        %parallel_loop3A_335 = arith.constant 0 : i32
        %parallel_loop3A_336 = arith.index_cast %parallel_loop3A_335 : i32 to index
        %parallel_loop3A_337 = arith.index_cast %parallel_loop3A_189 : i32 to index
        %parallel_loop3A_338 = arith.constant 224 : index
        %parallel_loop3A_339 = tpu.vector_load %arg11[%parallel_loop3A_336, %parallel_loop3A_337, %parallel_loop3A_338] {strides = array<i32>} : memref<2x32x512xf32, #tpu.memory_space<vmem>>, vector<16xf32>,
        tpu.vector_store %arg11[%parallel_loop3A_336, %parallel_loop3A_337, %parallel_loop3A_338], %parallel_loop3A_334 {add = true, strides = array<i32>} : memref<2x32x512xf32, #tpu.memory_space<vmem>>, vector<16xf32>,
        %parallel_loop3A_340 = arith.constant 0 : i32
        %parallel_loop3A_341 = arith.index_cast %parallel_loop3A_340 : i32 to index
        %parallel_loop3A_342 = arith.index_cast %parallel_loop3A_189 : i32 to index
        %parallel_loop3A_343 = arith.constant 240 : index
        %parallel_loop3A_344 = tpu.vector_load %arg12[%parallel_loop3A_341, %parallel_loop3A_342, %parallel_loop3A_343] {strides = array<i32>} : memref<2x32x512xf32, #tpu.memory_space<vmem>>, vector<16xf32>,
        %parallel_loop3A_345 = arith.constant 0 : i32
        %parallel_loop3A_346 = arith.index_cast %parallel_loop3A_345 : i32 to index
        %parallel_loop3A_347 = arith.index_cast %parallel_loop3A_189 : i32 to index
        %parallel_loop3A_348 = arith.constant 240 : index
        %parallel_loop3A_349 = tpu.vector_load %arg11[%parallel_loop3A_346, %parallel_loop3A_347, %parallel_loop3A_348] {strides = array<i32>} : memref<2x32x512xf32, #tpu.memory_space<vmem>>, vector<16xf32>,
        tpu.vector_store %arg11[%parallel_loop3A_346, %parallel_loop3A_347, %parallel_loop3A_348], %parallel_loop3A_344 {add = true, strides = array<i32>} : memref<2x32x512xf32, #tpu.memory_space<vmem>>, vector<16xf32>,
        %parallel_loop3A_350 = arith.constant 0 : i32
        %parallel_loop3A_351 = arith.index_cast %parallel_loop3A_350 : i32 to index
        %parallel_loop3A_352 = arith.index_cast %parallel_loop3A_189 : i32 to index
        %parallel_loop3A_353 = arith.constant 256 : index
        %parallel_loop3A_354 = tpu.vector_load %arg12[%parallel_loop3A_351, %parallel_loop3A_352, %parallel_loop3A_353] {strides = array<i32>} : memref<2x32x512xf32, #tpu.memory_space<vmem>>, vector<16xf32>,
        %parallel_loop3A_355 = arith.constant 0 : i32
        %parallel_loop3A_356 = arith.index_cast %parallel_loop3A_355 : i32 to index
        %parallel_loop3A_357 = arith.index_cast %parallel_loop3A_189 : i32 to index
        %parallel_loop3A_358 = arith.constant 256 : index
        %parallel_loop3A_359 = tpu.vector_load %arg11[%parallel_loop3A_356, %parallel_loop3A_357, %parallel_loop3A_358] {strides = array<i32>} : memref<2x32x512xf32, #tpu.memory_space<vmem>>, vector<16xf32>,
        tpu.vector_store %arg11[%parallel_loop3A_356, %parallel_loop3A_357, %parallel_loop3A_358], %parallel_loop3A_354 {add = true, strides = array<i32>} : memref<2x32x512xf32, #tpu.memory_space<vmem>>, vector<16xf32>,
        %parallel_loop3A_360 = arith.constant 0 : i32
        %parallel_loop3A_361 = arith.index_cast %parallel_loop3A_360 : i32 to index
        %parallel_loop3A_362 = arith.index_cast %parallel_loop3A_189 : i32 to index
        %parallel_loop3A_363 = arith.constant 272 : index
        %parallel_loop3A_364 = tpu.vector_load %arg12[%parallel_loop3A_361, %parallel_loop3A_362, %parallel_loop3A_363] {strides = array<i32>} : memref<2x32x512xf32, #tpu.memory_space<vmem>>, vector<16xf32>,
        %parallel_loop3A_365 = arith.constant 0 : i32
        %parallel_loop3A_366 = arith.index_cast %parallel_loop3A_365 : i32 to index
        %parallel_loop3A_367 = arith.index_cast %parallel_loop3A_189 : i32 to index
        %parallel_loop3A_368 = arith.constant 272 : index
        %parallel_loop3A_369 = tpu.vector_load %arg11[%parallel_loop3A_366, %parallel_loop3A_367, %parallel_loop3A_368] {strides = array<i32>} : memref<2x32x512xf32, #tpu.memory_space<vmem>>, vector<16xf32>,
        tpu.vector_store %arg11[%parallel_loop3A_366, %parallel_loop3A_367, %parallel_loop3A_368], %parallel_loop3A_364 {add = true, strides = array<i32>} : memref<2x32x512xf32, #tpu.memory_space<vmem>>, vector<16xf32>,
        %parallel_loop3A_370 = arith.constant 0 : i32
        %parallel_loop3A_371 = arith.index_cast %parallel_loop3A_370 : i32 to index
        %parallel_loop3A_372 = arith.index_cast %parallel_loop3A_189 : i32 to index
        %parallel_loop3A_373 = arith.constant 288 : index
        %parallel_loop3A_374 = tpu.vector_load %arg12[%parallel_loop3A_371, %parallel_loop3A_372, %parallel_loop3A_373] {strides = array<i32>} : memref<2x32x512xf32, #tpu.memory_space<vmem>>, vector<16xf32>,
        %parallel_loop3A_375 = arith.constant 0 : i32
        %parallel_loop3A_376 = arith.index_cast %parallel_loop3A_375 : i32 to index
        %parallel_loop3A_377 = arith.index_cast %parallel_loop3A_189 : i32 to index
        %parallel_loop3A_378 = arith.constant 288 : index
        %parallel_loop3A_379 = tpu.vector_load %arg11[%parallel_loop3A_376, %parallel_loop3A_377, %parallel_loop3A_378] {strides = array<i32>} : memref<2x32x512xf32, #tpu.memory_space<vmem>>, vector<16xf32>,
        tpu.vector_store %arg11[%parallel_loop3A_376, %parallel_loop3A_377, %parallel_loop3A_378], %parallel_loop3A_374 {add = true, strides = array<i32>} : memref<2x32x512xf32, #tpu.memory_space<vmem>>, vector<16xf32>,
        %parallel_loop3A_380 = arith.constant 0 : i32
        %parallel_loop3A_381 = arith.index_cast %parallel_loop3A_380 : i32 to index
        %parallel_loop3A_382 = arith.index_cast %parallel_loop3A_189 : i32 to index
        %parallel_loop3A_383 = arith.constant 304 : index
        %parallel_loop3A_384 = tpu.vector_load %arg12[%parallel_loop3A_381, %parallel_loop3A_382, %parallel_loop3A_383] {strides = array<i32>} : memref<2x32x512xf32, #tpu.memory_space<vmem>>, vector<16xf32>,
        %parallel_loop3A_385 = arith.constant 0 : i32
        %parallel_loop3A_386 = arith.index_cast %parallel_loop3A_385 : i32 to index
        %parallel_loop3A_387 = arith.index_cast %parallel_loop3A_189 : i32 to index
        %parallel_loop3A_388 = arith.constant 304 : index
        %parallel_loop3A_389 = tpu.vector_load %arg11[%parallel_loop3A_386, %parallel_loop3A_387, %parallel_loop3A_388] {strides = array<i32>} : memref<2x32x512xf32, #tpu.memory_space<vmem>>, vector<16xf32>,
        tpu.vector_store %arg11[%parallel_loop3A_386, %parallel_loop3A_387, %parallel_loop3A_388], %parallel_loop3A_384 {add = true, strides = array<i32>} : memref<2x32x512xf32, #tpu.memory_space<vmem>>, vector<16xf32>,
        %parallel_loop3A_390 = arith.constant 0 : i32
        %parallel_loop3A_391 = arith.index_cast %parallel_loop3A_390 : i32 to index
        %parallel_loop3A_392 = arith.index_cast %parallel_loop3A_189 : i32 to index
        %parallel_loop3A_393 = arith.constant 320 : index
        %parallel_loop3A_394 = tpu.vector_load %arg12[%parallel_loop3A_391, %parallel_loop3A_392, %parallel_loop3A_393] {strides = array<i32>} : memref<2x32x512xf32, #tpu.memory_space<vmem>>, vector<16xf32>,
        %parallel_loop3A_395 = arith.constant 0 : i32
        %parallel_loop3A_396 = arith.index_cast %parallel_loop3A_395 : i32 to index
        %parallel_loop3A_397 = arith.index_cast %parallel_loop3A_189 : i32 to index
        %parallel_loop3A_398 = arith.constant 320 : index
        %parallel_loop3A_399 = tpu.vector_load %arg11[%parallel_loop3A_396, %parallel_loop3A_397, %parallel_loop3A_398] {strides = array<i32>} : memref<2x32x512xf32, #tpu.memory_space<vmem>>, vector<16xf32>,
        tpu.vector_store %arg11[%parallel_loop3A_396, %parallel_loop3A_397, %parallel_loop3A_398], %parallel_loop3A_394 {add = true, strides = array<i32>} : memref<2x32x512xf32, #tpu.memory_space<vmem>>, vector<16xf32>,
        %parallel_loop3A_400 = arith.constant 0 : i32
        %parallel_loop3A_401 = arith.index_cast %parallel_loop3A_400 : i32 to index
        %parallel_loop3A_402 = arith.index_cast %parallel_loop3A_189 : i32 to index
        %parallel_loop3A_403 = arith.constant 336 : index
        %parallel_loop3A_404 = tpu.vector_load %arg12[%parallel_loop3A_401, %parallel_loop3A_402, %parallel_loop3A_403] {strides = array<i32>} : memref<2x32x512xf32, #tpu.memory_space<vmem>>, vector<16xf32>,
        %parallel_loop3A_405 = arith.constant 0 : i32
        %parallel_loop3A_406 = arith.index_cast %parallel_loop3A_405 : i32 to index
        %parallel_loop3A_407 = arith.index_cast %parallel_loop3A_189 : i32 to index
        %parallel_loop3A_408 = arith.constant 336 : index
        %parallel_loop3A_409 = tpu.vector_load %arg11[%parallel_loop3A_406, %parallel_loop3A_407, %parallel_loop3A_408] {strides = array<i32>} : memref<2x32x512xf32, #tpu.memory_space<vmem>>, vector<16xf32>,
        tpu.vector_store %arg11[%parallel_loop3A_406, %parallel_loop3A_407, %parallel_loop3A_408], %parallel_loop3A_404 {add = true, strides = array<i32>} : memref<2x32x512xf32, #tpu.memory_space<vmem>>, vector<16xf32>,
        %parallel_loop3A_410 = arith.constant 0 : i32
        %parallel_loop3A_411 = arith.index_cast %parallel_loop3A_410 : i32 to index
        %parallel_loop3A_412 = arith.index_cast %parallel_loop3A_189 : i32 to index
        %parallel_loop3A_413 = arith.constant 352 : index
        %parallel_loop3A_414 = tpu.vector_load %arg12[%parallel_loop3A_411, %parallel_loop3A_412, %parallel_loop3A_413] {strides = array<i32>} : memref<2x32x512xf32, #tpu.memory_space<vmem>>, vector<16xf32>,
        %parallel_loop3A_415 = arith.constant 0 : i32
        %parallel_loop3A_416 = arith.index_cast %parallel_loop3A_415 : i32 to index
        %parallel_loop3A_417 = arith.index_cast %parallel_loop3A_189 : i32 to index
        %parallel_loop3A_418 = arith.constant 352 : index
        %parallel_loop3A_419 = tpu.vector_load %arg11[%parallel_loop3A_416, %parallel_loop3A_417, %parallel_loop3A_418] {strides = array<i32>} : memref<2x32x512xf32, #tpu.memory_space<vmem>>, vector<16xf32>,
        tpu.vector_store %arg11[%parallel_loop3A_416, %parallel_loop3A_417, %parallel_loop3A_418], %parallel_loop3A_414 {add = true, strides = array<i32>} : memref<2x32x512xf32, #tpu.memory_space<vmem>>, vector<16xf32>,
        %parallel_loop3A_420 = arith.constant 0 : i32
        %parallel_loop3A_421 = arith.index_cast %parallel_loop3A_420 : i32 to index
        %parallel_loop3A_422 = arith.index_cast %parallel_loop3A_189 : i32 to index
        %parallel_loop3A_423 = arith.constant 368 : index
        %parallel_loop3A_424 = tpu.vector_load %arg12[%parallel_loop3A_421, %parallel_loop3A_422, %parallel_loop3A_423] {strides = array<i32>} : memref<2x32x512xf32, #tpu.memory_space<vmem>>, vector<16xf32>,
        %parallel_loop3A_425 = arith.constant 0 : i32
        %parallel_loop3A_426 = arith.index_cast %parallel_loop3A_425 : i32 to index
        %parallel_loop3A_427 = arith.index_cast %parallel_loop3A_189 : i32 to index
        %parallel_loop3A_428 = arith.constant 368 : index
        %parallel_loop3A_429 = tpu.vector_load %arg11[%parallel_loop3A_426, %parallel_loop3A_427, %parallel_loop3A_428] {strides = array<i32>} : memref<2x32x512xf32, #tpu.memory_space<vmem>>, vector<16xf32>,
        tpu.vector_store %arg11[%parallel_loop3A_426, %parallel_loop3A_427, %parallel_loop3A_428], %parallel_loop3A_424 {add = true, strides = array<i32>} : memref<2x32x512xf32, #tpu.memory_space<vmem>>, vector<16xf32>,
        %parallel_loop3A_430 = arith.constant 0 : i32
        %parallel_loop3A_431 = arith.index_cast %parallel_loop3A_430 : i32 to index
        %parallel_loop3A_432 = arith.index_cast %parallel_loop3A_189 : i32 to index
        %parallel_loop3A_433 = arith.constant 384 : index
        %parallel_loop3A_434 = tpu.vector_load %arg12[%parallel_loop3A_431, %parallel_loop3A_432, %parallel_loop3A_433] {strides = array<i32>} : memref<2x32x512xf32, #tpu.memory_space<vmem>>, vector<16xf32>,
        %parallel_loop3A_435 = arith.constant 0 : i32
        %parallel_loop3A_436 = arith.index_cast %parallel_loop3A_435 : i32 to index
        %parallel_loop3A_437 = arith.index_cast %parallel_loop3A_189 : i32 to index
        %parallel_loop3A_438 = arith.constant 384 : index
        %parallel_loop3A_439 = tpu.vector_load %arg11[%parallel_loop3A_436, %parallel_loop3A_437, %parallel_loop3A_438] {strides = array<i32>} : memref<2x32x512xf32, #tpu.memory_space<vmem>>, vector<16xf32>,
        tpu.vector_store %arg11[%parallel_loop3A_436, %parallel_loop3A_437, %parallel_loop3A_438], %parallel_loop3A_434 {add = true, strides = array<i32>} : memref<2x32x512xf32, #tpu.memory_space<vmem>>, vector<16xf32>,
        %parallel_loop3A_440 = arith.constant 0 : i32
        %parallel_loop3A_441 = arith.index_cast %parallel_loop3A_440 : i32 to index
        %parallel_loop3A_442 = arith.index_cast %parallel_loop3A_189 : i32 to index
        %parallel_loop3A_443 = arith.constant 400 : index
        %parallel_loop3A_444 = tpu.vector_load %arg12[%parallel_loop3A_441, %parallel_loop3A_442, %parallel_loop3A_443] {strides = array<i32>} : memref<2x32x512xf32, #tpu.memory_space<vmem>>, vector<16xf32>,
        %parallel_loop3A_445 = arith.constant 0 : i32
        %parallel_loop3A_446 = arith.index_cast %parallel_loop3A_445 : i32 to index
        %parallel_loop3A_447 = arith.index_cast %parallel_loop3A_189 : i32 to index
        %parallel_loop3A_448 = arith.constant 400 : index
        %parallel_loop3A_449 = tpu.vector_load %arg11[%parallel_loop3A_446, %parallel_loop3A_447, %parallel_loop3A_448] {strides = array<i32>} : memref<2x32x512xf32, #tpu.memory_space<vmem>>, vector<16xf32>,
        tpu.vector_store %arg11[%parallel_loop3A_446, %parallel_loop3A_447, %parallel_loop3A_448], %parallel_loop3A_444 {add = true, strides = array<i32>} : memref<2x32x512xf32, #tpu.memory_space<vmem>>, vector<16xf32>,
        %parallel_loop3A_450 = arith.constant 0 : i32
        %parallel_loop3A_451 = arith.index_cast %parallel_loop3A_450 : i32 to index
        %parallel_loop3A_452 = arith.index_cast %parallel_loop3A_189 : i32 to index
        %parallel_loop3A_453 = arith.constant 416 : index
        %parallel_loop3A_454 = tpu.vector_load %arg12[%parallel_loop3A_451, %parallel_loop3A_452, %parallel_loop3A_453] {strides = array<i32>} : memref<2x32x512xf32, #tpu.memory_space<vmem>>, vector<16xf32>,
        %parallel_loop3A_455 = arith.constant 0 : i32
        %parallel_loop3A_456 = arith.index_cast %parallel_loop3A_455 : i32 to index
        %parallel_loop3A_457 = arith.index_cast %parallel_loop3A_189 : i32 to index
        %parallel_loop3A_458 = arith.constant 416 : index
        %parallel_loop3A_459 = tpu.vector_load %arg11[%parallel_loop3A_456, %parallel_loop3A_457, %parallel_loop3A_458] {strides = array<i32>} : memref<2x32x512xf32, #tpu.memory_space<vmem>>, vector<16xf32>,
        tpu.vector_store %arg11[%parallel_loop3A_456, %parallel_loop3A_457, %parallel_loop3A_458], %parallel_loop3A_454 {add = true, strides = array<i32>} : memref<2x32x512xf32, #tpu.memory_space<vmem>>, vector<16xf32>,
        %parallel_loop3A_460 = arith.constant 0 : i32
        %parallel_loop3A_461 = arith.index_cast %parallel_loop3A_460 : i32 to index
        %parallel_loop3A_462 = arith.index_cast %parallel_loop3A_189 : i32 to index
        %parallel_loop3A_463 = arith.constant 432 : index
        %parallel_loop3A_464 = tpu.vector_load %arg12[%parallel_loop3A_461, %parallel_loop3A_462, %parallel_loop3A_463] {strides = array<i32>} : memref<2x32x512xf32, #tpu.memory_space<vmem>>, vector<16xf32>,
        %parallel_loop3A_465 = arith.constant 0 : i32
        %parallel_loop3A_466 = arith.index_cast %parallel_loop3A_465 : i32 to index
        %parallel_loop3A_467 = arith.index_cast %parallel_loop3A_189 : i32 to index
        %parallel_loop3A_468 = arith.constant 432 : index
        %parallel_loop3A_469 = tpu.vector_load %arg11[%parallel_loop3A_466, %parallel_loop3A_467, %parallel_loop3A_468] {strides = array<i32>} : memref<2x32x512xf32, #tpu.memory_space<vmem>>, vector<16xf32>,
        tpu.vector_store %arg11[%parallel_loop3A_466, %parallel_loop3A_467, %parallel_loop3A_468], %parallel_loop3A_464 {add = true, strides = array<i32>} : memref<2x32x512xf32, #tpu.memory_space<vmem>>, vector<16xf32>,
        %parallel_loop3A_470 = arith.constant 0 : i32
        %parallel_loop3A_471 = arith.index_cast %parallel_loop3A_470 : i32 to index
        %parallel_loop3A_472 = arith.index_cast %parallel_loop3A_189 : i32 to index
        %parallel_loop3A_473 = arith.constant 448 : index
        %parallel_loop3A_474 = tpu.vector_load %arg12[%parallel_loop3A_471, %parallel_loop3A_472, %parallel_loop3A_473] {strides = array<i32>} : memref<2x32x512xf32, #tpu.memory_space<vmem>>, vector<16xf32>,
        %parallel_loop3A_475 = arith.constant 0 : i32
        %parallel_loop3A_476 = arith.index_cast %parallel_loop3A_475 : i32 to index
        %parallel_loop3A_477 = arith.index_cast %parallel_loop3A_189 : i32 to index
        %parallel_loop3A_478 = arith.constant 448 : index
        %parallel_loop3A_479 = tpu.vector_load %arg11[%parallel_loop3A_476, %parallel_loop3A_477, %parallel_loop3A_478] {strides = array<i32>} : memref<2x32x512xf32, #tpu.memory_space<vmem>>, vector<16xf32>,
        tpu.vector_store %arg11[%parallel_loop3A_476, %parallel_loop3A_477, %parallel_loop3A_478], %parallel_loop3A_474 {add = true, strides = array<i32>} : memref<2x32x512xf32, #tpu.memory_space<vmem>>, vector<16xf32>,
        %parallel_loop3A_480 = arith.constant 0 : i32
        %parallel_loop3A_481 = arith.index_cast %parallel_loop3A_480 : i32 to index
        %parallel_loop3A_482 = arith.index_cast %parallel_loop3A_189 : i32 to index
        %parallel_loop3A_483 = arith.constant 464 : index
        %parallel_loop3A_484 = tpu.vector_load %arg12[%parallel_loop3A_481, %parallel_loop3A_482, %parallel_loop3A_483] {strides = array<i32>} : memref<2x32x512xf32, #tpu.memory_space<vmem>>, vector<16xf32>,
        %parallel_loop3A_485 = arith.constant 0 : i32
        %parallel_loop3A_486 = arith.index_cast %parallel_loop3A_485 : i32 to index
        %parallel_loop3A_487 = arith.index_cast %parallel_loop3A_189 : i32 to index
        %parallel_loop3A_488 = arith.constant 464 : index
        %parallel_loop3A_489 = tpu.vector_load %arg11[%parallel_loop3A_486, %parallel_loop3A_487, %parallel_loop3A_488] {strides = array<i32>} : memref<2x32x512xf32, #tpu.memory_space<vmem>>, vector<16xf32>,
        tpu.vector_store %arg11[%parallel_loop3A_486, %parallel_loop3A_487, %parallel_loop3A_488], %parallel_loop3A_484 {add = true, strides = array<i32>} : memref<2x32x512xf32, #tpu.memory_space<vmem>>, vector<16xf32>,
        %parallel_loop3A_490 = arith.constant 0 : i32
        %parallel_loop3A_491 = arith.index_cast %parallel_loop3A_490 : i32 to index
        %parallel_loop3A_492 = arith.index_cast %parallel_loop3A_189 : i32 to index
        %parallel_loop3A_493 = arith.constant 480 : index
        %parallel_loop3A_494 = tpu.vector_load %arg12[%parallel_loop3A_491, %parallel_loop3A_492, %parallel_loop3A_493] {strides = array<i32>} : memref<2x32x512xf32, #tpu.memory_space<vmem>>, vector<16xf32>,
        %parallel_loop3A_495 = arith.constant 0 : i32
        %parallel_loop3A_496 = arith.index_cast %parallel_loop3A_495 : i32 to index
        %parallel_loop3A_497 = arith.index_cast %parallel_loop3A_189 : i32 to index
        %parallel_loop3A_498 = arith.constant 480 : index
        %parallel_loop3A_499 = tpu.vector_load %arg11[%parallel_loop3A_496, %parallel_loop3A_497, %parallel_loop3A_498] {strides = array<i32>} : memref<2x32x512xf32, #tpu.memory_space<vmem>>, vector<16xf32>,
        tpu.vector_store %arg11[%parallel_loop3A_496, %parallel_loop3A_497, %parallel_loop3A_498], %parallel_loop3A_494 {add = true, strides = array<i32>} : memref<2x32x512xf32, #tpu.memory_space<vmem>>, vector<16xf32>,
        %parallel_loop3A_500 = arith.constant 0 : i32
        %parallel_loop3A_501 = arith.index_cast %parallel_loop3A_500 : i32 to index
        %parallel_loop3A_502 = arith.index_cast %parallel_loop3A_189 : i32 to index
        %parallel_loop3A_503 = arith.constant 496 : index
        %parallel_loop3A_504 = tpu.vector_load %arg12[%parallel_loop3A_501, %parallel_loop3A_502, %parallel_loop3A_503] {strides = array<i32>} : memref<2x32x512xf32, #tpu.memory_space<vmem>>, vector<16xf32>,
        %parallel_loop3A_505 = arith.constant 0 : i32
        %parallel_loop3A_506 = arith.index_cast %parallel_loop3A_505 : i32 to index
        %parallel_loop3A_507 = arith.index_cast %parallel_loop3A_189 : i32 to index
        %parallel_loop3A_508 = arith.constant 496 : index
        %parallel_loop3A_509 = tpu.vector_load %arg11[%parallel_loop3A_506, %parallel_loop3A_507, %parallel_loop3A_508] {strides = array<i32>} : memref<2x32x512xf32, #tpu.memory_space<vmem>>, vector<16xf32>,
        tpu.vector_store %arg11[%parallel_loop3A_506, %parallel_loop3A_507, %parallel_loop3A_508], %parallel_loop3A_504 {add = true, strides = array<i32>} : memref<2x32x512xf32, #tpu.memory_space<vmem>>, vector<16xf32>,
      } {sc.loop_unroll_factor = 2 : i64, sc.parallel_access}
      %add3A_96 = arith.addi %mul3A_2, %mul3A_16 : i32
      %dma_start3A_97 = arith.constant 0 : i32
      %dma_start3A_98 = arith.constant 0 : i32
      %dma_start3A_99 = arith.constant 0 : i32
      %dma_start3A_100 = arith.constant 0 : i32
      %dma_start3A_101 = tpu.memref_slice %arg11[%dma_start3A_97, %dma_start3A_99, %dma_start3A_100] : memref<2x32x512xf32, #tpu.memory_space<vmem>> -> memref<1x32x512xf32, #tpu.memory_space<vmem>>
      %dma_start3A_102 = tpu.memref_squeeze %dma_start3A_101 : memref<1x32x512xf32, #tpu.memory_space<vmem>> -> memref<32x512xf32, #tpu.memory_space<vmem>>
      %dma_start3A_103 = arith.constant 0 : i32
      %dma_start3A_104 = tpu.memref_slice %arg6[%add3A_96, %dma_start3A_103] : memref<204800x512xf32, #tpu.memory_space<hbm>> -> memref<32x512xf32, #tpu.memory_space<hbm>>
      %dma_start3A_105 = tpu.memref_slice %arg15[%dma_start3A_98] : memref<2x!tpu.dma_semaphore, #tpu.memory_space<semaphore_mem>> -> memref<1x!tpu.dma_semaphore, #tpu.memory_space<semaphore_mem>>
      %dma_start3A_106 = tpu.memref_squeeze %dma_start3A_105 : memref<1x!tpu.dma_semaphore, #tpu.memory_space<semaphore_mem>> -> memref<!tpu.dma_semaphore, #tpu.memory_space<semaphore_mem>>
      %dma_start3A_107 = arith.constant 0 : i32
      %dma_start3A_108 = tpu.memref_slice %arg6[%add3A_96, %dma_start3A_107] : memref<204800x512xf32, #tpu.memory_space<hbm>> -> memref<32x512xf32, #tpu.memory_space<hbm>>
      %dma_start3A_109 = arith.constant 0 : i32
      %dma_start3A_110 = arith.constant 0 : i32
      %dma_start3A_111 = tpu.memref_slice %arg11[%dma_start3A_97, %dma_start3A_109, %dma_start3A_110] : memref<2x32x512xf32, #tpu.memory_space<vmem>> -> memref<1x32x512xf32, #tpu.memory_space<vmem>>
      %dma_start3A_112 = tpu.memref_squeeze %dma_start3A_111 : memref<1x32x512xf32, #tpu.memory_space<vmem>> -> memref<32x512xf32, #tpu.memory_space<vmem>>
      tpu.enqueue_dma source(%dma_start3A_112 : memref<32x512xf32, #tpu.memory_space<vmem>>) target(%dma_start3A_108 : memref<32x512xf32, #tpu.memory_space<hbm>>) target_semaphore(%dma_start3A_106 : memref<!tpu.dma_semaphore, #tpu.memory_space<semaphore_mem>>)
      %dma_wait3A_113 = arith.constant 1 : i32
      %dma_wait3A_114 = arith.constant 1 : i32
      %dma_wait3A_115 = arith.constant 0 : i32
      %dma_wait3A_116 = arith.constant 0 : i32
      %dma_wait3A_117 = tpu.memref_slice %arg11[%dma_wait3A_113, %dma_wait3A_115, %dma_wait3A_116] : memref<2x32x512xf32, #tpu.memory_space<vmem>> -> memref<1x32x512xf32, #tpu.memory_space<vmem>>
      %dma_wait3A_118 = tpu.memref_squeeze %dma_wait3A_117 : memref<1x32x512xf32, #tpu.memory_space<vmem>> -> memref<32x512xf32, #tpu.memory_space<vmem>>
      %dma_wait3A_119 = tpu.memref_slice %arg9[%mul3A_22] : memref<6400xi32, #tpu.memory_space<vmem>> -> memref<32xi32, #tpu.memory_space<vmem>>
      %dma_wait3A_120 = arith.constant 0 : i32
      %dma_wait3A_121 = arith.constant 0 : i32
      %dma_wait3A_122 = tpu.memref_slice %arg5[%dma_wait3A_120, %dma_wait3A_121] : memref<2200x512xf32, #tpu.memory_space<hbm>> -> memref<2200x512xf32, #tpu.memory_space<hbm>>
      %dma_wait3A_123 = tpu.memref_slice %arg13[%dma_wait3A_114] : memref<2x!tpu.dma_semaphore, #tpu.memory_space<semaphore_mem>> -> memref<1x!tpu.dma_semaphore, #tpu.memory_space<semaphore_mem>>
      %dma_wait3A_124 = tpu.memref_squeeze %dma_wait3A_123 : memref<1x!tpu.dma_semaphore, #tpu.memory_space<semaphore_mem>> -> memref<!tpu.dma_semaphore, #tpu.memory_space<semaphore_mem>>
      tpu.wait_indirect_dma semaphore(%dma_wait3A_124 : memref<!tpu.dma_semaphore, #tpu.memory_space<semaphore_mem>>) src(%dma_wait3A_122 : memref<2200x512xf32, #tpu.memory_space<hbm>>) dst(%dma_wait3A_118 : memref<32x512xf32, #tpu.memory_space<vmem>>)
      %dma_wait3A_125 = arith.constant 1 : i32
      %dma_wait3A_126 = arith.constant 1 : i32
      %dma_wait3A_127 = arith.constant 0 : i32
      %dma_wait3A_128 = arith.constant 0 : i32
      %dma_wait3A_129 = tpu.memref_slice %arg12[%dma_wait3A_125, %dma_wait3A_127, %dma_wait3A_128] : memref<2x32x512xf32, #tpu.memory_space<vmem>> -> memref<1x32x512xf32, #tpu.memory_space<vmem>>
      %dma_wait3A_130 = tpu.memref_squeeze %dma_wait3A_129 : memref<1x32x512xf32, #tpu.memory_space<vmem>> -> memref<32x512xf32, #tpu.memory_space<vmem>>
      %dma_wait3A_131 = tpu.memref_slice %arg10[%mul3A_22] : memref<6400xi32, #tpu.memory_space<vmem>> -> memref<32xi32, #tpu.memory_space<vmem>>
      %dma_wait3A_132 = arith.constant 0 : i32
      %dma_wait3A_133 = arith.constant 0 : i32
      %dma_wait3A_134 = tpu.memref_slice %arg4[%dma_wait3A_132, %dma_wait3A_133] : memref<2210x512xf32, #tpu.memory_space<hbm>> -> memref<2210x512xf32, #tpu.memory_space<hbm>>
      %dma_wait3A_135 = tpu.memref_slice %arg14[%dma_wait3A_126] : memref<2x!tpu.dma_semaphore, #tpu.memory_space<semaphore_mem>> -> memref<1x!tpu.dma_semaphore, #tpu.memory_space<semaphore_mem>>
      %dma_wait3A_136 = tpu.memref_squeeze %dma_wait3A_135 : memref<1x!tpu.dma_semaphore, #tpu.memory_space<semaphore_mem>> -> memref<!tpu.dma_semaphore, #tpu.memory_space<semaphore_mem>>
      tpu.wait_indirect_dma semaphore(%dma_wait3A_136 : memref<!tpu.dma_semaphore, #tpu.memory_space<semaphore_mem>>) src(%dma_wait3A_134 : memref<2210x512xf32, #tpu.memory_space<hbm>>) dst(%dma_wait3A_130 : memref<32x512xf32, #tpu.memory_space<vmem>>)
      %parallel_loop3A_137 = arith.constant 0 : i32
      %parallel_loop3A_138 = arith.constant 32 : i32
      %parallel_loop3A_139 = arith.constant 1 : i32
      scf.for %parallel_loop3A_189 = %parallel_loop3A_137 to %parallel_loop3A_138 step %parallel_loop3A_139  : i32 {
        %parallel_loop3A_190 = arith.constant 1 : i32
        %parallel_loop3A_191 = arith.index_cast %parallel_loop3A_190 : i32 to index
        %parallel_loop3A_192 = arith.index_cast %parallel_loop3A_189 : i32 to index
        %parallel_loop3A_193 = arith.constant 0 : index
        %parallel_loop3A_194 = tpu.vector_load %arg12[%parallel_loop3A_191, %parallel_loop3A_192, %parallel_loop3A_193] {strides = array<i32>} : memref<2x32x512xf32, #tpu.memory_space<vmem>>, vector<16xf32>,
        %parallel_loop3A_195 = arith.constant 1 : i32
        %parallel_loop3A_196 = arith.index_cast %parallel_loop3A_195 : i32 to index
        %parallel_loop3A_197 = arith.index_cast %parallel_loop3A_189 : i32 to index
        %parallel_loop3A_198 = arith.constant 0 : index
        %parallel_loop3A_199 = tpu.vector_load %arg11[%parallel_loop3A_196, %parallel_loop3A_197, %parallel_loop3A_198] {strides = array<i32>} : memref<2x32x512xf32, #tpu.memory_space<vmem>>, vector<16xf32>,
        tpu.vector_store %arg11[%parallel_loop3A_196, %parallel_loop3A_197, %parallel_loop3A_198], %parallel_loop3A_194 {add = true, strides = array<i32>} : memref<2x32x512xf32, #tpu.memory_space<vmem>>, vector<16xf32>,
        %parallel_loop3A_200 = arith.constant 1 : i32
        %parallel_loop3A_201 = arith.index_cast %parallel_loop3A_200 : i32 to index
        %parallel_loop3A_202 = arith.index_cast %parallel_loop3A_189 : i32 to index
        %parallel_loop3A_203 = arith.constant 16 : index
        %parallel_loop3A_204 = tpu.vector_load %arg12[%parallel_loop3A_201, %parallel_loop3A_202, %parallel_loop3A_203] {strides = array<i32>} : memref<2x32x512xf32, #tpu.memory_space<vmem>>, vector<16xf32>,
        %parallel_loop3A_205 = arith.constant 1 : i32
        %parallel_loop3A_206 = arith.index_cast %parallel_loop3A_205 : i32 to index
        %parallel_loop3A_207 = arith.index_cast %parallel_loop3A_189 : i32 to index
        %parallel_loop3A_208 = arith.constant 16 : index
        %parallel_loop3A_209 = tpu.vector_load %arg11[%parallel_loop3A_206, %parallel_loop3A_207, %parallel_loop3A_208] {strides = array<i32>} : memref<2x32x512xf32, #tpu.memory_space<vmem>>, vector<16xf32>,
        tpu.vector_store %arg11[%parallel_loop3A_206, %parallel_loop3A_207, %parallel_loop3A_208], %parallel_loop3A_204 {add = true, strides = array<i32>} : memref<2x32x512xf32, #tpu.memory_space<vmem>>, vector<16xf32>,
        %parallel_loop3A_210 = arith.constant 1 : i32
        %parallel_loop3A_211 = arith.index_cast %parallel_loop3A_210 : i32 to index
        %parallel_loop3A_212 = arith.index_cast %parallel_loop3A_189 : i32 to index
        %parallel_loop3A_213 = arith.constant 32 : index
        %parallel_loop3A_214 = tpu.vector_load %arg12[%parallel_loop3A_211, %parallel_loop3A_212, %parallel_loop3A_213] {strides = array<i32>} : memref<2x32x512xf32, #tpu.memory_space<vmem>>, vector<16xf32>,
        %parallel_loop3A_215 = arith.constant 1 : i32
        %parallel_loop3A_216 = arith.index_cast %parallel_loop3A_215 : i32 to index
        %parallel_loop3A_217 = arith.index_cast %parallel_loop3A_189 : i32 to index
        %parallel_loop3A_218 = arith.constant 32 : index
        %parallel_loop3A_219 = tpu.vector_load %arg11[%parallel_loop3A_216, %parallel_loop3A_217, %parallel_loop3A_218] {strides = array<i32>} : memref<2x32x512xf32, #tpu.memory_space<vmem>>, vector<16xf32>,
        tpu.vector_store %arg11[%parallel_loop3A_216, %parallel_loop3A_217, %parallel_loop3A_218], %parallel_loop3A_214 {add = true, strides = array<i32>} : memref<2x32x512xf32, #tpu.memory_space<vmem>>, vector<16xf32>,
        %parallel_loop3A_220 = arith.constant 1 : i32
        %parallel_loop3A_221 = arith.index_cast %parallel_loop3A_220 : i32 to index
        %parallel_loop3A_222 = arith.index_cast %parallel_loop3A_189 : i32 to index
        %parallel_loop3A_223 = arith.constant 48 : index
        %parallel_loop3A_224 = tpu.vector_load %arg12[%parallel_loop3A_221, %parallel_loop3A_222, %parallel_loop3A_223] {strides = array<i32>} : memref<2x32x512xf32, #tpu.memory_space<vmem>>, vector<16xf32>,
        %parallel_loop3A_225 = arith.constant 1 : i32
        %parallel_loop3A_226 = arith.index_cast %parallel_loop3A_225 : i32 to index
        %parallel_loop3A_227 = arith.index_cast %parallel_loop3A_189 : i32 to index
        %parallel_loop3A_228 = arith.constant 48 : index
        %parallel_loop3A_229 = tpu.vector_load %arg11[%parallel_loop3A_226, %parallel_loop3A_227, %parallel_loop3A_228] {strides = array<i32>} : memref<2x32x512xf32, #tpu.memory_space<vmem>>, vector<16xf32>,
        tpu.vector_store %arg11[%parallel_loop3A_226, %parallel_loop3A_227, %parallel_loop3A_228], %parallel_loop3A_224 {add = true, strides = array<i32>} : memref<2x32x512xf32, #tpu.memory_space<vmem>>, vector<16xf32>,
        %parallel_loop3A_230 = arith.constant 1 : i32
        %parallel_loop3A_231 = arith.index_cast %parallel_loop3A_230 : i32 to index
        %parallel_loop3A_232 = arith.index_cast %parallel_loop3A_189 : i32 to index
        %parallel_loop3A_233 = arith.constant 64 : index
        %parallel_loop3A_234 = tpu.vector_load %arg12[%parallel_loop3A_231, %parallel_loop3A_232, %parallel_loop3A_233] {strides = array<i32>} : memref<2x32x512xf32, #tpu.memory_space<vmem>>, vector<16xf32>,
        %parallel_loop3A_235 = arith.constant 1 : i32
        %parallel_loop3A_236 = arith.index_cast %parallel_loop3A_235 : i32 to index
        %parallel_loop3A_237 = arith.index_cast %parallel_loop3A_189 : i32 to index
        %parallel_loop3A_238 = arith.constant 64 : index
        %parallel_loop3A_239 = tpu.vector_load %arg11[%parallel_loop3A_236, %parallel_loop3A_237, %parallel_loop3A_238] {strides = array<i32>} : memref<2x32x512xf32, #tpu.memory_space<vmem>>, vector<16xf32>,
        tpu.vector_store %arg11[%parallel_loop3A_236, %parallel_loop3A_237, %parallel_loop3A_238], %parallel_loop3A_234 {add = true, strides = array<i32>} : memref<2x32x512xf32, #tpu.memory_space<vmem>>, vector<16xf32>,
        %parallel_loop3A_240 = arith.constant 1 : i32
        %parallel_loop3A_241 = arith.index_cast %parallel_loop3A_240 : i32 to index
        %parallel_loop3A_242 = arith.index_cast %parallel_loop3A_189 : i32 to index
        %parallel_loop3A_243 = arith.constant 80 : index
        %parallel_loop3A_244 = tpu.vector_load %arg12[%parallel_loop3A_241, %parallel_loop3A_242, %parallel_loop3A_243] {strides = array<i32>} : memref<2x32x512xf32, #tpu.memory_space<vmem>>, vector<16xf32>,
        %parallel_loop3A_245 = arith.constant 1 : i32
        %parallel_loop3A_246 = arith.index_cast %parallel_loop3A_245 : i32 to index
        %parallel_loop3A_247 = arith.index_cast %parallel_loop3A_189 : i32 to index
        %parallel_loop3A_248 = arith.constant 80 : index
        %parallel_loop3A_249 = tpu.vector_load %arg11[%parallel_loop3A_246, %parallel_loop3A_247, %parallel_loop3A_248] {strides = array<i32>} : memref<2x32x512xf32, #tpu.memory_space<vmem>>, vector<16xf32>,
        tpu.vector_store %arg11[%parallel_loop3A_246, %parallel_loop3A_247, %parallel_loop3A_248], %parallel_loop3A_244 {add = true, strides = array<i32>} : memref<2x32x512xf32, #tpu.memory_space<vmem>>, vector<16xf32>,
        %parallel_loop3A_250 = arith.constant 1 : i32
        %parallel_loop3A_251 = arith.index_cast %parallel_loop3A_250 : i32 to index
        %parallel_loop3A_252 = arith.index_cast %parallel_loop3A_189 : i32 to index
        %parallel_loop3A_253 = arith.constant 96 : index
        %parallel_loop3A_254 = tpu.vector_load %arg12[%parallel_loop3A_251, %parallel_loop3A_252, %parallel_loop3A_253] {strides = array<i32>} : memref<2x32x512xf32, #tpu.memory_space<vmem>>, vector<16xf32>,
        %parallel_loop3A_255 = arith.constant 1 : i32
        %parallel_loop3A_256 = arith.index_cast %parallel_loop3A_255 : i32 to index
        %parallel_loop3A_257 = arith.index_cast %parallel_loop3A_189 : i32 to index
        %parallel_loop3A_258 = arith.constant 96 : index
        %parallel_loop3A_259 = tpu.vector_load %arg11[%parallel_loop3A_256, %parallel_loop3A_257, %parallel_loop3A_258] {strides = array<i32>} : memref<2x32x512xf32, #tpu.memory_space<vmem>>, vector<16xf32>,
        tpu.vector_store %arg11[%parallel_loop3A_256, %parallel_loop3A_257, %parallel_loop3A_258], %parallel_loop3A_254 {add = true, strides = array<i32>} : memref<2x32x512xf32, #tpu.memory_space<vmem>>, vector<16xf32>,
        %parallel_loop3A_260 = arith.constant 1 : i32
        %parallel_loop3A_261 = arith.index_cast %parallel_loop3A_260 : i32 to index
        %parallel_loop3A_262 = arith.index_cast %parallel_loop3A_189 : i32 to index
        %parallel_loop3A_263 = arith.constant 112 : index
        %parallel_loop3A_264 = tpu.vector_load %arg12[%parallel_loop3A_261, %parallel_loop3A_262, %parallel_loop3A_263] {strides = array<i32>} : memref<2x32x512xf32, #tpu.memory_space<vmem>>, vector<16xf32>,
        %parallel_loop3A_265 = arith.constant 1 : i32
        %parallel_loop3A_266 = arith.index_cast %parallel_loop3A_265 : i32 to index
        %parallel_loop3A_267 = arith.index_cast %parallel_loop3A_189 : i32 to index
        %parallel_loop3A_268 = arith.constant 112 : index
        %parallel_loop3A_269 = tpu.vector_load %arg11[%parallel_loop3A_266, %parallel_loop3A_267, %parallel_loop3A_268] {strides = array<i32>} : memref<2x32x512xf32, #tpu.memory_space<vmem>>, vector<16xf32>,
        tpu.vector_store %arg11[%parallel_loop3A_266, %parallel_loop3A_267, %parallel_loop3A_268], %parallel_loop3A_264 {add = true, strides = array<i32>} : memref<2x32x512xf32, #tpu.memory_space<vmem>>, vector<16xf32>,
        %parallel_loop3A_270 = arith.constant 1 : i32
        %parallel_loop3A_271 = arith.index_cast %parallel_loop3A_270 : i32 to index
        %parallel_loop3A_272 = arith.index_cast %parallel_loop3A_189 : i32 to index
        %parallel_loop3A_273 = arith.constant 128 : index
        %parallel_loop3A_274 = tpu.vector_load %arg12[%parallel_loop3A_271, %parallel_loop3A_272, %parallel_loop3A_273] {strides = array<i32>} : memref<2x32x512xf32, #tpu.memory_space<vmem>>, vector<16xf32>,
        %parallel_loop3A_275 = arith.constant 1 : i32
        %parallel_loop3A_276 = arith.index_cast %parallel_loop3A_275 : i32 to index
        %parallel_loop3A_277 = arith.index_cast %parallel_loop3A_189 : i32 to index
        %parallel_loop3A_278 = arith.constant 128 : index
        %parallel_loop3A_279 = tpu.vector_load %arg11[%parallel_loop3A_276, %parallel_loop3A_277, %parallel_loop3A_278] {strides = array<i32>} : memref<2x32x512xf32, #tpu.memory_space<vmem>>, vector<16xf32>,
        tpu.vector_store %arg11[%parallel_loop3A_276, %parallel_loop3A_277, %parallel_loop3A_278], %parallel_loop3A_274 {add = true, strides = array<i32>} : memref<2x32x512xf32, #tpu.memory_space<vmem>>, vector<16xf32>,
        %parallel_loop3A_280 = arith.constant 1 : i32
        %parallel_loop3A_281 = arith.index_cast %parallel_loop3A_280 : i32 to index
        %parallel_loop3A_282 = arith.index_cast %parallel_loop3A_189 : i32 to index
        %parallel_loop3A_283 = arith.constant 144 : index
        %parallel_loop3A_284 = tpu.vector_load %arg12[%parallel_loop3A_281, %parallel_loop3A_282, %parallel_loop3A_283] {strides = array<i32>} : memref<2x32x512xf32, #tpu.memory_space<vmem>>, vector<16xf32>,
        %parallel_loop3A_285 = arith.constant 1 : i32
        %parallel_loop3A_286 = arith.index_cast %parallel_loop3A_285 : i32 to index
        %parallel_loop3A_287 = arith.index_cast %parallel_loop3A_189 : i32 to index
        %parallel_loop3A_288 = arith.constant 144 : index
        %parallel_loop3A_289 = tpu.vector_load %arg11[%parallel_loop3A_286, %parallel_loop3A_287, %parallel_loop3A_288] {strides = array<i32>} : memref<2x32x512xf32, #tpu.memory_space<vmem>>, vector<16xf32>,
        tpu.vector_store %arg11[%parallel_loop3A_286, %parallel_loop3A_287, %parallel_loop3A_288], %parallel_loop3A_284 {add = true, strides = array<i32>} : memref<2x32x512xf32, #tpu.memory_space<vmem>>, vector<16xf32>,
        %parallel_loop3A_290 = arith.constant 1 : i32
        %parallel_loop3A_291 = arith.index_cast %parallel_loop3A_290 : i32 to index
        %parallel_loop3A_292 = arith.index_cast %parallel_loop3A_189 : i32 to index
        %parallel_loop3A_293 = arith.constant 160 : index
        %parallel_loop3A_294 = tpu.vector_load %arg12[%parallel_loop3A_291, %parallel_loop3A_292, %parallel_loop3A_293] {strides = array<i32>} : memref<2x32x512xf32, #tpu.memory_space<vmem>>, vector<16xf32>,
        %parallel_loop3A_295 = arith.constant 1 : i32
        %parallel_loop3A_296 = arith.index_cast %parallel_loop3A_295 : i32 to index
        %parallel_loop3A_297 = arith.index_cast %parallel_loop3A_189 : i32 to index
        %parallel_loop3A_298 = arith.constant 160 : index
        %parallel_loop3A_299 = tpu.vector_load %arg11[%parallel_loop3A_296, %parallel_loop3A_297, %parallel_loop3A_298] {strides = array<i32>} : memref<2x32x512xf32, #tpu.memory_space<vmem>>, vector<16xf32>,
        tpu.vector_store %arg11[%parallel_loop3A_296, %parallel_loop3A_297, %parallel_loop3A_298], %parallel_loop3A_294 {add = true, strides = array<i32>} : memref<2x32x512xf32, #tpu.memory_space<vmem>>, vector<16xf32>,
        %parallel_loop3A_300 = arith.constant 1 : i32
        %parallel_loop3A_301 = arith.index_cast %parallel_loop3A_300 : i32 to index
        %parallel_loop3A_302 = arith.index_cast %parallel_loop3A_189 : i32 to index
        %parallel_loop3A_303 = arith.constant 176 : index
        %parallel_loop3A_304 = tpu.vector_load %arg12[%parallel_loop3A_301, %parallel_loop3A_302, %parallel_loop3A_303] {strides = array<i32>} : memref<2x32x512xf32, #tpu.memory_space<vmem>>, vector<16xf32>,
        %parallel_loop3A_305 = arith.constant 1 : i32
        %parallel_loop3A_306 = arith.index_cast %parallel_loop3A_305 : i32 to index
        %parallel_loop3A_307 = arith.index_cast %parallel_loop3A_189 : i32 to index
        %parallel_loop3A_308 = arith.constant 176 : index
        %parallel_loop3A_309 = tpu.vector_load %arg11[%parallel_loop3A_306, %parallel_loop3A_307, %parallel_loop3A_308] {strides = array<i32>} : memref<2x32x512xf32, #tpu.memory_space<vmem>>, vector<16xf32>,
        tpu.vector_store %arg11[%parallel_loop3A_306, %parallel_loop3A_307, %parallel_loop3A_308], %parallel_loop3A_304 {add = true, strides = array<i32>} : memref<2x32x512xf32, #tpu.memory_space<vmem>>, vector<16xf32>,
        %parallel_loop3A_310 = arith.constant 1 : i32
        %parallel_loop3A_311 = arith.index_cast %parallel_loop3A_310 : i32 to index
        %parallel_loop3A_312 = arith.index_cast %parallel_loop3A_189 : i32 to index
        %parallel_loop3A_313 = arith.constant 192 : index
        %parallel_loop3A_314 = tpu.vector_load %arg12[%parallel_loop3A_311, %parallel_loop3A_312, %parallel_loop3A_313] {strides = array<i32>} : memref<2x32x512xf32, #tpu.memory_space<vmem>>, vector<16xf32>,
        %parallel_loop3A_315 = arith.constant 1 : i32
        %parallel_loop3A_316 = arith.index_cast %parallel_loop3A_315 : i32 to index
        %parallel_loop3A_317 = arith.index_cast %parallel_loop3A_189 : i32 to index
        %parallel_loop3A_318 = arith.constant 192 : index
        %parallel_loop3A_319 = tpu.vector_load %arg11[%parallel_loop3A_316, %parallel_loop3A_317, %parallel_loop3A_318] {strides = array<i32>} : memref<2x32x512xf32, #tpu.memory_space<vmem>>, vector<16xf32>,
        tpu.vector_store %arg11[%parallel_loop3A_316, %parallel_loop3A_317, %parallel_loop3A_318], %parallel_loop3A_314 {add = true, strides = array<i32>} : memref<2x32x512xf32, #tpu.memory_space<vmem>>, vector<16xf32>,
        %parallel_loop3A_320 = arith.constant 1 : i32
        %parallel_loop3A_321 = arith.index_cast %parallel_loop3A_320 : i32 to index
        %parallel_loop3A_322 = arith.index_cast %parallel_loop3A_189 : i32 to index
        %parallel_loop3A_323 = arith.constant 208 : index
        %parallel_loop3A_324 = tpu.vector_load %arg12[%parallel_loop3A_321, %parallel_loop3A_322, %parallel_loop3A_323] {strides = array<i32>} : memref<2x32x512xf32, #tpu.memory_space<vmem>>, vector<16xf32>,
        %parallel_loop3A_325 = arith.constant 1 : i32
        %parallel_loop3A_326 = arith.index_cast %parallel_loop3A_325 : i32 to index
        %parallel_loop3A_327 = arith.index_cast %parallel_loop3A_189 : i32 to index
        %parallel_loop3A_328 = arith.constant 208 : index
        %parallel_loop3A_329 = tpu.vector_load %arg11[%parallel_loop3A_326, %parallel_loop3A_327, %parallel_loop3A_328] {strides = array<i32>} : memref<2x32x512xf32, #tpu.memory_space<vmem>>, vector<16xf32>,
        tpu.vector_store %arg11[%parallel_loop3A_326, %parallel_loop3A_327, %parallel_loop3A_328], %parallel_loop3A_324 {add = true, strides = array<i32>} : memref<2x32x512xf32, #tpu.memory_space<vmem>>, vector<16xf32>,
        %parallel_loop3A_330 = arith.constant 1 : i32
        %parallel_loop3A_331 = arith.index_cast %parallel_loop3A_330 : i32 to index
        %parallel_loop3A_332 = arith.index_cast %parallel_loop3A_189 : i32 to index
        %parallel_loop3A_333 = arith.constant 224 : index
        %parallel_loop3A_334 = tpu.vector_load %arg12[%parallel_loop3A_331, %parallel_loop3A_332, %parallel_loop3A_333] {strides = array<i32>} : memref<2x32x512xf32, #tpu.memory_space<vmem>>, vector<16xf32>,
        %parallel_loop3A_335 = arith.constant 1 : i32
        %parallel_loop3A_336 = arith.index_cast %parallel_loop3A_335 : i32 to index
        %parallel_loop3A_337 = arith.index_cast %parallel_loop3A_189 : i32 to index
        %parallel_loop3A_338 = arith.constant 224 : index
        %parallel_loop3A_339 = tpu.vector_load %arg11[%parallel_loop3A_336, %parallel_loop3A_337, %parallel_loop3A_338] {strides = array<i32>} : memref<2x32x512xf32, #tpu.memory_space<vmem>>, vector<16xf32>,
        tpu.vector_store %arg11[%parallel_loop3A_336, %parallel_loop3A_337, %parallel_loop3A_338], %parallel_loop3A_334 {add = true, strides = array<i32>} : memref<2x32x512xf32, #tpu.memory_space<vmem>>, vector<16xf32>,
        %parallel_loop3A_340 = arith.constant 1 : i32
        %parallel_loop3A_341 = arith.index_cast %parallel_loop3A_340 : i32 to index
        %parallel_loop3A_342 = arith.index_cast %parallel_loop3A_189 : i32 to index
        %parallel_loop3A_343 = arith.constant 240 : index
        %parallel_loop3A_344 = tpu.vector_load %arg12[%parallel_loop3A_341, %parallel_loop3A_342, %parallel_loop3A_343] {strides = array<i32>} : memref<2x32x512xf32, #tpu.memory_space<vmem>>, vector<16xf32>,
        %parallel_loop3A_345 = arith.constant 1 : i32
        %parallel_loop3A_346 = arith.index_cast %parallel_loop3A_345 : i32 to index
        %parallel_loop3A_347 = arith.index_cast %parallel_loop3A_189 : i32 to index
        %parallel_loop3A_348 = arith.constant 240 : index
        %parallel_loop3A_349 = tpu.vector_load %arg11[%parallel_loop3A_346, %parallel_loop3A_347, %parallel_loop3A_348] {strides = array<i32>} : memref<2x32x512xf32, #tpu.memory_space<vmem>>, vector<16xf32>,
        tpu.vector_store %arg11[%parallel_loop3A_346, %parallel_loop3A_347, %parallel_loop3A_348], %parallel_loop3A_344 {add = true, strides = array<i32>} : memref<2x32x512xf32, #tpu.memory_space<vmem>>, vector<16xf32>,
        %parallel_loop3A_350 = arith.constant 1 : i32
        %parallel_loop3A_351 = arith.index_cast %parallel_loop3A_350 : i32 to index
        %parallel_loop3A_352 = arith.index_cast %parallel_loop3A_189 : i32 to index
        %parallel_loop3A_353 = arith.constant 256 : index
        %parallel_loop3A_354 = tpu.vector_load %arg12[%parallel_loop3A_351, %parallel_loop3A_352, %parallel_loop3A_353] {strides = array<i32>} : memref<2x32x512xf32, #tpu.memory_space<vmem>>, vector<16xf32>,
        %parallel_loop3A_355 = arith.constant 1 : i32
        %parallel_loop3A_356 = arith.index_cast %parallel_loop3A_355 : i32 to index
        %parallel_loop3A_357 = arith.index_cast %parallel_loop3A_189 : i32 to index
        %parallel_loop3A_358 = arith.constant 256 : index
        %parallel_loop3A_359 = tpu.vector_load %arg11[%parallel_loop3A_356, %parallel_loop3A_357, %parallel_loop3A_358] {strides = array<i32>} : memref<2x32x512xf32, #tpu.memory_space<vmem>>, vector<16xf32>,
        tpu.vector_store %arg11[%parallel_loop3A_356, %parallel_loop3A_357, %parallel_loop3A_358], %parallel_loop3A_354 {add = true, strides = array<i32>} : memref<2x32x512xf32, #tpu.memory_space<vmem>>, vector<16xf32>,
        %parallel_loop3A_360 = arith.constant 1 : i32
        %parallel_loop3A_361 = arith.index_cast %parallel_loop3A_360 : i32 to index
        %parallel_loop3A_362 = arith.index_cast %parallel_loop3A_189 : i32 to index
        %parallel_loop3A_363 = arith.constant 272 : index
        %parallel_loop3A_364 = tpu.vector_load %arg12[%parallel_loop3A_361, %parallel_loop3A_362, %parallel_loop3A_363] {strides = array<i32>} : memref<2x32x512xf32, #tpu.memory_space<vmem>>, vector<16xf32>,
        %parallel_loop3A_365 = arith.constant 1 : i32
        %parallel_loop3A_366 = arith.index_cast %parallel_loop3A_365 : i32 to index
        %parallel_loop3A_367 = arith.index_cast %parallel_loop3A_189 : i32 to index
        %parallel_loop3A_368 = arith.constant 272 : index
        %parallel_loop3A_369 = tpu.vector_load %arg11[%parallel_loop3A_366, %parallel_loop3A_367, %parallel_loop3A_368] {strides = array<i32>} : memref<2x32x512xf32, #tpu.memory_space<vmem>>, vector<16xf32>,
        tpu.vector_store %arg11[%parallel_loop3A_366, %parallel_loop3A_367, %parallel_loop3A_368], %parallel_loop3A_364 {add = true, strides = array<i32>} : memref<2x32x512xf32, #tpu.memory_space<vmem>>, vector<16xf32>,
        %parallel_loop3A_370 = arith.constant 1 : i32
        %parallel_loop3A_371 = arith.index_cast %parallel_loop3A_370 : i32 to index
        %parallel_loop3A_372 = arith.index_cast %parallel_loop3A_189 : i32 to index
        %parallel_loop3A_373 = arith.constant 288 : index
        %parallel_loop3A_374 = tpu.vector_load %arg12[%parallel_loop3A_371, %parallel_loop3A_372, %parallel_loop3A_373] {strides = array<i32>} : memref<2x32x512xf32, #tpu.memory_space<vmem>>, vector<16xf32>,
        %parallel_loop3A_375 = arith.constant 1 : i32
        %parallel_loop3A_376 = arith.index_cast %parallel_loop3A_375 : i32 to index
        %parallel_loop3A_377 = arith.index_cast %parallel_loop3A_189 : i32 to index
        %parallel_loop3A_378 = arith.constant 288 : index
        %parallel_loop3A_379 = tpu.vector_load %arg11[%parallel_loop3A_376, %parallel_loop3A_377, %parallel_loop3A_378] {strides = array<i32>} : memref<2x32x512xf32, #tpu.memory_space<vmem>>, vector<16xf32>,
        tpu.vector_store %arg11[%parallel_loop3A_376, %parallel_loop3A_377, %parallel_loop3A_378], %parallel_loop3A_374 {add = true, strides = array<i32>} : memref<2x32x512xf32, #tpu.memory_space<vmem>>, vector<16xf32>,
        %parallel_loop3A_380 = arith.constant 1 : i32
        %parallel_loop3A_381 = arith.index_cast %parallel_loop3A_380 : i32 to index
        %parallel_loop3A_382 = arith.index_cast %parallel_loop3A_189 : i32 to index
        %parallel_loop3A_383 = arith.constant 304 : index
        %parallel_loop3A_384 = tpu.vector_load %arg12[%parallel_loop3A_381, %parallel_loop3A_382, %parallel_loop3A_383] {strides = array<i32>} : memref<2x32x512xf32, #tpu.memory_space<vmem>>, vector<16xf32>,
        %parallel_loop3A_385 = arith.constant 1 : i32
        %parallel_loop3A_386 = arith.index_cast %parallel_loop3A_385 : i32 to index
        %parallel_loop3A_387 = arith.index_cast %parallel_loop3A_189 : i32 to index
        %parallel_loop3A_388 = arith.constant 304 : index
        %parallel_loop3A_389 = tpu.vector_load %arg11[%parallel_loop3A_386, %parallel_loop3A_387, %parallel_loop3A_388] {strides = array<i32>} : memref<2x32x512xf32, #tpu.memory_space<vmem>>, vector<16xf32>,
        tpu.vector_store %arg11[%parallel_loop3A_386, %parallel_loop3A_387, %parallel_loop3A_388], %parallel_loop3A_384 {add = true, strides = array<i32>} : memref<2x32x512xf32, #tpu.memory_space<vmem>>, vector<16xf32>,
        %parallel_loop3A_390 = arith.constant 1 : i32
        %parallel_loop3A_391 = arith.index_cast %parallel_loop3A_390 : i32 to index
        %parallel_loop3A_392 = arith.index_cast %parallel_loop3A_189 : i32 to index
        %parallel_loop3A_393 = arith.constant 320 : index
        %parallel_loop3A_394 = tpu.vector_load %arg12[%parallel_loop3A_391, %parallel_loop3A_392, %parallel_loop3A_393] {strides = array<i32>} : memref<2x32x512xf32, #tpu.memory_space<vmem>>, vector<16xf32>,
        %parallel_loop3A_395 = arith.constant 1 : i32
        %parallel_loop3A_396 = arith.index_cast %parallel_loop3A_395 : i32 to index
        %parallel_loop3A_397 = arith.index_cast %parallel_loop3A_189 : i32 to index
        %parallel_loop3A_398 = arith.constant 320 : index
        %parallel_loop3A_399 = tpu.vector_load %arg11[%parallel_loop3A_396, %parallel_loop3A_397, %parallel_loop3A_398] {strides = array<i32>} : memref<2x32x512xf32, #tpu.memory_space<vmem>>, vector<16xf32>,
        tpu.vector_store %arg11[%parallel_loop3A_396, %parallel_loop3A_397, %parallel_loop3A_398], %parallel_loop3A_394 {add = true, strides = array<i32>} : memref<2x32x512xf32, #tpu.memory_space<vmem>>, vector<16xf32>,
        %parallel_loop3A_400 = arith.constant 1 : i32
        %parallel_loop3A_401 = arith.index_cast %parallel_loop3A_400 : i32 to index
        %parallel_loop3A_402 = arith.index_cast %parallel_loop3A_189 : i32 to index
        %parallel_loop3A_403 = arith.constant 336 : index
        %parallel_loop3A_404 = tpu.vector_load %arg12[%parallel_loop3A_401, %parallel_loop3A_402, %parallel_loop3A_403] {strides = array<i32>} : memref<2x32x512xf32, #tpu.memory_space<vmem>>, vector<16xf32>,
        %parallel_loop3A_405 = arith.constant 1 : i32
        %parallel_loop3A_406 = arith.index_cast %parallel_loop3A_405 : i32 to index
        %parallel_loop3A_407 = arith.index_cast %parallel_loop3A_189 : i32 to index
        %parallel_loop3A_408 = arith.constant 336 : index
        %parallel_loop3A_409 = tpu.vector_load %arg11[%parallel_loop3A_406, %parallel_loop3A_407, %parallel_loop3A_408] {strides = array<i32>} : memref<2x32x512xf32, #tpu.memory_space<vmem>>, vector<16xf32>,
        tpu.vector_store %arg11[%parallel_loop3A_406, %parallel_loop3A_407, %parallel_loop3A_408], %parallel_loop3A_404 {add = true, strides = array<i32>} : memref<2x32x512xf32, #tpu.memory_space<vmem>>, vector<16xf32>,
        %parallel_loop3A_410 = arith.constant 1 : i32
        %parallel_loop3A_411 = arith.index_cast %parallel_loop3A_410 : i32 to index
        %parallel_loop3A_412 = arith.index_cast %parallel_loop3A_189 : i32 to index
        %parallel_loop3A_413 = arith.constant 352 : index
        %parallel_loop3A_414 = tpu.vector_load %arg12[%parallel_loop3A_411, %parallel_loop3A_412, %parallel_loop3A_413] {strides = array<i32>} : memref<2x32x512xf32, #tpu.memory_space<vmem>>, vector<16xf32>,
        %parallel_loop3A_415 = arith.constant 1 : i32
        %parallel_loop3A_416 = arith.index_cast %parallel_loop3A_415 : i32 to index
        %parallel_loop3A_417 = arith.index_cast %parallel_loop3A_189 : i32 to index
        %parallel_loop3A_418 = arith.constant 352 : index
        %parallel_loop3A_419 = tpu.vector_load %arg11[%parallel_loop3A_416, %parallel_loop3A_417, %parallel_loop3A_418] {strides = array<i32>} : memref<2x32x512xf32, #tpu.memory_space<vmem>>, vector<16xf32>,
        tpu.vector_store %arg11[%parallel_loop3A_416, %parallel_loop3A_417, %parallel_loop3A_418], %parallel_loop3A_414 {add = true, strides = array<i32>} : memref<2x32x512xf32, #tpu.memory_space<vmem>>, vector<16xf32>,
        %parallel_loop3A_420 = arith.constant 1 : i32
        %parallel_loop3A_421 = arith.index_cast %parallel_loop3A_420 : i32 to index
        %parallel_loop3A_422 = arith.index_cast %parallel_loop3A_189 : i32 to index
        %parallel_loop3A_423 = arith.constant 368 : index
        %parallel_loop3A_424 = tpu.vector_load %arg12[%parallel_loop3A_421, %parallel_loop3A_422, %parallel_loop3A_423] {strides = array<i32>} : memref<2x32x512xf32, #tpu.memory_space<vmem>>, vector<16xf32>,
        %parallel_loop3A_425 = arith.constant 1 : i32
        %parallel_loop3A_426 = arith.index_cast %parallel_loop3A_425 : i32 to index
        %parallel_loop3A_427 = arith.index_cast %parallel_loop3A_189 : i32 to index
        %parallel_loop3A_428 = arith.constant 368 : index
        %parallel_loop3A_429 = tpu.vector_load %arg11[%parallel_loop3A_426, %parallel_loop3A_427, %parallel_loop3A_428] {strides = array<i32>} : memref<2x32x512xf32, #tpu.memory_space<vmem>>, vector<16xf32>,
        tpu.vector_store %arg11[%parallel_loop3A_426, %parallel_loop3A_427, %parallel_loop3A_428], %parallel_loop3A_424 {add = true, strides = array<i32>} : memref<2x32x512xf32, #tpu.memory_space<vmem>>, vector<16xf32>,
        %parallel_loop3A_430 = arith.constant 1 : i32
        %parallel_loop3A_431 = arith.index_cast %parallel_loop3A_430 : i32 to index
        %parallel_loop3A_432 = arith.index_cast %parallel_loop3A_189 : i32 to index
        %parallel_loop3A_433 = arith.constant 384 : index
        %parallel_loop3A_434 = tpu.vector_load %arg12[%parallel_loop3A_431, %parallel_loop3A_432, %parallel_loop3A_433] {strides = array<i32>} : memref<2x32x512xf32, #tpu.memory_space<vmem>>, vector<16xf32>,
        %parallel_loop3A_435 = arith.constant 1 : i32
        %parallel_loop3A_436 = arith.index_cast %parallel_loop3A_435 : i32 to index
        %parallel_loop3A_437 = arith.index_cast %parallel_loop3A_189 : i32 to index
        %parallel_loop3A_438 = arith.constant 384 : index
        %parallel_loop3A_439 = tpu.vector_load %arg11[%parallel_loop3A_436, %parallel_loop3A_437, %parallel_loop3A_438] {strides = array<i32>} : memref<2x32x512xf32, #tpu.memory_space<vmem>>, vector<16xf32>,
        tpu.vector_store %arg11[%parallel_loop3A_436, %parallel_loop3A_437, %parallel_loop3A_438], %parallel_loop3A_434 {add = true, strides = array<i32>} : memref<2x32x512xf32, #tpu.memory_space<vmem>>, vector<16xf32>,
        %parallel_loop3A_440 = arith.constant 1 : i32
        %parallel_loop3A_441 = arith.index_cast %parallel_loop3A_440 : i32 to index
        %parallel_loop3A_442 = arith.index_cast %parallel_loop3A_189 : i32 to index
        %parallel_loop3A_443 = arith.constant 400 : index
        %parallel_loop3A_444 = tpu.vector_load %arg12[%parallel_loop3A_441, %parallel_loop3A_442, %parallel_loop3A_443] {strides = array<i32>} : memref<2x32x512xf32, #tpu.memory_space<vmem>>, vector<16xf32>,
        %parallel_loop3A_445 = arith.constant 1 : i32
        %parallel_loop3A_446 = arith.index_cast %parallel_loop3A_445 : i32 to index
        %parallel_loop3A_447 = arith.index_cast %parallel_loop3A_189 : i32 to index
        %parallel_loop3A_448 = arith.constant 400 : index
        %parallel_loop3A_449 = tpu.vector_load %arg11[%parallel_loop3A_446, %parallel_loop3A_447, %parallel_loop3A_448] {strides = array<i32>} : memref<2x32x512xf32, #tpu.memory_space<vmem>>, vector<16xf32>,
        tpu.vector_store %arg11[%parallel_loop3A_446, %parallel_loop3A_447, %parallel_loop3A_448], %parallel_loop3A_444 {add = true, strides = array<i32>} : memref<2x32x512xf32, #tpu.memory_space<vmem>>, vector<16xf32>,
        %parallel_loop3A_450 = arith.constant 1 : i32
        %parallel_loop3A_451 = arith.index_cast %parallel_loop3A_450 : i32 to index
        %parallel_loop3A_452 = arith.index_cast %parallel_loop3A_189 : i32 to index
        %parallel_loop3A_453 = arith.constant 416 : index
        %parallel_loop3A_454 = tpu.vector_load %arg12[%parallel_loop3A_451, %parallel_loop3A_452, %parallel_loop3A_453] {strides = array<i32>} : memref<2x32x512xf32, #tpu.memory_space<vmem>>, vector<16xf32>,
        %parallel_loop3A_455 = arith.constant 1 : i32
        %parallel_loop3A_456 = arith.index_cast %parallel_loop3A_455 : i32 to index
        %parallel_loop3A_457 = arith.index_cast %parallel_loop3A_189 : i32 to index
        %parallel_loop3A_458 = arith.constant 416 : index
        %parallel_loop3A_459 = tpu.vector_load %arg11[%parallel_loop3A_456, %parallel_loop3A_457, %parallel_loop3A_458] {strides = array<i32>} : memref<2x32x512xf32, #tpu.memory_space<vmem>>, vector<16xf32>,
        tpu.vector_store %arg11[%parallel_loop3A_456, %parallel_loop3A_457, %parallel_loop3A_458], %parallel_loop3A_454 {add = true, strides = array<i32>} : memref<2x32x512xf32, #tpu.memory_space<vmem>>, vector<16xf32>,
        %parallel_loop3A_460 = arith.constant 1 : i32
        %parallel_loop3A_461 = arith.index_cast %parallel_loop3A_460 : i32 to index
        %parallel_loop3A_462 = arith.index_cast %parallel_loop3A_189 : i32 to index
        %parallel_loop3A_463 = arith.constant 432 : index
        %parallel_loop3A_464 = tpu.vector_load %arg12[%parallel_loop3A_461, %parallel_loop3A_462, %parallel_loop3A_463] {strides = array<i32>} : memref<2x32x512xf32, #tpu.memory_space<vmem>>, vector<16xf32>,
        %parallel_loop3A_465 = arith.constant 1 : i32
        %parallel_loop3A_466 = arith.index_cast %parallel_loop3A_465 : i32 to index
        %parallel_loop3A_467 = arith.index_cast %parallel_loop3A_189 : i32 to index
        %parallel_loop3A_468 = arith.constant 432 : index
        %parallel_loop3A_469 = tpu.vector_load %arg11[%parallel_loop3A_466, %parallel_loop3A_467, %parallel_loop3A_468] {strides = array<i32>} : memref<2x32x512xf32, #tpu.memory_space<vmem>>, vector<16xf32>,
        tpu.vector_store %arg11[%parallel_loop3A_466, %parallel_loop3A_467, %parallel_loop3A_468], %parallel_loop3A_464 {add = true, strides = array<i32>} : memref<2x32x512xf32, #tpu.memory_space<vmem>>, vector<16xf32>,
        %parallel_loop3A_470 = arith.constant 1 : i32
        %parallel_loop3A_471 = arith.index_cast %parallel_loop3A_470 : i32 to index
        %parallel_loop3A_472 = arith.index_cast %parallel_loop3A_189 : i32 to index
        %parallel_loop3A_473 = arith.constant 448 : index
        %parallel_loop3A_474 = tpu.vector_load %arg12[%parallel_loop3A_471, %parallel_loop3A_472, %parallel_loop3A_473] {strides = array<i32>} : memref<2x32x512xf32, #tpu.memory_space<vmem>>, vector<16xf32>,
        %parallel_loop3A_475 = arith.constant 1 : i32
        %parallel_loop3A_476 = arith.index_cast %parallel_loop3A_475 : i32 to index
        %parallel_loop3A_477 = arith.index_cast %parallel_loop3A_189 : i32 to index
        %parallel_loop3A_478 = arith.constant 448 : index
        %parallel_loop3A_479 = tpu.vector_load %arg11[%parallel_loop3A_476, %parallel_loop3A_477, %parallel_loop3A_478] {strides = array<i32>} : memref<2x32x512xf32, #tpu.memory_space<vmem>>, vector<16xf32>,
        tpu.vector_store %arg11[%parallel_loop3A_476, %parallel_loop3A_477, %parallel_loop3A_478], %parallel_loop3A_474 {add = true, strides = array<i32>} : memref<2x32x512xf32, #tpu.memory_space<vmem>>, vector<16xf32>,
        %parallel_loop3A_480 = arith.constant 1 : i32
        %parallel_loop3A_481 = arith.index_cast %parallel_loop3A_480 : i32 to index
        %parallel_loop3A_482 = arith.index_cast %parallel_loop3A_189 : i32 to index
        %parallel_loop3A_483 = arith.constant 464 : index
        %parallel_loop3A_484 = tpu.vector_load %arg12[%parallel_loop3A_481, %parallel_loop3A_482, %parallel_loop3A_483] {strides = array<i32>} : memref<2x32x512xf32, #tpu.memory_space<vmem>>, vector<16xf32>,
        %parallel_loop3A_485 = arith.constant 1 : i32
        %parallel_loop3A_486 = arith.index_cast %parallel_loop3A_485 : i32 to index
        %parallel_loop3A_487 = arith.index_cast %parallel_loop3A_189 : i32 to index
        %parallel_loop3A_488 = arith.constant 464 : index
        %parallel_loop3A_489 = tpu.vector_load %arg11[%parallel_loop3A_486, %parallel_loop3A_487, %parallel_loop3A_488] {strides = array<i32>} : memref<2x32x512xf32, #tpu.memory_space<vmem>>, vector<16xf32>,
        tpu.vector_store %arg11[%parallel_loop3A_486, %parallel_loop3A_487, %parallel_loop3A_488], %parallel_loop3A_484 {add = true, strides = array<i32>} : memref<2x32x512xf32, #tpu.memory_space<vmem>>, vector<16xf32>,
        %parallel_loop3A_490 = arith.constant 1 : i32
        %parallel_loop3A_491 = arith.index_cast %parallel_loop3A_490 : i32 to index
        %parallel_loop3A_492 = arith.index_cast %parallel_loop3A_189 : i32 to index
        %parallel_loop3A_493 = arith.constant 480 : index
        %parallel_loop3A_494 = tpu.vector_load %arg12[%parallel_loop3A_491, %parallel_loop3A_492, %parallel_loop3A_493] {strides = array<i32>} : memref<2x32x512xf32, #tpu.memory_space<vmem>>, vector<16xf32>,
        %parallel_loop3A_495 = arith.constant 1 : i32
        %parallel_loop3A_496 = arith.index_cast %parallel_loop3A_495 : i32 to index
        %parallel_loop3A_497 = arith.index_cast %parallel_loop3A_189 : i32 to index
        %parallel_loop3A_498 = arith.constant 480 : index
        %parallel_loop3A_499 = tpu.vector_load %arg11[%parallel_loop3A_496, %parallel_loop3A_497, %parallel_loop3A_498] {strides = array<i32>} : memref<2x32x512xf32, #tpu.memory_space<vmem>>, vector<16xf32>,
        tpu.vector_store %arg11[%parallel_loop3A_496, %parallel_loop3A_497, %parallel_loop3A_498], %parallel_loop3A_494 {add = true, strides = array<i32>} : memref<2x32x512xf32, #tpu.memory_space<vmem>>, vector<16xf32>,
        %parallel_loop3A_500 = arith.constant 1 : i32
        %parallel_loop3A_501 = arith.index_cast %parallel_loop3A_500 : i32 to index
        %parallel_loop3A_502 = arith.index_cast %parallel_loop3A_189 : i32 to index
        %parallel_loop3A_503 = arith.constant 496 : index
        %parallel_loop3A_504 = tpu.vector_load %arg12[%parallel_loop3A_501, %parallel_loop3A_502, %parallel_loop3A_503] {strides = array<i32>} : memref<2x32x512xf32, #tpu.memory_space<vmem>>, vector<16xf32>,
        %parallel_loop3A_505 = arith.constant 1 : i32
        %parallel_loop3A_506 = arith.index_cast %parallel_loop3A_505 : i32 to index
        %parallel_loop3A_507 = arith.index_cast %parallel_loop3A_189 : i32 to index
        %parallel_loop3A_508 = arith.constant 496 : index
        %parallel_loop3A_509 = tpu.vector_load %arg11[%parallel_loop3A_506, %parallel_loop3A_507, %parallel_loop3A_508] {strides = array<i32>} : memref<2x32x512xf32, #tpu.memory_space<vmem>>, vector<16xf32>,
        tpu.vector_store %arg11[%parallel_loop3A_506, %parallel_loop3A_507, %parallel_loop3A_508], %parallel_loop3A_504 {add = true, strides = array<i32>} : memref<2x32x512xf32, #tpu.memory_space<vmem>>, vector<16xf32>,
      } {sc.loop_unroll_factor = 2 : i64, sc.parallel_access}
      %add3A_140 = arith.addi %mul3A_2, %mul3A_22 : i32
      %dma_start3A_141 = arith.constant 1 : i32
      %dma_start3A_142 = arith.constant 1 : i32
      %dma_start3A_143 = arith.constant 0 : i32
      %dma_start3A_144 = arith.constant 0 : i32
      %dma_start3A_145 = tpu.memref_slice %arg11[%dma_start3A_141, %dma_start3A_143, %dma_start3A_144] : memref<2x32x512xf32, #tpu.memory_space<vmem>> -> memref<1x32x512xf32, #tpu.memory_space<vmem>>
      %dma_start3A_146 = tpu.memref_squeeze %dma_start3A_145 : memref<1x32x512xf32, #tpu.memory_space<vmem>> -> memref<32x512xf32, #tpu.memory_space<vmem>>
      %dma_start3A_147 = arith.constant 0 : i32
      %dma_start3A_148 = tpu.memref_slice %arg6[%add3A_140, %dma_start3A_147] : memref<204800x512xf32, #tpu.memory_space<hbm>> -> memref<32x512xf32, #tpu.memory_space<hbm>>
      %dma_start3A_149 = tpu.memref_slice %arg15[%dma_start3A_142] : memref<2x!tpu.dma_semaphore, #tpu.memory_space<semaphore_mem>> -> memref<1x!tpu.dma_semaphore, #tpu.memory_space<semaphore_mem>>
      %dma_start3A_150 = tpu.memref_squeeze %dma_start3A_149 : memref<1x!tpu.dma_semaphore, #tpu.memory_space<semaphore_mem>> -> memref<!tpu.dma_semaphore, #tpu.memory_space<semaphore_mem>>
      %dma_start3A_151 = arith.constant 0 : i32
      %dma_start3A_152 = tpu.memref_slice %arg6[%add3A_140, %dma_start3A_151] : memref<204800x512xf32, #tpu.memory_space<hbm>> -> memref<32x512xf32, #tpu.memory_space<hbm>>
      %dma_start3A_153 = arith.constant 0 : i32
      %dma_start3A_154 = arith.constant 0 : i32
      %dma_start3A_155 = tpu.memref_slice %arg11[%dma_start3A_141, %dma_start3A_153, %dma_start3A_154] : memref<2x32x512xf32, #tpu.memory_space<vmem>> -> memref<1x32x512xf32, #tpu.memory_space<vmem>>
      %dma_start3A_156 = tpu.memref_squeeze %dma_start3A_155 : memref<1x32x512xf32, #tpu.memory_space<vmem>> -> memref<32x512xf32, #tpu.memory_space<vmem>>
      tpu.enqueue_dma source(%dma_start3A_156 : memref<32x512xf32, #tpu.memory_space<vmem>>) target(%dma_start3A_152 : memref<32x512xf32, #tpu.memory_space<hbm>>) target_semaphore(%dma_start3A_150 : memref<!tpu.dma_semaphore, #tpu.memory_space<semaphore_mem>>)
      %dma_wait3A_157 = arith.constant 0 : i32
      %dma_wait3A_158 = arith.constant 0 : i32
      %dma_wait3A_159 = arith.constant 0 : i32
      %dma_wait3A_160 = arith.constant 0 : i32
      %dma_wait3A_161 = tpu.memref_slice %arg11[%dma_wait3A_157, %dma_wait3A_159, %dma_wait3A_160] : memref<2x32x512xf32, #tpu.memory_space<vmem>> -> memref<1x32x512xf32, #tpu.memory_space<vmem>>
      %dma_wait3A_162 = tpu.memref_squeeze %dma_wait3A_161 : memref<1x32x512xf32, #tpu.memory_space<vmem>> -> memref<32x512xf32, #tpu.memory_space<vmem>>
      %dma_wait3A_163 = arith.constant 0 : i32
      %dma_wait3A_164 = tpu.memref_slice %arg6[%add3A_96, %dma_wait3A_163] : memref<204800x512xf32, #tpu.memory_space<hbm>> -> memref<32x512xf32, #tpu.memory_space<hbm>>
      %dma_wait3A_165 = tpu.memref_slice %arg15[%dma_wait3A_158] : memref<2x!tpu.dma_semaphore, #tpu.memory_space<semaphore_mem>> -> memref<1x!tpu.dma_semaphore, #tpu.memory_space<semaphore_mem>>
      %dma_wait3A_166 = tpu.memref_squeeze %dma_wait3A_165 : memref<1x!tpu.dma_semaphore, #tpu.memory_space<semaphore_mem>> -> memref<!tpu.dma_semaphore, #tpu.memory_space<semaphore_mem>>
      %dma_wait3A_167 = arith.constant 0 : i32
      %dma_wait3A_168 = tpu.memref_slice %arg6[%add3A_96, %dma_wait3A_167] : memref<204800x512xf32, #tpu.memory_space<hbm>> -> memref<32x512xf32, #tpu.memory_space<hbm>>
      %dma_wait3A_169 = arith.constant 0 : i32
      %dma_wait3A_170 = arith.constant 0 : i32
      %dma_wait3A_171 = tpu.memref_slice %arg11[%dma_wait3A_157, %dma_wait3A_169, %dma_wait3A_170] : memref<2x32x512xf32, #tpu.memory_space<vmem>> -> memref<1x32x512xf32, #tpu.memory_space<vmem>>
      %dma_wait3A_172 = tpu.memref_squeeze %dma_wait3A_171 : memref<1x32x512xf32, #tpu.memory_space<vmem>> -> memref<32x512xf32, #tpu.memory_space<vmem>>
      tpu.wait_dma2 semaphore(%dma_wait3A_166 : memref<!tpu.dma_semaphore, #tpu.memory_space<semaphore_mem>>) src(%dma_wait3A_172 : memref<32x512xf32, #tpu.memory_space<vmem>>) dst(%dma_wait3A_168 : memref<32x512xf32, #tpu.memory_space<hbm>>)
      %dma_wait3A_173 = arith.constant 1 : i32
      %dma_wait3A_174 = arith.constant 1 : i32
      %dma_wait3A_175 = arith.constant 0 : i32
      %dma_wait3A_176 = arith.constant 0 : i32
      %dma_wait3A_177 = tpu.memref_slice %arg11[%dma_wait3A_173, %dma_wait3A_175, %dma_wait3A_176] : memref<2x32x512xf32, #tpu.memory_space<vmem>> -> memref<1x32x512xf32, #tpu.memory_space<vmem>>
      %dma_wait3A_178 = tpu.memref_squeeze %dma_wait3A_177 : memref<1x32x512xf32, #tpu.memory_space<vmem>> -> memref<32x512xf32, #tpu.memory_space<vmem>>
      %dma_wait3A_179 = arith.constant 0 : i32
      %dma_wait3A_180 = tpu.memref_slice %arg6[%add3A_140, %dma_wait3A_179] : memref<204800x512xf32, #tpu.memory_space<hbm>> -> memref<32x512xf32, #tpu.memory_space<hbm>>
      %dma_wait3A_181 = tpu.memref_slice %arg15[%dma_wait3A_174] : memref<2x!tpu.dma_semaphore, #tpu.memory_space<semaphore_mem>> -> memref<1x!tpu.dma_semaphore, #tpu.memory_space<semaphore_mem>>
      %dma_wait3A_182 = tpu.memref_squeeze %dma_wait3A_181 : memref<1x!tpu.dma_semaphore, #tpu.memory_space<semaphore_mem>> -> memref<!tpu.dma_semaphore, #tpu.memory_space<semaphore_mem>>
      %dma_wait3A_183 = arith.constant 0 : i32
      %dma_wait3A_184 = tpu.memref_slice %arg6[%add3A_140, %dma_wait3A_183] : memref<204800x512xf32, #tpu.memory_space<hbm>> -> memref<32x512xf32, #tpu.memory_space<hbm>>
      %dma_wait3A_185 = arith.constant 0 : i32
      %dma_wait3A_186 = arith.constant 0 : i32
      %dma_wait3A_187 = tpu.memref_slice %arg11[%dma_wait3A_173, %dma_wait3A_185, %dma_wait3A_186] : memref<2x32x512xf32, #tpu.memory_space<vmem>> -> memref<1x32x512xf32, #tpu.memory_space<vmem>>
      %dma_wait3A_188 = tpu.memref_squeeze %dma_wait3A_187 : memref<1x32x512xf32, #tpu.memory_space<vmem>> -> memref<32x512xf32, #tpu.memory_space<vmem>>
      tpu.wait_dma2 semaphore(%dma_wait3A_182 : memref<!tpu.dma_semaphore, #tpu.memory_space<semaphore_mem>>) src(%dma_wait3A_188 : memref<32x512xf32, #tpu.memory_space<vmem>>) dst(%dma_wait3A_184 : memref<32x512xf32, #tpu.memory_space<hbm>>)
    }
    %scan3A_9 = arith.constant 100 : i32
    return
  }
}

module attributes {stable_mosaic.version = 14 : i64} {
  func.func @_tab_body(%arg0: memref<11x512xf32, #tpu.memory_space<vmem>>, %arg1: memref<65x512xf32, #tpu.memory_space<vmem>>, %arg2: memref<2200x512xf32, #tpu.memory_space<vmem>>, %arg3: memref<2210x512xf32, #tpu.memory_space<vmem>>) attributes {dimension_semantics = [], scalar_prefetch = 0 : i64, scratch_operands = 0 : i64, tpu.core_type = #tpu.core_type<tc>} {
    %iota3A = tpu.iota {dimensions = array<i32: 1>} : vector<2200x512xi32>
    %iota3A_0 = tpu.iota {dimensions = array<i32: 0>} : vector<2200x512xi32>
    %jit3A = arith.constant 200 : i32
    %eq3A = arith.constant 0 : i32
    %eq3A_1 = arith.cmpi eq, %jit3A, %eq3A : i32
    %jit3A_2 = arith.constant 1 : i32
    %select_n3A = arith.select %eq3A_1, %jit3A_2, %jit3A : i32
    %rem3A = vector.broadcast %select_n3A : i32 to vector<2200x512xi32>
    %rem3A_3 = arith.remsi %iota3A_0, %rem3A : vector<2200x512xi32>
    %ne3A = arith.constant 0 : i32
    %ne3A_4 = vector.broadcast %ne3A : i32 to vector<2200x512xi32>
    %ne3A_5 = arith.cmpi ne, %rem3A_3, %ne3A_4 : vector<2200x512xi32>
    %lt3A = arith.constant 0 : i32
    %lt3A_6 = vector.broadcast %lt3A : i32 to vector<2200x512xi32>
    %lt3A_7 = arith.cmpi slt, %rem3A_3, %lt3A_6 : vector<2200x512xi32>
    %lt3A_8 = arith.constant 0 : i32
    %lt3A_9 = arith.cmpi slt, %select_n3A, %lt3A_8 : i32
    %ne3A_10 = vector.broadcast %lt3A_9 : i1 to vector<2200x512xi1>
    %ne3A_11 = vector.broadcast %ne3A_10 : vector<2200x512xi1> to vector<2200x512xi1>
    %ne3A_12 = arith.xori %lt3A_7, %ne3A_11 : vector<2200x512xi1>
    %and3A = arith.andi %ne3A_12, %ne3A_5 : vector<2200x512xi1>
    %add3A = vector.broadcast %select_n3A : i32 to vector<2200x512xi32>
    %add3A_13 = arith.addi %rem3A_3, %add3A : vector<2200x512xi32>
    %select_n3A_14 = arith.select %and3A, %add3A_13, %rem3A_3 : vector<2200x512xi1>, vector<2200x512xi32>
    %convert_element_type3A = arith.sitofp %select_n3A_14 : vector<2200x512xi32> to vector<2200x512xf32>
    %jit3A_15 = arith.constant 2 : i32
    %div3A = vector.broadcast %jit3A_15 : i32 to vector<2200x512xi32>
    %div3A_16 = arith.divsi %iota3A, %div3A : vector<2200x512xi32>
    %sign3A = arith.constant 0 : i32
    %sign3A_17 = vector.broadcast %sign3A : i32 to vector<2200x512xi32>
    %sign3A_18 = arith.cmpi sgt, %iota3A, %sign3A_17 : vector<2200x512xi32>
    %sign3A_19 = arith.extui %sign3A_18 : vector<2200x512xi1> to vector<2200x512xi32>
    %sign3A_20 = arith.constant 0 : i32
    %sign3A_21 = vector.broadcast %sign3A_20 : i32 to vector<2200x512xi32>
    %sign3A_22 = arith.cmpi slt, %iota3A, %sign3A_21 : vector<2200x512xi32>
    %sign3A_23 = arith.extui %sign3A_22 : vector<2200x512xi1> to vector<2200x512xi32>
    %sign3A_24 = arith.subi %sign3A_19, %sign3A_23 : vector<2200x512xi32>
    %sign3A_25 = arith.constant 0 : i32
    %sign3A_26 = arith.cmpi sgt, %jit3A_15, %sign3A_25 : i32
    %sign3A_27 = arith.extui %sign3A_26 : i1 to i32
    %sign3A_28 = arith.constant 0 : i32
    %sign3A_29 = arith.cmpi slt, %jit3A_15, %sign3A_28 : i32
    %sign3A_30 = arith.extui %sign3A_29 : i1 to i32
    %sign3A_31 = arith.subi %sign3A_27, %sign3A_30 : i32
    %ne3A_32 = vector.broadcast %sign3A_31 : i32 to vector<2200x512xi32>
    %ne3A_33 = arith.cmpi ne, %sign3A_24, %ne3A_32 : vector<2200x512xi32>
    %rem3A_34 = vector.broadcast %jit3A_15 : i32 to vector<2200x512xi32>
    %rem3A_35 = arith.remsi %iota3A, %rem3A_34 : vector<2200x512xi32>
    %ne3A_36 = arith.constant 0 : i32
    %ne3A_37 = vector.broadcast %ne3A_36 : i32 to vector<2200x512xi32>
    %ne3A_38 = arith.cmpi ne, %rem3A_35, %ne3A_37 : vector<2200x512xi32>
    %and3A_39 = arith.andi %ne3A_33, %ne3A_38 : vector<2200x512xi1>
    %sub3A = arith.constant 1 : i32
    %sub3A_40 = vector.broadcast %sub3A : i32 to vector<2200x512xi32>
    %sub3A_41 = arith.subi %div3A_16, %sub3A_40 : vector<2200x512xi32>
    %select_n3A_42 = arith.select %and3A_39, %sub3A_41, %div3A_16 : vector<2200x512xi1>, vector<2200x512xi32>
    %mul3A = arith.constant 2 : i32
    %mul3A_43 = vector.broadcast %mul3A : i32 to vector<2200x512xi32>
    %mul3A_44 = arith.muli %select_n3A_42, %mul3A_43 : vector<2200x512xi32>
    %convert_element_type3A_45 = arith.sitofp %mul3A_44 : vector<2200x512xi32> to vector<2200x512xf32>
    %mul3A_46 = arith.constant -0.0179889463 : f32
    %mul3A_47 = vector.broadcast %mul3A_46 : f32 to vector<2200x512xf32>
    %mul3A_48 = arith.mulf %convert_element_type3A_45, %mul3A_47 : vector<2200x512xf32>
    %exp3A = math.exp %mul3A_48 : vector<2200x512xf32>
    %mul3A_49 = arith.mulf %convert_element_type3A, %exp3A : vector<2200x512xf32>
    %jit3A_50 = arith.constant 2 : i32
    %eq3A_51 = arith.constant 0 : i32
    %eq3A_52 = arith.cmpi eq, %jit3A_50, %eq3A_51 : i32
    %jit3A_53 = arith.constant 1 : i32
    %select_n3A_54 = arith.select %eq3A_52, %jit3A_53, %jit3A_50 : i32
    %rem3A_55 = vector.broadcast %select_n3A_54 : i32 to vector<2200x512xi32>
    %rem3A_56 = arith.remsi %iota3A, %rem3A_55 : vector<2200x512xi32>
    %ne3A_57 = arith.constant 0 : i32
    %ne3A_58 = vector.broadcast %ne3A_57 : i32 to vector<2200x512xi32>
    %ne3A_59 = arith.cmpi ne, %rem3A_56, %ne3A_58 : vector<2200x512xi32>
    %lt3A_60 = arith.constant 0 : i32
    %lt3A_61 = vector.broadcast %lt3A_60 : i32 to vector<2200x512xi32>
    %lt3A_62 = arith.cmpi slt, %rem3A_56, %lt3A_61 : vector<2200x512xi32>
    %lt3A_63 = arith.constant 0 : i32
    %lt3A_64 = arith.cmpi slt, %select_n3A_54, %lt3A_63 : i32
    %ne3A_65 = vector.broadcast %lt3A_64 : i1 to vector<2200x512xi1>
    %ne3A_66 = vector.broadcast %ne3A_65 : vector<2200x512xi1> to vector<2200x512xi1>
    %ne3A_67 = arith.xori %lt3A_62, %ne3A_66 : vector<2200x512xi1>
    %and3A_68 = arith.andi %ne3A_67, %ne3A_59 : vector<2200x512xi1>
    %add3A_69 = vector.broadcast %select_n3A_54 : i32 to vector<2200x512xi32>
    %add3A_70 = arith.addi %rem3A_56, %add3A_69 : vector<2200x512xi32>
    %select_n3A_71 = arith.select %and3A_68, %add3A_70, %rem3A_56 : vector<2200x512xi1>, vector<2200x512xi32>
    %eq3A_72 = arith.constant 0 : i32
    %eq3A_73 = vector.broadcast %eq3A_72 : i32 to vector<2200x512xi32>
    %eq3A_74 = arith.cmpi eq, %select_n3A_71, %eq3A_73 : vector<2200x512xi32>
    %sin3A = math.sin %mul3A_49 : vector<2200x512xf32>
    %cos3A = math.cos %mul3A_49 : vector<2200x512xf32>
    %select_n3A_75 = arith.select %eq3A_74, %sin3A, %cos3A : vector<2200x512xi1>, vector<2200x512xf32>
    %iota3A_76 = tpu.iota {dimensions = array<i32: 0>} : vector<2200x11xi32>
    %jit3A_77 = arith.constant 200 : i32
    %div3A_78 = vector.broadcast %jit3A_77 : i32 to vector<2200x11xi32>
    %div3A_79 = arith.divsi %iota3A_76, %div3A_78 : vector<2200x11xi32>
    %sign3A_80 = arith.constant 0 : i32
    %sign3A_81 = vector.broadcast %sign3A_80 : i32 to vector<2200x11xi32>
    %sign3A_82 = arith.cmpi sgt, %iota3A_76, %sign3A_81 : vector<2200x11xi32>
    %sign3A_83 = arith.extui %sign3A_82 : vector<2200x11xi1> to vector<2200x11xi32>
    %sign3A_84 = arith.constant 0 : i32
    %sign3A_85 = vector.broadcast %sign3A_84 : i32 to vector<2200x11xi32>
    %sign3A_86 = arith.cmpi slt, %iota3A_76, %sign3A_85 : vector<2200x11xi32>
    %sign3A_87 = arith.extui %sign3A_86 : vector<2200x11xi1> to vector<2200x11xi32>
    %sign3A_88 = arith.subi %sign3A_83, %sign3A_87 : vector<2200x11xi32>
    %sign3A_89 = arith.constant 0 : i32
    %sign3A_90 = arith.cmpi sgt, %jit3A_77, %sign3A_89 : i32
    %sign3A_91 = arith.extui %sign3A_90 : i1 to i32
    %sign3A_92 = arith.constant 0 : i32
    %sign3A_93 = arith.cmpi slt, %jit3A_77, %sign3A_92 : i32
    %sign3A_94 = arith.extui %sign3A_93 : i1 to i32
    %sign3A_95 = arith.subi %sign3A_91, %sign3A_94 : i32
    %ne3A_96 = vector.broadcast %sign3A_95 : i32 to vector<2200x11xi32>
    %ne3A_97 = arith.cmpi ne, %sign3A_88, %ne3A_96 : vector<2200x11xi32>
    %rem3A_98 = vector.broadcast %jit3A_77 : i32 to vector<2200x11xi32>
    %rem3A_99 = arith.remsi %iota3A_76, %rem3A_98 : vector<2200x11xi32>
    %ne3A_100 = arith.constant 0 : i32
    %ne3A_101 = vector.broadcast %ne3A_100 : i32 to vector<2200x11xi32>
    %ne3A_102 = arith.cmpi ne, %rem3A_99, %ne3A_101 : vector<2200x11xi32>
    %and3A_103 = arith.andi %ne3A_97, %ne3A_102 : vector<2200x11xi1>
    %sub3A_104 = arith.constant 1 : i32
    %sub3A_105 = vector.broadcast %sub3A_104 : i32 to vector<2200x11xi32>
    %sub3A_106 = arith.subi %div3A_79, %sub3A_105 : vector<2200x11xi32>
    %select_n3A_107 = arith.select %and3A_103, %sub3A_106, %div3A_79 : vector<2200x11xi1>, vector<2200x11xi32>
    %iota3A_108 = tpu.iota {dimensions = array<i32: 1>} : vector<2200x11xi32>
    %eq3A_109 = arith.cmpi eq, %select_n3A_107, %iota3A_108 : vector<2200x11xi32>
    %convert_element_type3A_110 = arith.extui %eq3A_109 : vector<2200x11xi1> to vector<2200x11xi32>
    %convert_element_type3A_111 = arith.sitofp %convert_element_type3A_110 : vector<2200x11xi32> to vector<2200x11xf32>
    %get3A = arith.constant 0 : index
    %get3A_112 = arith.constant 0 : index
    %get3A_113 = vector.load %arg0[%get3A, %get3A_112] : memref<11x512xf32, #tpu.memory_space<vmem>>, vector<11x512xf32>
    %dot_general3A = arith.constant dense<0.000000e+00> : vector<2200x512xf32>
    %dot_general3A_114 = tpu.matmul %convert_element_type3A_111, %get3A_113, %dot_general3A {dimension_numbers = #tpu.dot_dimension_numbers<[1], [0], [0], [1], [0, 0, 1, 1], [], []>, transpose_lhs_hint = false} : vector<2200x11xf32>, vector<11x512xf32>, vector<2200x512xf32> -> vector<2200x512xf32>
    %add3A_115 = arith.addf %select_n3A_75, %dot_general3A_114 : vector<2200x512xf32>
    %swap3A = arith.constant 0 : index
    %swap3A_116 = arith.constant 0 : index
    %swap3A_117 = vector.load %arg2[%swap3A, %swap3A_116] : memref<2200x512xf32, #tpu.memory_space<vmem>>, vector<2200x512xf32>
    tpu.vector_store %arg2[%swap3A, %swap3A_116], %add3A_115 {strides = array<i32>} : memref<2200x512xf32, #tpu.memory_space<vmem>>, vector<2200x512xf32>,
    %get3A_118 = arith.constant 0 : index
    %get3A_119 = arith.constant 0 : index
    %get3A_120 = vector.load %arg1[%get3A_118, %get3A_119] : memref<65x512xf32, #tpu.memory_space<vmem>>, vector<65x512xf32>
    %swap3A_121 = arith.constant 0 : index
    %swap3A_122 = arith.constant 0 : index
    %swap3A_123 = vector.load %arg3[%swap3A_121, %swap3A_122] : memref<2210x512xf32, #tpu.memory_space<vmem>>, vector<65x512xf32>
    tpu.vector_store %arg3[%swap3A_121, %swap3A_122], %get3A_120 {strides = array<i32>} : memref<2210x512xf32, #tpu.memory_space<vmem>>, vector<65x512xf32>,
    %swap3A_124 = arith.constant 65 : index
    %swap3A_125 = arith.constant 0 : index
    %swap3A_126 = vector.load %arg3[%swap3A_124, %swap3A_125] : memref<2210x512xf32, #tpu.memory_space<vmem>>, vector<65x512xf32>
    tpu.vector_store %arg3[%swap3A_124, %swap3A_125], %get3A_120 {strides = array<i32>} : memref<2210x512xf32, #tpu.memory_space<vmem>>, vector<65x512xf32>,
    %swap3A_127 = arith.constant 130 : index
    %swap3A_128 = arith.constant 0 : index
    %swap3A_129 = vector.load %arg3[%swap3A_127, %swap3A_128] : memref<2210x512xf32, #tpu.memory_space<vmem>>, vector<65x512xf32>
    tpu.vector_store %arg3[%swap3A_127, %swap3A_128], %get3A_120 {strides = array<i32>} : memref<2210x512xf32, #tpu.memory_space<vmem>>, vector<65x512xf32>,
    %swap3A_130 = arith.constant 195 : index
    %swap3A_131 = arith.constant 0 : index
    %swap3A_132 = vector.load %arg3[%swap3A_130, %swap3A_131] : memref<2210x512xf32, #tpu.memory_space<vmem>>, vector<65x512xf32>
    tpu.vector_store %arg3[%swap3A_130, %swap3A_131], %get3A_120 {strides = array<i32>} : memref<2210x512xf32, #tpu.memory_space<vmem>>, vector<65x512xf32>,
    %swap3A_133 = arith.constant 260 : index
    %swap3A_134 = arith.constant 0 : index
    %swap3A_135 = vector.load %arg3[%swap3A_133, %swap3A_134] : memref<2210x512xf32, #tpu.memory_space<vmem>>, vector<65x512xf32>
    tpu.vector_store %arg3[%swap3A_133, %swap3A_134], %get3A_120 {strides = array<i32>} : memref<2210x512xf32, #tpu.memory_space<vmem>>, vector<65x512xf32>,
    %swap3A_136 = arith.constant 325 : index
    %swap3A_137 = arith.constant 0 : index
    %swap3A_138 = vector.load %arg3[%swap3A_136, %swap3A_137] : memref<2210x512xf32, #tpu.memory_space<vmem>>, vector<65x512xf32>
    tpu.vector_store %arg3[%swap3A_136, %swap3A_137], %get3A_120 {strides = array<i32>} : memref<2210x512xf32, #tpu.memory_space<vmem>>, vector<65x512xf32>,
    %swap3A_139 = arith.constant 390 : index
    %swap3A_140 = arith.constant 0 : index
    %swap3A_141 = vector.load %arg3[%swap3A_139, %swap3A_140] : memref<2210x512xf32, #tpu.memory_space<vmem>>, vector<65x512xf32>
    tpu.vector_store %arg3[%swap3A_139, %swap3A_140], %get3A_120 {strides = array<i32>} : memref<2210x512xf32, #tpu.memory_space<vmem>>, vector<65x512xf32>,
    %swap3A_142 = arith.constant 455 : index
    %swap3A_143 = arith.constant 0 : index
    %swap3A_144 = vector.load %arg3[%swap3A_142, %swap3A_143] : memref<2210x512xf32, #tpu.memory_space<vmem>>, vector<65x512xf32>
    tpu.vector_store %arg3[%swap3A_142, %swap3A_143], %get3A_120 {strides = array<i32>} : memref<2210x512xf32, #tpu.memory_space<vmem>>, vector<65x512xf32>,
    %swap3A_145 = arith.constant 520 : index
    %swap3A_146 = arith.constant 0 : index
    %swap3A_147 = vector.load %arg3[%swap3A_145, %swap3A_146] : memref<2210x512xf32, #tpu.memory_space<vmem>>, vector<65x512xf32>
    tpu.vector_store %arg3[%swap3A_145, %swap3A_146], %get3A_120 {strides = array<i32>} : memref<2210x512xf32, #tpu.memory_space<vmem>>, vector<65x512xf32>,
    %swap3A_148 = arith.constant 585 : index
    %swap3A_149 = arith.constant 0 : index
    %swap3A_150 = vector.load %arg3[%swap3A_148, %swap3A_149] : memref<2210x512xf32, #tpu.memory_space<vmem>>, vector<65x512xf32>
    tpu.vector_store %arg3[%swap3A_148, %swap3A_149], %get3A_120 {strides = array<i32>} : memref<2210x512xf32, #tpu.memory_space<vmem>>, vector<65x512xf32>,
    %swap3A_151 = arith.constant 650 : index
    %swap3A_152 = arith.constant 0 : index
    %swap3A_153 = vector.load %arg3[%swap3A_151, %swap3A_152] : memref<2210x512xf32, #tpu.memory_space<vmem>>, vector<65x512xf32>
    tpu.vector_store %arg3[%swap3A_151, %swap3A_152], %get3A_120 {strides = array<i32>} : memref<2210x512xf32, #tpu.memory_space<vmem>>, vector<65x512xf32>,
    %swap3A_154 = arith.constant 715 : index
    %swap3A_155 = arith.constant 0 : index
    %swap3A_156 = vector.load %arg3[%swap3A_154, %swap3A_155] : memref<2210x512xf32, #tpu.memory_space<vmem>>, vector<65x512xf32>
    tpu.vector_store %arg3[%swap3A_154, %swap3A_155], %get3A_120 {strides = array<i32>} : memref<2210x512xf32, #tpu.memory_space<vmem>>, vector<65x512xf32>,
    %swap3A_157 = arith.constant 780 : index
    %swap3A_158 = arith.constant 0 : index
    %swap3A_159 = vector.load %arg3[%swap3A_157, %swap3A_158] : memref<2210x512xf32, #tpu.memory_space<vmem>>, vector<65x512xf32>
    tpu.vector_store %arg3[%swap3A_157, %swap3A_158], %get3A_120 {strides = array<i32>} : memref<2210x512xf32, #tpu.memory_space<vmem>>, vector<65x512xf32>,
    %swap3A_160 = arith.constant 845 : index
    %swap3A_161 = arith.constant 0 : index
    %swap3A_162 = vector.load %arg3[%swap3A_160, %swap3A_161] : memref<2210x512xf32, #tpu.memory_space<vmem>>, vector<65x512xf32>
    tpu.vector_store %arg3[%swap3A_160, %swap3A_161], %get3A_120 {strides = array<i32>} : memref<2210x512xf32, #tpu.memory_space<vmem>>, vector<65x512xf32>,
    %swap3A_163 = arith.constant 910 : index
    %swap3A_164 = arith.constant 0 : index
    %swap3A_165 = vector.load %arg3[%swap3A_163, %swap3A_164] : memref<2210x512xf32, #tpu.memory_space<vmem>>, vector<65x512xf32>
    tpu.vector_store %arg3[%swap3A_163, %swap3A_164], %get3A_120 {strides = array<i32>} : memref<2210x512xf32, #tpu.memory_space<vmem>>, vector<65x512xf32>,
    %swap3A_166 = arith.constant 975 : index
    %swap3A_167 = arith.constant 0 : index
    %swap3A_168 = vector.load %arg3[%swap3A_166, %swap3A_167] : memref<2210x512xf32, #tpu.memory_space<vmem>>, vector<65x512xf32>
    tpu.vector_store %arg3[%swap3A_166, %swap3A_167], %get3A_120 {strides = array<i32>} : memref<2210x512xf32, #tpu.memory_space<vmem>>, vector<65x512xf32>,
    %swap3A_169 = arith.constant 1040 : index
    %swap3A_170 = arith.constant 0 : index
    %swap3A_171 = vector.load %arg3[%swap3A_169, %swap3A_170] : memref<2210x512xf32, #tpu.memory_space<vmem>>, vector<65x512xf32>
    tpu.vector_store %arg3[%swap3A_169, %swap3A_170], %get3A_120 {strides = array<i32>} : memref<2210x512xf32, #tpu.memory_space<vmem>>, vector<65x512xf32>,
    %swap3A_172 = arith.constant 1105 : index
    %swap3A_173 = arith.constant 0 : index
    %swap3A_174 = vector.load %arg3[%swap3A_172, %swap3A_173] : memref<2210x512xf32, #tpu.memory_space<vmem>>, vector<65x512xf32>
    tpu.vector_store %arg3[%swap3A_172, %swap3A_173], %get3A_120 {strides = array<i32>} : memref<2210x512xf32, #tpu.memory_space<vmem>>, vector<65x512xf32>,
    %swap3A_175 = arith.constant 1170 : index
    %swap3A_176 = arith.constant 0 : index
    %swap3A_177 = vector.load %arg3[%swap3A_175, %swap3A_176] : memref<2210x512xf32, #tpu.memory_space<vmem>>, vector<65x512xf32>
    tpu.vector_store %arg3[%swap3A_175, %swap3A_176], %get3A_120 {strides = array<i32>} : memref<2210x512xf32, #tpu.memory_space<vmem>>, vector<65x512xf32>,
    %swap3A_178 = arith.constant 1235 : index
    %swap3A_179 = arith.constant 0 : index
    %swap3A_180 = vector.load %arg3[%swap3A_178, %swap3A_179] : memref<2210x512xf32, #tpu.memory_space<vmem>>, vector<65x512xf32>
    tpu.vector_store %arg3[%swap3A_178, %swap3A_179], %get3A_120 {strides = array<i32>} : memref<2210x512xf32, #tpu.memory_space<vmem>>, vector<65x512xf32>,
    %swap3A_181 = arith.constant 1300 : index
    %swap3A_182 = arith.constant 0 : index
    %swap3A_183 = vector.load %arg3[%swap3A_181, %swap3A_182] : memref<2210x512xf32, #tpu.memory_space<vmem>>, vector<65x512xf32>
    tpu.vector_store %arg3[%swap3A_181, %swap3A_182], %get3A_120 {strides = array<i32>} : memref<2210x512xf32, #tpu.memory_space<vmem>>, vector<65x512xf32>,
    %swap3A_184 = arith.constant 1365 : index
    %swap3A_185 = arith.constant 0 : index
    %swap3A_186 = vector.load %arg3[%swap3A_184, %swap3A_185] : memref<2210x512xf32, #tpu.memory_space<vmem>>, vector<65x512xf32>
    tpu.vector_store %arg3[%swap3A_184, %swap3A_185], %get3A_120 {strides = array<i32>} : memref<2210x512xf32, #tpu.memory_space<vmem>>, vector<65x512xf32>,
    %swap3A_187 = arith.constant 1430 : index
    %swap3A_188 = arith.constant 0 : index
    %swap3A_189 = vector.load %arg3[%swap3A_187, %swap3A_188] : memref<2210x512xf32, #tpu.memory_space<vmem>>, vector<65x512xf32>
    tpu.vector_store %arg3[%swap3A_187, %swap3A_188], %get3A_120 {strides = array<i32>} : memref<2210x512xf32, #tpu.memory_space<vmem>>, vector<65x512xf32>,
    %swap3A_190 = arith.constant 1495 : index
    %swap3A_191 = arith.constant 0 : index
    %swap3A_192 = vector.load %arg3[%swap3A_190, %swap3A_191] : memref<2210x512xf32, #tpu.memory_space<vmem>>, vector<65x512xf32>
    tpu.vector_store %arg3[%swap3A_190, %swap3A_191], %get3A_120 {strides = array<i32>} : memref<2210x512xf32, #tpu.memory_space<vmem>>, vector<65x512xf32>,
    %swap3A_193 = arith.constant 1560 : index
    %swap3A_194 = arith.constant 0 : index
    %swap3A_195 = vector.load %arg3[%swap3A_193, %swap3A_194] : memref<2210x512xf32, #tpu.memory_space<vmem>>, vector<65x512xf32>
    tpu.vector_store %arg3[%swap3A_193, %swap3A_194], %get3A_120 {strides = array<i32>} : memref<2210x512xf32, #tpu.memory_space<vmem>>, vector<65x512xf32>,
    %swap3A_196 = arith.constant 1625 : index
    %swap3A_197 = arith.constant 0 : index
    %swap3A_198 = vector.load %arg3[%swap3A_196, %swap3A_197] : memref<2210x512xf32, #tpu.memory_space<vmem>>, vector<65x512xf32>
    tpu.vector_store %arg3[%swap3A_196, %swap3A_197], %get3A_120 {strides = array<i32>} : memref<2210x512xf32, #tpu.memory_space<vmem>>, vector<65x512xf32>,
    %swap3A_199 = arith.constant 1690 : index
    %swap3A_200 = arith.constant 0 : index
    %swap3A_201 = vector.load %arg3[%swap3A_199, %swap3A_200] : memref<2210x512xf32, #tpu.memory_space<vmem>>, vector<65x512xf32>
    tpu.vector_store %arg3[%swap3A_199, %swap3A_200], %get3A_120 {strides = array<i32>} : memref<2210x512xf32, #tpu.memory_space<vmem>>, vector<65x512xf32>,
    %swap3A_202 = arith.constant 1755 : index
    %swap3A_203 = arith.constant 0 : index
    %swap3A_204 = vector.load %arg3[%swap3A_202, %swap3A_203] : memref<2210x512xf32, #tpu.memory_space<vmem>>, vector<65x512xf32>
    tpu.vector_store %arg3[%swap3A_202, %swap3A_203], %get3A_120 {strides = array<i32>} : memref<2210x512xf32, #tpu.memory_space<vmem>>, vector<65x512xf32>,
    %swap3A_205 = arith.constant 1820 : index
    %swap3A_206 = arith.constant 0 : index
    %swap3A_207 = vector.load %arg3[%swap3A_205, %swap3A_206] : memref<2210x512xf32, #tpu.memory_space<vmem>>, vector<65x512xf32>
    tpu.vector_store %arg3[%swap3A_205, %swap3A_206], %get3A_120 {strides = array<i32>} : memref<2210x512xf32, #tpu.memory_space<vmem>>, vector<65x512xf32>,
    %swap3A_208 = arith.constant 1885 : index
    %swap3A_209 = arith.constant 0 : index
    %swap3A_210 = vector.load %arg3[%swap3A_208, %swap3A_209] : memref<2210x512xf32, #tpu.memory_space<vmem>>, vector<65x512xf32>
    tpu.vector_store %arg3[%swap3A_208, %swap3A_209], %get3A_120 {strides = array<i32>} : memref<2210x512xf32, #tpu.memory_space<vmem>>, vector<65x512xf32>,
    %swap3A_211 = arith.constant 1950 : index
    %swap3A_212 = arith.constant 0 : index
    %swap3A_213 = vector.load %arg3[%swap3A_211, %swap3A_212] : memref<2210x512xf32, #tpu.memory_space<vmem>>, vector<65x512xf32>
    tpu.vector_store %arg3[%swap3A_211, %swap3A_212], %get3A_120 {strides = array<i32>} : memref<2210x512xf32, #tpu.memory_space<vmem>>, vector<65x512xf32>,
    %swap3A_214 = arith.constant 2015 : index
    %swap3A_215 = arith.constant 0 : index
    %swap3A_216 = vector.load %arg3[%swap3A_214, %swap3A_215] : memref<2210x512xf32, #tpu.memory_space<vmem>>, vector<65x512xf32>
    tpu.vector_store %arg3[%swap3A_214, %swap3A_215], %get3A_120 {strides = array<i32>} : memref<2210x512xf32, #tpu.memory_space<vmem>>, vector<65x512xf32>,
    %swap3A_217 = arith.constant 2080 : index
    %swap3A_218 = arith.constant 0 : index
    %swap3A_219 = vector.load %arg3[%swap3A_217, %swap3A_218] : memref<2210x512xf32, #tpu.memory_space<vmem>>, vector<65x512xf32>
    tpu.vector_store %arg3[%swap3A_217, %swap3A_218], %get3A_120 {strides = array<i32>} : memref<2210x512xf32, #tpu.memory_space<vmem>>, vector<65x512xf32>,
    %swap3A_220 = arith.constant 2145 : index
    %swap3A_221 = arith.constant 0 : index
    %swap3A_222 = vector.load %arg3[%swap3A_220, %swap3A_221] : memref<2210x512xf32, #tpu.memory_space<vmem>>, vector<65x512xf32>
    tpu.vector_store %arg3[%swap3A_220, %swap3A_221], %get3A_120 {strides = array<i32>} : memref<2210x512xf32, #tpu.memory_space<vmem>>, vector<65x512xf32>,
    return
  }
}

</mosaic_0001>

<sc_bundles>
// kernel: kernel.4.cloned.1.call-start
scs
__scs_entry_jumppad:
0x0: {  	(pc) =	sbr.rel $0x88, $3  }
0x1: {  	(tag) =	ssettag $0x0;
	lr =	simm.s32 $0x1  }
0x2: {  	[smem:$0x3F9D] =	sst lr;
	_ =	strace $0xD0000000  }
0x3: {  	_ = 	snop  }
0x4: {  	_ = 	snop  }
0x5: {  	_ = 	snop  }
0x6: {  	_ = 	snop  }
0x7: {  	_ = 	snop  }
__scs_overlays_trampoline_lowered:
0x8: {  	[smem:$0x3FAC] =	sst s0  }
0x9: {  	[smem:$0x3FAD] =	sst s1  }
0xa: {  	[smem:$0x3FAE] =	sst s2  }
0xb: {  	[smem:$0x3FAF] =	sst s3  }
0xc: {  	[smem:$0x3FB0] =	sst s4  }
0xd: {  	[smem:$0x3FB1] =	sst s5  }
0xe: {  	[smem:$0x3FB2] =	sst s6  }
0xf: {  	[smem:$0x3FB3] =	sst s7  }
0x10: {  	[smem:$0x3FB4] =	sst s8  }
0x11: {  	[smem:$0x3FB5] =	sst s9;
	s0 =	simm.s32 @!p0 $0x0  }
0x12: {  	s1 =	sld [smem:$0x3F9B];
	s0 =	simm.s32 @p0 $0x1  }
0x13: {  	[smem:$0x3FB6] =	sst s0;
	s0 =	simm.s32 @!p1 $0x0  }
0x14: {  	s2 =	sld [smem:$0x3F9A];
	s0 =	simm.s32 @p1 $0x1  }
0x15: {  	[smem:$0x3FB7] =	sst s0;
	s0 =	simm.s32 @!p2 $0x0  }
0x16: {  	s3 =	sld [smem:$0x3FDB];
	s0 =	simm.s32 @p2 $0x1  }
0x17: {  	s4 =	simm.s32 $0x1BF5;
	[smem:$0x3FB9] =	sst s0  }
0x18: {  	s0 =	sld [smem:$0x3F9C];
	_ =	swait.ge [sflag:s4], $0x0  }
0x19: {  	s7 =	sld [smem:$0x3F9D]  }
0x1a: {  	s8 =	sadd.s32 $0xFFFFE003, lr  }
0x1b: {  	s9 =	sadd.s32 $0xFFFFFEF7, lr;
	s5 =	simm.s32 $0xFFFFFFFF;
	p2 =	slt.u32 s8, $0xFFFFF086  }
0x1c: {  	p1 =	slt.u32 s9, $0xF7A;
	s5 =	simm.s32 @!p2 $0x0  }
0x1d: {  	s5 =	simm.s32 @p1 $0x1;
	p0 =	seq.s32 s7, s2  }
0x1e: {  	s7 =	smul.u32 @!p0 $0xF7A, s2;
	p2 =	seq.s32 @!p0 s5, $0x0  }
0x1f: {  	s9 =	smul.u32 $0xF7A, s1;
	s8 =	simm.s32 @!p0 $0x1BF5;
	p2 =	por !p2, p0  }
0x20: {  	[sflag:s8] =	ssyncset.s32 @!p0 $0xFFFFF086;
	s6 =	sadd.s32 @!p0 s3, s7;
	s7 =	simm.s32 @!p0 $0x108  }
0x21: {  	s3 =	sadd.s32 s3, s9;
	s6 =	sadd.s32 @!p0 $0x88, s6;
	s7 =	simm.s32 @p2 $0x1082  }
0x22: {  	[simem:s7], [sflag:s8] =	dma.local @!p0 [hbm:s6], $0xF7A  }
0x23: {  	s9 =	sor.u32 $0xD0000000, s2;
	s6 =	simm.s32 $0x108;
	_ =	swait.ge @!p0 [sflag:s8], $0x0  }
0x24: {  	s3 =	sadd.s32 $0x88, s3;
	s6 =	simm.s32 @!p1 $0x1082;
	[sflag:s4] =	ssyncset.s32 $0xFFFFF086  }
0x25: {  	[simem:s6], [sflag:s4] =	dma.local [hbm:s3], $0xF7A  }
0x26: {  	[smem:$0x3F9D] =	sst s1;
	(tag) =	ssettag s2;
	_ =	strace s9  }
0x27: {  	s1 =	sld [smem:$0x3FAD]  }
0x28: {  	s2 =	sld [smem:$0x3FAE]  }
0x29: {  	s4 =	sld [smem:$0x3FB0]  }
0x2a: {  	p0 =	seq.s32 s5, $0x0;
	s5 =	sld [smem:$0x3FB1]  }
0x2b: {  	s6 =	sld [smem:$0x3FB2]  }
0x2c: {  	s7 =	sld [smem:$0x3FB3]  }
0x2d: {  	s3 =	simm.s32 $0x108;
	s8 =	sld [smem:$0x3FB4]  }
0x2e: {  	s3 =	simm.s32 @!p0 $0x1082;
	s9 =	sld [smem:$0x3FB5]  }
0x2f: {  	lr =	sadd.s32 s0, s3;
	s0 =	sld [smem:$0x3FAC]  }
0x30: {  	s3 =	sld [smem:$0x3FAF]  }
0x31: {  	[smem:$0x3FB8] =	sst s10  }
0x32: {  	s10 =	sld [smem:$0x3FB6];
	_ =	sdelay $0x3  }
0x33: {  	p0 =	seq.s32 s10, $0x1;
	s10 =	sld [smem:$0x3FB8];
	_ =	sdelay $0x3  }
0x34: {  	[smem:$0x3FB8] =	sst s10  }
0x35: {  	s10 =	sld [smem:$0x3FB7];
	_ =	sdelay $0x3  }
0x36: {  	p1 =	seq.s32 s10, $0x1;
	s10 =	sld [smem:$0x3FB8];
	_ =	sdelay $0x3  }
0x37: {  	[smem:$0x3FB8] =	sst s10  }
0x38: {  	s10 =	sld [smem:$0x3FB9]  }
0x39: {  	_ = 	snop;
	(pc) =	sbr.ind lr, $3  }
0x3a: {  	_ = 	snop  }
0x3b: {  	_ = 	snop  }
0x3c: {  	p2 =	seq.s32 s10, $0x1;
	s10 =	sld [smem:$0x3FB8]  }
0x3d: {  	_ =	shalt  }
0x3e: {  	_ =	shalt  }
0x3f: {  	_ =	shalt  }
0x40: {  	_ =	shalt  }
0x41: {  	_ =	shalt  }
0x42: {  	_ =	shalt  }
0x43: {  	_ =	shalt  }
0x44: {  	_ =	shalt  }
0x45: {  	_ =	shalt  }
0x46: {  	_ =	shalt  }
0x47: {  	_ =	shalt  }
0x48: {  	_ =	shalt  }
0x49: {  	_ =	shalt  }
0x4a: {  	_ =	shalt  }
0x4b: {  	_ =	shalt  }
0x4c: {  	_ =	shalt  }
0x4d: {  	_ =	shalt  }
0x4e: {  	_ =	shalt  }
0x4f: {  	_ =	shalt  }
0x50: {  	_ =	shalt  }
0x51: {  	_ =	shalt  }
0x52: {  	_ =	shalt  }
0x53: {  	_ =	shalt  }
0x54: {  	_ =	shalt  }
0x55: {  	_ =	shalt  }
0x56: {  	_ =	shalt  }
0x57: {  	_ =	shalt  }
0x58: {  	_ =	shalt  }
0x59: {  	_ =	shalt  }
0x5a: {  	_ =	shalt  }
0x5b: {  	_ =	shalt  }
0x5c: {  	_ =	shalt  }
0x5d: {  	_ =	shalt  }
0x5e: {  	_ =	shalt  }
0x5f: {  	_ =	shalt  }
0x60: {  	_ =	shalt  }
0x61: {  	_ =	shalt  }
0x62: {  	_ =	shalt  }
0x63: {  	_ =	shalt  }
0x64: {  	_ =	shalt  }
0x65: {  	_ =	shalt  }
0x66: {  	_ =	shalt  }
0x67: {  	_ =	shalt  }
0x68: {  	_ =	shalt  }
0x69: {  	_ =	shalt  }
0x6a: {  	_ =	shalt  }
0x6b: {  	_ =	shalt  }
0x6c: {  	_ =	shalt  }
0x6d: {  	_ =	shalt  }
0x6e: {  	_ =	shalt  }
0x6f: {  	_ =	shalt  }
0x70: {  	_ =	shalt  }
0x71: {  	_ =	shalt  }
0x72: {  	_ =	shalt  }
0x73: {  	_ =	shalt  }
0x74: {  	_ =	shalt  }
0x75: {  	_ =	shalt  }
0x76: {  	_ =	shalt  }
0x77: {  	_ =	shalt  }
0x78: {  	_ =	shalt  }
0x79: {  	_ =	shalt  }
0x7a: {  	_ =	shalt  }
0x7b: {  	_ =	shalt  }
0x7c: {  	_ =	shalt  }
0x7d: {  	_ =	shalt  }
0x7e: {  	_ =	shalt  }
0x7f: {  	_ =	shalt  }
0x80: {  	_ =	shalt  }
0x81: {  	_ =	shalt  }
0x82: {  	_ =	shalt  }
0x83: {  	_ =	shalt  }
0x84: {  	_ =	shalt  }
0x85: {  	_ =	shalt  }
0x86: {  	_ =	shalt  }
0x87: {  	_ =	shalt  }
.Lfunc_end0:
.L_simem_size_0:
called_computation_lowered:
.L_overlay_start_0:
0x88: {  	s2 =	sld [smem:$0x3FD9]  }
0x89: {  	s3 =	sld [smem:$0x3FFE];
	_ =	sdelay $0x1  }
0x8a: {  	s1 =	srdreg.scid  }
0x8b: {  	s0 =	sand.u32 $0x1, s1  }
0x8c: {  	s17 =	sshll.u32 s0, $0xA;
	s2 =	sadd.s32 s3, s2  }
0x8d: {  	s2 =	sadd.s32 s2, s17  }
0x8e: {  	[smem:$0x3FC4] =	sst s2  }
0x8f: {  	_ = 	snop  }
0x90: {  	s2 =	sld [smem:$0x3FC8]  }
0x91: {  	s18 =	sld [smem:$0x3FD0];
	(tm) =	ssettm $0x1  }
0x92: {  	s4 =	sld [smem:$0x3FFB];
	_ =	sdelay $0x3  }
0x93: {  	_ =	strace s4  }
0x94: {  	s4 =	sld [smem:$0x3FFC];
	_ =	sdelay $0x3  }
0x95: {  	_ =	strace s4  }
0x96: {  	s4 =	sld [smem:$0x3FFD];
	_ =	sdelay $0x3  }
0x97: {  	_ =	strace s4  }
0x98: {  	_ =	strace $0x8FFFFFFF  }
0x99: {  	s19 =	sld [smem:$0x3FDB];
	_ =	sdelay $0x1  }
0x9a: {  	s5 =	simm.s32 $_scs_section_size  }
0x9b: {  	s6 =	simm.s32 $_size__tile_overlayer_lowered;
	s7 =	simm.s32 $_tile_overlayer_lowered  }
0x9c: {  	s22 =	simm.s32 $0x1BFF;
	s21 =	sshll.u32 s7, $0x1;
	s4 =	sadd.s32 s5, s19  }
0x9d: {  	s8 =	simm.s32 $0x0;
	s20 =	sshll.u32 s6, $0x1;
	s6 =	sadd.s32 s21, s4  }
0x9e: {  	[timem:s8], [sflag:s22] =	dma.local [hbm:s6], s20  }
0x9f: {  	_ =	swait.ge [sflag:s22], s20  }
0xa0: {  	s5 =	ssub.s32 $0x0, s20;
	[sflag:s22] =	ssyncset.done $0x0  }
0xa1: {  	[sflag:s22] =	ssyncadd.s32 s5;
	_ =	sdelay $0x1  }
0xa2: {  	s23 =	simm.s32 $0x1B8B  }
0xa3: {  	_ =	swait.ge [sflag:s23], $0x1  }
0xa4: {  	[sflag:s23] =	ssyncset.done $0x0  }
0xa5: {  	s25 =	simm.s32 $0x1B8E;
	s24 =	sld [smem:$0x3FFE];
	[sflag:s23] =	ssyncadd.s32 $0xFFFFFFFF  }
0xa6: {  	s26 =	simm.s32 $execute0_lowered;
	[smem:$0x3FD2] =	sst s25  }
0xa7: {  	s6 =	sshll.u32 s26, $0x1;
	_ =	strace $0x80000046;
	[dreg:$0x1] =	wrdreg $0xFFFFFFFF  }
0xa8: {  	s28 =	simm.s32 $_size_execute0_lowered;
	s4 =	sadd.s32 s4, s6;
	[dreg:$0x0] =	wrdreg $0x0  }
0xa9: {  	s6 =	sshll.u32 s28, $0x1;
	[dreg:$0x2] =	wrdreg s4  }
0xaa: {  	[dreg:$0x3] =	wrdreg s6  }
0xab: {  	[dreg:$0x4] =	wrdreg $0xC0  }
0xac: {  	_ =	task [dreg:s8], $0x5FFFF  }
0xad: {  	[dreg:$0x1] =	wrdreg $0xFFFFFFFF  }
0xae: {  	[dreg:$0x0] =	wrdreg $0x60  }
0xaf: {  	[dreg:$0x2] =	wrdreg s24  }
0xb0: {  	[dreg:$0x3] =	wrdreg s2  }
0xb1: {  	[dreg:$0x4] =	wrdreg s18  }
0xb2: {  	[dreg:$0x5] =	wrdreg $0x9  }
0xb3: {  	_ =	task.clear_ibuf [dreg:s8], $0x6FFFF;
	_ =	strace $0x90000046  }
0xb4: {  	s29 =	simm.s32 $0x9;
	_ =	strace $0x80000048  }
0xb5: {  	_ =	swait.ge [sflag:s29], $0x1  }
0xb6: {  	[sflag:s29] =	ssyncadd.s32 $0xFFFFFFFF  }
0xb7: {  	_ =	strace $0x90000048  }
0xb8: {  	_ =	sfence  }
0xb9: {  	s30 =	sld [smem:$0x0];
	_ =	sdelay $0x2  }
0xba: {  	s31 =	sshll.u32 s1, $0xD;
	s1 =	sshrl.u32 s1, $0x2  }
0xbb: {  	s3 =	sand.u32 $0x4000, s31;
	s1 =	sadd.s32 s1, s30  }
0xbc: {  	s0 =	sor.u32 s3, s0;
	s1 =	sshll.u32 s1, $0x11  }
0xbd: {  	s0 =	sor.u32 s1, s0  }
0xbe: {  	s0 =	sadd.s32 $0x8F2B, s0  }
0xbf: {  	[sflag:s0] =	ssyncadd.remote.s32 $0x1  }
0xc0: {  	_ =	sfence.sel $0xFFFF  }
0xc1: {  	[dreg:$0x0] =	wrdreg $0xFFFFFFFF;
	(pc) =	sbr.abs _section_cstart, $3  }
0xc2: {  	[dreg:$0x1] =	wrdreg $0xFFFFFFFF  }
0xc3: {  	_ =	task.clear_ibuf [dreg:s8], $0x2FFFF;
	_ =	strace $0x9FFFFFFF  }
0xc4: {  	(tm) =	ssettm $0x7FFFFFFF  }
0xc5: {  	_ =	shalt  }
tec
execute0_lowered:
.L_overlay_start_1:
0x0: {  	(tag) =	ssettag $0x1  }
0x1: {  	s0 =	srdreg.scid  }
0x2: {  	s2 =	stileid.u32;
	s1 =	rddreg [dreg:$0x0];
	s3 =	simm.s32 $0x0  }
0x3: {  	s13 =	simm.s32 $0x400;
	s0 =	sand.u32 $0x1, s0;
	s2 =	sshll.u32 s2, $0x1  }
0x4: {  	[smem:$0x7FF] =	sst s3;
	s6 =	sadd.s32 $0x7200, s1;
	s2 =	sor.u32 s0, s2  }
0x5: {  	s7 =	sadd.s32 $0x29C00, s1;
	s0 =	ssub.s32 $0x2, s0;
	s5 =	smul.u32 $0x1900, s2  }
0x6: {  	s9 =	sadd.s32 $0x29D00, s1;
	_ =	strace $0x80000047;
	s4 =	sshrl.u32 s0, $0x1  }
0x7: {  	[dreg:$0x5] =	wrdreg s6;
	s0 =	ssub.s32 s0, s4;
	s31 =	sshrl.u32 s5, $0x3  }
0x8: {  	v1 =	vlaneseq.u32;
	vm0 =	vmmov $0xffff;
	s0 =	smax.u32 s0, $0x1;
	[dreg:$0x4] =	wrdreg s5;
	s3 =	sadd.s32 s31, s1  }
0x9: {  	s10 =	sadd.s32 $0x7300, s1;
	v3 =	vand.u32 $0x7, v1;
	v4 =	vshrl.u32 v1, $0x3;
	v5 =	vor.u32 $0x8, v1;
	[dreg:$0x7] =	wrdreg s0;
	s3 =	sadd.s32 $0xE00, s3  }
0xa: {  	s6 =	simm.s32 $0x8F00;
	v4 =	vmul.u32 $0x8, v4;
	v0 =	vmov s2;
	v2 =	vmov s5;
	s1 =	simm.s32 $0x0;
	[dreg:$0x6] =	wrdreg s3  }
.LBB2_1:
0xb: {  	[dreg:$0x8] =	wrdreg s1  }
0xc: {  	s0 =	rddreg [dreg:$0x1];
	s3 =	simm.s32 $0x0;
	s22 =	simm.s32 $0x30  }
0xd: {  	s23 =	simm.s32 $0x10;
	s24 =	simm.s32 $0x20;
	s25 =	simm.s32 $0x7;
	v7 =	vor.u32 s22, v1  }
0xe: {  	[tilespmem:s3], [sflag:$0x7] =	stream.linear.gather [hbm4b:s0+s3], $0x400, $0x38;
	v10 =	vor.u32 s23, v1;
	v6 =	vadd.s32 v2, v7;
	[tilespmem:$0x14F00] =	vst v63  }
0xf: {  	v11 =	vor.u32 s24, v1;
	_ =	swait.ge [sflag:s25], $0x400;
	v8 =	vadd.s32 v2, v10;
	v9 =	vmulhi.u32 $0x51EB851F, v6  }
0x10: {  	v13 =	vor.u32 s3, v1;
	v12 =	vadd.s32 v2, v11;
	[sflag:s25] =	ssyncset.done $0x0;
	v14 =	vmulhi.u32 $0x51EB851F, v8  }
0x11: {  	v15 =	vadd.s32 v2, v13;
	v16 =	vmulhi.u32 $0x51EB851F, v12;
	s26 =	rddreg [dreg:$0x6];
	[sflag:s25] =	ssyncadd.s32 $0xFFFFFC00;
	v9 =	vshrl.u32 v9, $0x6  }
0x12: {  	v18 =	vadd.s32 v0, v10;
	v17 =	vmulhi.u32 $0x51EB851F, v15;
	[tilespmem:s13], [sflag:$0x7] =	stream.linear.gather [hbm4b:s26+s3], $0x1900, $0x38;
	v14 =	vshrl.u32 v14, $0x6;
	[tilespmem:$0x14F00] =	vst v63  }
0x13: {  	v19 =	vadd.s32 v0, v11;
	v20 =	vmulhi.u32 $0xF0F0F0F1, v18;
	v16 =	vshrl.u32 v16, $0x6;
	_ =	swait.ge [sflag:s25], $0x1900  }
0x14: {  	v22 =	vadd.s32 v0, v13;
	v23 =	vmulhi.u32 $0xF0F0F0F1, v19;
	v17 =	vshrl.u32 v17, $0x6;
	[sflag:s25] =	ssyncset.done $0x0  }
0x15: {  	v26 =	vmulhi.u32 $0xF0F0F0F1, v22;
	[sflag:s25] =	ssyncadd.s32 $0xFFFFE700  }
0x16: {  	v20 =	vshrl.u32 v20, $0x5;
	v23 =	vshrl.u32 v23, $0x5;
	v21 =	vmul.u32 $0xFFFFFF38, v14;
	v25 =	vld.idx.msk [tilespmem:v9+s3+$0x0], $0xffff  }
0x17: {  	v24 =	vmul.u32 $0xFFFFFF38, v16;
	v27 =	vmul.u32 $0xFFFFFF38, v17;
	v20 =	vmul.u32 $0x22, v20;
	v14 =	vld.idx.msk [tilespmem:v14+s3+$0x0], $0xffff  }
0x18: {  	v23 =	vmul.u32 $0x22, v23;
	v8 =	vadd.s32 v8, v21;
	v21 =	vshrl.u32 v26, $0x5;
	v16 =	vld.idx.msk [tilespmem:v16+s3+$0x0], $0xffff  }
0x19: {  	v12 =	vadd.s32 v12, v24;
	v18 =	vsub.s32 v18, v20;
	v21 =	vmul.u32 $0x22, v21;
	v17 =	vld.idx.msk [tilespmem:v17+s3+$0x0], $0xffff  }
0x1a: {  	v15 =	vadd.s32 v15, v27;
	v19 =	vsub.s32 v19, v23;
	v18 =	vmul.u32 $0x41, v18  }
0x1b: {  	v19 =	vmul.u32 $0x41, v19;
	v9 =	vmul.u32 $0xFFFFFF38, v9;
	v20 =	vsub.s32 v22, v21  }
0x1c: {  	v22 =	vadd.s32 v0, v7;
	v21 =	vmul.u32 $0xC8, v25;
	v14 =	vmul.u32 $0xC8, v14  }
0x1d: {  	v6 =	vadd.s32 v6, v9;
	v9 =	vmul.u32 $0xC8, v16;
	v16 =	vmulhi.u32 $0xF0F0F0F1, v22  }
0x1e: {  	s2 =	simm.s32 $0x70;
	v17 =	vmul.u32 $0xC8, v17;
	v6 =	vadd.s32 v6, v21;
	v14 =	vadd.s32 v8, v14  }
0x1f: {  	s28 =	simm.s32 $0x1D20;
	s29 =	simm.s32 $0x40;
	v12 =	vadd.s32 v12, v9;
	v8 =	vshrl.u32 v16, $0x5;
	v9 =	vor.u32 s2, v1  }
0x20: {  	s30 =	simm.s32 $0x50;
	s31 =	simm.s32 $0x60;
	v15 =	vadd.s32 v15, v17;
	[tilespmem:s28+$0x10] =	vst v6;
	v6 =	vor.u32 s29, v1;
	v21 =	vmul.u32 $0x22, v8  }
0x21: {  	v8 =	vor.u32 s31, v1;
	v56 =	vadd.s32 v2, v9;
	v16 =	vld.idx.msk [tilespmem:v7+s13+$0x0], $0xffff;
	v7 =	vor.u32 s30, v1  }
0x22: {  	v57 =	vadd.s32 v2, v8;
	v58 =	vmulhi.u32 $0x51EB851F, v56;
	v31 =	vadd.s32 v0, v8  }
0x23: {  	v60 =	vadd.s32 v0, v6;
	v23 =	vadd.s32 v2, v7;
	v29 =	vmulhi.u32 $0x51EB851F, v57  }
0x24: {  	v21 =	vsub.s32 v22, v21;
	v22 =	vadd.s32 v2, v6;
	v59 =	vmulhi.u32 $0x51EB851F, v23  }
0x25: {  	v28 =	vadd.s32 v0, v7;
	v26 =	vshrl.u32 v58, $0x6;
	v30 =	vmulhi.u32 $0x51EB851F, v22  }
0x26: {  	[tilespmem:s28+$0xFFFFFFF0] =	vst v14;
	v61 =	vmulhi.u32 $0xF0F0F0F1, v31;
	v21 =	vmul.u32 $0x41, v21;
	v27 =	vshrl.u32 v59, $0x6  }
0x27: {  	[tilespmem:s28+$0x0] =	vst v12;
	v32 =	vld.idx.msk [tilespmem:v10+s13+$0x0], $0xffff;
	v29 =	vshrl.u32 v29, $0x6;
	v12 =	vshrl.u32 v30, $0x6;
	v14 =	vmul.u32 $0xFFFFFF38, v27  }
0x28: {  	v33 =	vld.idx.msk [tilespmem:v11+s13+$0x0], $0xffff;
	v25 =	vshrl.u32 v61, $0x5;
	v10 =	vmul.u32 $0xFFFFFF38, v29;
	v11 =	vmul.u32 $0xFFFFFF38, v12  }
0x29: {  	v25 =	vmul.u32 $0x22, v25;
	v23 =	vadd.s32 v23, v14;
	v14 =	vmulhi.u32 $0xF0F0F0F1, v28  }
0x2a: {  	v21 =	vadd.s32 v21, v16;
	v17 =	vld.idx.msk [tilespmem:v26+s3+$0x0], $0xffff;
	v11 =	vadd.s32 v22, v11;
	v22 =	vmulhi.u32 $0xF0F0F0F1, v60  }
0x2b: {  	v16 =	vadd.s32 v57, v10;
	v10 =	vmul.u32 $0x41, v20;
	v14 =	vshrl.u32 v14, $0x5;
	v20 =	vld.idx.msk [tilespmem:v27+s3+$0x0], $0xffff  }
0x2c: {  	s0 =	simm.s32 $0x3620;
	v18 =	vadd.s32 v18, v32;
	v62 =	vld.idx.msk [tilespmem:v29+s3+$0x0], $0xffff;
	v22 =	vshrl.u32 v22, $0x5;
	v14 =	vmul.u32 $0x22, v14  }
0x2d: {  	v19 =	vadd.s32 v19, v33;
	[tilespmem:s0+$0x10] =	vst v21;
	v21 =	vmul.u32 $0xFFFFFF38, v26;
	v63 =	vld.idx.msk [tilespmem:v12+s3+$0x0], $0xffff;
	v22 =	vmul.u32 $0x22, v22  }
0x2e: {  	[tilespmem:s0+$0xFFFFFFF0] =	vst v18;
	v18 =	vadd.s32 v0, v9;
	v12 =	vsub.s32 v28, v14;
	v14 =	vsub.s32 v31, v25  }
0x2f: {  	[tilespmem:s28+$0xFFFFFFE0] =	vst v15;
	v15 =	vsub.s32 v60, v22;
	v17 =	vmul.u32 $0xC8, v17;
	v12 =	vmul.u32 $0x41, v12  }
0x30: {  	v14 =	vmul.u32 $0x41, v14;
	v22 =	vmul.u32 $0xC8, v20;
	v20 =	vadd.s32 v56, v21  }
0x31: {  	s2 =	simm.s32 $0x1D60;
	[tilespmem:s0+$0x0] =	vst v19;
	v19 =	vmul.u32 $0xC8, v62;
	v24 =	vadd.s32 v20, v17;
	v20 =	vmulhi.u32 $0xF0F0F0F1, v18  }
0x32: {  	s4 =	simm.s32 $0x4;
	s5 =	simm.s32 $0x80;
	v13 =	vld.idx.msk [tilespmem:v13+s13+$0x0], $0xffff;
	s3 =	simm.s32 $0x3620;
	v15 =	vmul.u32 $0x41, v15;
	v17 =	vmul.u32 $0xC8, v63;
	v21 =	vadd.s32 v23, v22;
	[tilespmem:s2+$0x10] =	vst v24  }
.LBB2_2:
0x33: {  	v22 =	vor.u32 s5, v1;
	s1 =	sadd.s32 $0x10, s5;
	s8 =	sadd.s32 $0x30, s5;
	s4 =	sadd.s32 $0x4, s4;
	[tilespmem:s2+$0xFFFFFFF0] =	vst v21;
	v16 =	vadd.s32 v16, v19;
	v19 =	vld.idx.msk [tilespmem:v9+s13+$0x0], $0xffff;
	v20 =	vshrl.u32 v20, $0x5  }
0x34: {  	s11 =	sadd.s32 $0x20, s5;
	v9 =	vor.u32 s8, v1;
	p0 =	slt.u32 s4, $0x18C;
	v21 =	vld.idx.msk [tilespmem:v7+s13+$0x0], $0xffff;
	v7 =	vor.u32 s1, v1;
	[tilespmem:s2+$0x0] =	vst v16;
	v16 =	vmul.u32 $0x22, v20  }
0x35: {  	v20 =	vadd.s32 v2, v7;
	v23 =	vadd.s32 v2, v9;
	v24 =	vld.idx.msk [tilespmem:v8+s13+$0x0], $0xffff;
	v8 =	vor.u32 s11, v1  }
0x36: {  	v25 =	vadd.s32 v2, v8;
	v26 =	vmulhi.u32 $0x51EB851F, v23;
	v16 =	vsub.s32 v18, v16  }
0x37: {  	v18 =	vadd.s32 v2, v22;
	v27 =	vmulhi.u32 $0x51EB851F, v20;
	v16 =	vmul.u32 $0x41, v16  }
0x38: {  	v28 =	vadd.s32 v0, v7;
	v29 =	vmulhi.u32 $0x51EB851F, v25;
	v26 =	vshrl.u32 v26, $0x6  }
0x39: {  	s0 =	sadd.s32 $0x40, s0;
	v30 =	vmulhi.u32 $0x51EB851F, v18;
	v27 =	vshrl.u32 v27, $0x6;
	v16 =	vadd.s32 v16, v19  }
0x3a: {  	v31 =	vadd.s32 v0, v8;
	v19 =	vmul.u32 $0xFFFFFF38, v27;
	v29 =	vshrl.u32 v29, $0x6;
	[tilespmem:s0+$0x10] =	vst v16  }
0x3b: {  	v32 =	vadd.s32 v0, v22;
	v30 =	vshrl.u32 v30, $0x6;
	v16 =	vmul.u32 $0xFFFFFF38, v29  }
0x3c: {  	s1 =	simm.s32 $0x0;
	v33 =	vmul.u32 $0xFFFFFF38, v30;
	v34 =	vadd.s32 v20, v19;
	v19 =	vmulhi.u32 $0xF0F0F0F1, v28  }
0x3d: {  	v17 =	vadd.s32 v11, v17;
	v20 =	vmulhi.u32 $0xF0F0F0F1, v31;
	v16 =	vadd.s32 v25, v16;
	v25 =	vld.idx.msk [tilespmem:v26+s1+$0x0], $0xffff  }
0x3e: {  	v11 =	vadd.s32 v18, v33;
	v18 =	vmulhi.u32 $0xF0F0F0F1, v32;
	v19 =	vshrl.u32 v19, $0x5;
	v27 =	vld.idx.msk [tilespmem:v27+s1+$0x0], $0xffff;
	[tilespmem:s2+$0xFFFFFFE0] =	vst v17  }
0x3f: {  	v12 =	vadd.s32 v12, v21;
	v20 =	vshrl.u32 v20, $0x5;
	v17 =	vmul.u32 $0x22, v19;
	v19 =	vld.idx.msk [tilespmem:v29+s1+$0x0], $0xffff  }
0x40: {  	v18 =	vshrl.u32 v18, $0x5;
	v20 =	vmul.u32 $0x22, v20;
	v21 =	vld.idx.msk [tilespmem:v30+s1+$0x0], $0xffff;
	[tilespmem:s0+$0xFFFFFFF0] =	vst v12;
	v12 =	vadd.s32 v14, v24  }
0x41: {  	v14 =	vmul.u32 $0x22, v18;
	v17 =	vsub.s32 v28, v17;
	v24 =	vadd.s32 v10, v13;
	[tilespmem:s0+$0x0] =	vst v12;
	v13 =	vld.idx.msk [tilespmem:v6+s13+$0x0], $0xffff  }
.Ltmp0:
0x42: {  	v18 =	vmul.u32 $0xFFFFFF38, v26;
	v10 =	vmovc v15;
	v12 =	vmul.u32 $0x41, v17;
	v17 =	vsub.s32 v31, v20;
	v6 =	vmovc v22;
	[tilespmem:s3+$0xFFFFFFE0] =	vst v24;
	s3 =	smov.u32 s0;
	(pc) =	sbr.rel @p0 .LBB2_2-.Ltmp0, $4  }
0x43: {  	v15 =	vsub.s32 v32, v14;
	v14 =	vmul.u32 $0x41, v17;
	v17 =	vmul.u32 $0xC8, v25  }
0x44: {  	v20 =	vadd.s32 v23, v18;
	v18 =	vadd.s32 v0, v9;
	v22 =	vmul.u32 $0xC8, v27  }
0x45: {  	s2 =	sadd.s32 $0x40, s2;
	v19 =	vmul.u32 $0xC8, v19;
	v23 =	vadd.s32 v20, v17;
	v20 =	vmulhi.u32 $0xF0F0F0F1, v18  }
0x46: {  	s5 =	sadd.s32 $0x40, s5;
	v15 =	vmul.u32 $0x41, v15;
	v17 =	vmul.u32 $0xC8, v21;
	v21 =	vadd.s32 v34, v22;
	[tilespmem:s2+$0x10] =	vst v23  }
0x47: {  	_ =	sdelay $0x2  }
0x48: {  	v20 =	vshrl.u32 v20, $0x5  }
0x49: {  	[tilespmem:s2+$0xFFFFFFF0] =	vst v21;
	v16 =	vadd.s32 v16, v19;
	v9 =	vld.idx.msk [tilespmem:v9+s13+$0x0], $0xffff;
	v62 =	vmul.u32 $0x22, v20  }
0x4a: {  	v7 =	vld.idx.msk [tilespmem:v7+s13+$0x0], $0xffff;
	[tilespmem:s2+$0x0] =	vst v16  }
0x4b: {  	v11 =	vadd.s32 v11, v17;
	v8 =	vld.idx.msk [tilespmem:v8+s13+$0x0], $0xffff;
	v63 =	vsub.s32 v18, v62  }
0x4c: {  	[tilespmem:s2+$0xFFFFFFE0] =	vst v11;
	v16 =	vmul.u32 $0x41, v63  }
0x4d: {  	v6 =	vld.idx.msk [tilespmem:v6+s13+$0x0], $0xffff  }
0x4e: {  	s0 =	sadd.s32 $0x40, s0;
	v9 =	vadd.s32 v16, v9  }
0x4f: {  	v7 =	vadd.s32 v12, v7;
	[tilespmem:s0+$0x10] =	vst v9  }
0x50: {  	[tilespmem:s0+$0xFFFFFFF0] =	vst v7;
	v7 =	vadd.s32 v14, v8  }
0x51: {  	[tilespmem:s0+$0x0] =	vst v7;
	v7 =	vadd.s32 v10, v13  }
0x52: {  	v6 =	vadd.s32 v15, v6;
	[tilespmem:s3+$0xFFFFFFE0] =	vst v7  }
0x53: {  	[tilespmem:s0+$0xFFFFFFE0] =	vst v6;
	s0 =	simm.s32 $0x0  }
.LBB2_4:
0x54: {  	s8 =	sshll.u32 s0, $0x6  }
0x55: {  	v6 =	vld [tilespmem:s8+$0x1D00];
	_ =	sdelay $0x4  }
0x56: {  	v7 =	vshll.u32 v6, $0x2  }
0x57: {  	v6 =	vand.u32 $0x7, v6;
	v7 =	vand.u32 $0xFFFFFFE0, v7  }
0x58: {  	v6 =	vor.u32 v6, v7  }
0x59: {  	v7 =	vperm.xlane v6, v3;
	_ =	sdelay $0x1  }
0x5a: {  	v7 =	vadd.s32 v4, v7;
	_ =	sdelay $0x1  }
0x5b: {  	v6 =	vperm.xlane v6, v5;
	_ =	sdelay $0x1  }
0x5c: {  	s2 =	simm.s32 $0x4F00;
	v6 =	vadd.s32 v4, v6  }
0x5d: {  	[tilespmem:s2], [sflag:$0x1] =	stream.indirect_vreg.gather [hbm4b:s7+s1], $0x80, v7, vm0, $0xb8;
	[tilespmem:$0x14F00] =	vst v63  }
0x5e: {  	s12 =	simm.s32 $0x5700  }
0x5f: {  	[tilespmem:s12], [sflag:$0x1] =	stream.indirect_vreg.gather [hbm4b:s9+s1], $0x80, v7, vm0, $0xb8;
	[tilespmem:$0x14F00] =	vst v63  }
0x60: {  	s14 =	simm.s32 $0x5F00  }
0x61: {  	[tilespmem:s14], [sflag:$0x1] =	stream.indirect_vreg.gather [hbm4b:s7+s1], $0x80, v6, vm0, $0xb8;
	[tilespmem:$0x14F00] =	vst v63  }
0x62: {  	s15 =	simm.s32 $0x6700  }
0x63: {  	[tilespmem:s15], [sflag:$0x1] =	stream.indirect_vreg.gather [hbm4b:s9+s1], $0x80, v6, vm0, $0xb8;
	[tilespmem:$0x14F00] =	vst v63  }
0x64: {  	v6 =	vld [tilespmem:s8+$0x1D10];
	_ =	sdelay $0x4  }
0x65: {  	v7 =	vshll.u32 v6, $0x2  }
0x66: {  	v6 =	vand.u32 $0x7, v6;
	v7 =	vand.u32 $0xFFFFFFE0, v7  }
0x67: {  	v6 =	vor.u32 v6, v7  }
0x68: {  	v7 =	vperm.xlane v6, v3;
	_ =	sdelay $0x1  }
0x69: {  	v7 =	vadd.s32 v4, v7;
	_ =	sdelay $0x1  }
0x6a: {  	v6 =	vperm.xlane v6, v5;
	_ =	sdelay $0x1  }
0x6b: {  	s16 =	simm.s32 $0x6F00;
	v6 =	vadd.s32 v4, v6  }
0x6c: {  	[tilespmem:s16], [sflag:$0x1] =	stream.indirect_vreg.gather [hbm4b:s7+s1], $0x80, v7, vm0, $0xb8;
	[tilespmem:$0x14F00] =	vst v63  }
0x6d: {  	s17 =	simm.s32 $0x7700  }
0x6e: {  	[tilespmem:s17], [sflag:$0x1] =	stream.indirect_vreg.gather [hbm4b:s9+s1], $0x80, v7, vm0, $0xb8;
	[tilespmem:$0x14F00] =	vst v63  }
0x6f: {  	s18 =	simm.s32 $0x7F00  }
0x70: {  	[tilespmem:s18], [sflag:$0x1] =	stream.indirect_vreg.gather [hbm4b:s7+s1], $0x80, v6, vm0, $0xb8;
	[tilespmem:$0x14F00] =	vst v63  }
0x71: {  	s19 =	simm.s32 $0x8700  }
0x72: {  	[tilespmem:s19], [sflag:$0x1] =	stream.indirect_vreg.gather [hbm4b:s9+s1], $0x80, v6, vm0, $0xb8;
	[tilespmem:$0x14F00] =	vst v63  }
0x73: {  	v6 =	vld [tilespmem:s8+$0x3600];
	_ =	sdelay $0x4  }
0x74: {  	v7 =	vshll.u32 v6, $0x2  }
0x75: {  	v6 =	vand.u32 $0x7, v6;
	v7 =	vand.u32 $0xFFFFFFE0, v7  }
0x76: {  	v6 =	vor.u32 v6, v7  }
0x77: {  	v7 =	vperm.xlane v6, v3;
	_ =	sdelay $0x1  }
0x78: {  	v7 =	vadd.s32 v4, v7;
	_ =	sdelay $0x1  }
0x79: {  	v6 =	vperm.xlane v6, v5;
	_ =	sdelay $0x1  }
0x7a: {  	s20 =	rddreg [dreg:$0x5];
	s3 =	simm.s32 $0xCF00;
	v6 =	vadd.s32 v4, v6  }
0x7b: {  	[tilespmem:s3], [sflag:$0x3] =	stream.indirect_vreg.gather [hbm4b:s20+s1], $0x80, v7, vm0, $0xb8;
	[tilespmem:$0x14F00] =	vst v63  }
0x7c: {  	s21 =	simm.s32 $0xD700  }
0x7d: {  	[tilespmem:s21], [sflag:$0x3] =	stream.indirect_vreg.gather [hbm4b:s10+s1], $0x80, v7, vm0, $0xb8;
	[tilespmem:$0x14F00] =	vst v63  }
0x7e: {  	s22 =	simm.s32 $0xDF00  }
0x7f: {  	[tilespmem:s22], [sflag:$0x3] =	stream.indirect_vreg.gather [hbm4b:s20+s1], $0x80, v6, vm0, $0xb8;
	[tilespmem:$0x14F00] =	vst v63  }
0x80: {  	s23 =	simm.s32 $0xE700  }
0x81: {  	[tilespmem:s23], [sflag:$0x3] =	stream.indirect_vreg.gather [hbm4b:s10+s1], $0x80, v6, vm0, $0xb8;
	[tilespmem:$0x14F00] =	vst v63  }
0x82: {  	v6 =	vld [tilespmem:s8+$0x3610];
	_ =	sdelay $0x4  }
0x83: {  	v7 =	vshll.u32 v6, $0x2  }
0x84: {  	v6 =	vand.u32 $0x7, v6;
	v7 =	vand.u32 $0xFFFFFFE0, v7  }
0x85: {  	v6 =	vor.u32 v6, v7  }
0x86: {  	v7 =	vperm.xlane v6, v3;
	_ =	sdelay $0x1  }
0x87: {  	v7 =	vadd.s32 v4, v7;
	_ =	sdelay $0x1  }
0x88: {  	v6 =	vperm.xlane v6, v5;
	_ =	sdelay $0x1  }
0x89: {  	s24 =	simm.s32 $0xEF00;
	v6 =	vadd.s32 v4, v6  }
0x8a: {  	[tilespmem:s24], [sflag:$0x3] =	stream.indirect_vreg.gather [hbm4b:s20+s1], $0x80, v7, vm0, $0xb8;
	[tilespmem:$0x14F00] =	vst v63  }
0x8b: {  	s25 =	simm.s32 $0xF700  }
0x8c: {  	[tilespmem:s25], [sflag:$0x3] =	stream.indirect_vreg.gather [hbm4b:s10+s1], $0x80, v7, vm0, $0xb8;
	[tilespmem:$0x14F00] =	vst v63  }
0x8d: {  	s26 =	simm.s32 $0xFF00  }
0x8e: {  	[tilespmem:s26], [sflag:$0x3] =	stream.indirect_vreg.gather [hbm4b:s20+s1], $0x80, v6, vm0, $0xb8;
	[tilespmem:$0x14F00] =	vst v63  }
0x8f: {  	s28 =	simm.s32 $0x10700  }
0x90: {  	[tilespmem:s28], [sflag:$0x3] =	stream.indirect_vreg.gather [hbm4b:s10+s1], $0x80, v6, vm0, $0xb8;
	[tilespmem:$0x14F00] =	vst v63  }
0x91: {  	v6 =	vld [tilespmem:s8+$0x1D20];
	_ =	sdelay $0x4  }
0x92: {  	v7 =	vshll.u32 v6, $0x2  }
0x93: {  	v6 =	vand.u32 $0x7, v6;
	v7 =	vand.u32 $0xFFFFFFE0, v7  }
0x94: {  	v6 =	vor.u32 v6, v7  }
0x95: {  	v7 =	vperm.xlane v6, v3;
	_ =	sdelay $0x1  }
0x96: {  	v7 =	vadd.s32 v4, v7;
	_ =	sdelay $0x1  }
0x97: {  	v6 =	vperm.xlane v6, v5;
	_ =	sdelay $0x1  }
0x98: {  	v6 =	vadd.s32 v4, v6  }
0x99: {  	[tilespmem:s6], [sflag:$0x2] =	stream.indirect_vreg.gather [hbm4b:s7+s1], $0x80, v7, vm0, $0xb8;
	[tilespmem:$0x14F00] =	vst v63  }
0x9a: {  	s29 =	simm.s32 $0x9700  }
0x9b: {  	[tilespmem:s29], [sflag:$0x2] =	stream.indirect_vreg.gather [hbm4b:s9+s1], $0x80, v7, vm0, $0xb8;
	[tilespmem:$0x14F00] =	vst v63  }
0x9c: {  	s30 =	simm.s32 $0x9F00  }
0x9d: {  	[tilespmem:s30], [sflag:$0x2] =	stream.indirect_vreg.gather [hbm4b:s7+s1], $0x80, v6, vm0, $0xb8;
	[tilespmem:$0x14F00] =	vst v63  }
0x9e: {  	s31 =	simm.s32 $0xA700  }
0x9f: {  	[tilespmem:s31], [sflag:$0x2] =	stream.indirect_vreg.gather [hbm4b:s9+s1], $0x80, v6, vm0, $0xb8;
	[tilespmem:$0x14F00] =	vst v63  }
0xa0: {  	v6 =	vld [tilespmem:s8+$0x1D30];
	_ =	sdelay $0x4  }
0xa1: {  	v7 =	vshll.u32 v6, $0x2  }
0xa2: {  	v6 =	vand.u32 $0x7, v6;
	v7 =	vand.u32 $0xFFFFFFE0, v7  }
0xa3: {  	v6 =	vor.u32 v6, v7  }
0xa4: {  	v7 =	vperm.xlane v6, v3;
	_ =	sdelay $0x1  }
0xa5: {  	v7 =	vadd.s32 v4, v7;
	_ =	sdelay $0x1  }
0xa6: {  	v6 =	vperm.xlane v6, v5;
	_ =	sdelay $0x1  }
0xa7: {  	s4 =	simm.s32 $0xAF00;
	v6 =	vadd.s32 v4, v6  }
0xa8: {  	[tilespmem:s4], [sflag:$0x2] =	stream.indirect_vreg.gather [hbm4b:s7+s1], $0x80, v7, vm0, $0xb8;
	[tilespmem:$0x14F00] =	vst v63  }
0xa9: {  	s5 =	simm.s32 $0xB700  }
0xaa: {  	[tilespmem:s5], [sflag:$0x2] =	stream.indirect_vreg.gather [hbm4b:s9+s1], $0x80, v7, vm0, $0xb8;
	[tilespmem:$0x14F00] =	vst v63  }
0xab: {  	s6 =	simm.s32 $0xBF00  }
0xac: {  	[tilespmem:s6], [sflag:$0x2] =	stream.indirect_vreg.gather [hbm4b:s7+s1], $0x80, v6, vm0, $0xb8;
	[tilespmem:$0x14F00] =	vst v63  }
0xad: {  	s11 =	simm.s32 $0xC700  }
0xae: {  	[tilespmem:s11], [sflag:$0x2] =	stream.indirect_vreg.gather [hbm4b:s9+s1], $0x80, v6, vm0, $0xb8;
	[tilespmem:$0x14F00] =	vst v63  }
0xaf: {  	v6 =	vld [tilespmem:s8+$0x3620];
	_ =	sdelay $0x4  }
0xb0: {  	v7 =	vshll.u32 v6, $0x2  }
0xb1: {  	v6 =	vand.u32 $0x7, v6;
	v7 =	vand.u32 $0xFFFFFFE0, v7  }
0xb2: {  	v6 =	vor.u32 v6, v7  }
0xb3: {  	v7 =	vperm.xlane v6, v3;
	_ =	sdelay $0x1  }
0xb4: {  	v7 =	vadd.s32 v4, v7;
	_ =	sdelay $0x1  }
0xb5: {  	v6 =	vperm.xlane v6, v5;
	_ =	sdelay $0x1  }
0xb6: {  	s12 =	simm.s32 $0x10F00;
	v6 =	vadd.s32 v4, v6  }
0xb7: {  	[tilespmem:s12], [sflag:$0x4] =	stream.indirect_vreg.gather [hbm4b:s20+s1], $0x80, v7, vm0, $0xb8;
	[tilespmem:$0x14F00] =	vst v63  }
0xb8: {  	s14 =	simm.s32 $0x11700  }
0xb9: {  	[tilespmem:s14], [sflag:$0x4] =	stream.indirect_vreg.gather [hbm4b:s10+s1], $0x80, v7, vm0, $0xb8;
	[tilespmem:$0x14F00] =	vst v63  }
0xba: {  	s15 =	simm.s32 $0x11F00  }
0xbb: {  	[tilespmem:s15], [sflag:$0x4] =	stream.indirect_vreg.gather [hbm4b:s20+s1], $0x80, v6, vm0, $0xb8;
	[tilespmem:$0x14F00] =	vst v63  }
0xbc: {  	s16 =	simm.s32 $0x12700  }
0xbd: {  	[tilespmem:s16], [sflag:$0x4] =	stream.indirect_vreg.gather [hbm4b:s10+s1], $0x80, v6, vm0, $0xb8;
	[tilespmem:$0x14F00] =	vst v63  }
0xbe: {  	v6 =	vld [tilespmem:s8+$0x3630];
	_ =	sdelay $0x4  }
0xbf: {  	v7 =	vshll.u32 v6, $0x2  }
0xc0: {  	v6 =	vand.u32 $0x7, v6;
	v7 =	vand.u32 $0xFFFFFFE0, v7  }
0xc1: {  	v6 =	vor.u32 v6, v7  }
0xc2: {  	v7 =	vperm.xlane v6, v3;
	_ =	sdelay $0x1  }
0xc3: {  	v7 =	vadd.s32 v4, v7;
	_ =	sdelay $0x1  }
0xc4: {  	v6 =	vperm.xlane v6, v5;
	_ =	sdelay $0x1  }
0xc5: {  	s17 =	simm.s32 $0x12F00;
	v6 =	vadd.s32 v4, v6  }
0xc6: {  	[tilespmem:s17], [sflag:$0x4] =	stream.indirect_vreg.gather [hbm4b:s20+s1], $0x80, v7, vm0, $0xb8;
	[tilespmem:$0x14F00] =	vst v63  }
0xc7: {  	s18 =	simm.s32 $0x13700  }
0xc8: {  	[tilespmem:s18], [sflag:$0x4] =	stream.indirect_vreg.gather [hbm4b:s10+s1], $0x80, v7, vm0, $0xb8;
	[tilespmem:$0x14F00] =	vst v63  }
0xc9: {  	s19 =	simm.s32 $0x13F00  }
0xca: {  	[tilespmem:s19], [sflag:$0x4] =	stream.indirect_vreg.gather [hbm4b:s20+s1], $0x80, v6, vm0, $0xb8;
	[tilespmem:$0x14F00] =	vst v63  }
0xcb: {  	s21 =	simm.s32 $0x1;
	s20 =	simm.s32 $0x14700  }
0xcc: {  	[tilespmem:s20], [sflag:$0x4] =	stream.indirect_vreg.gather [hbm4b:s10+s1], $0x80, v6, vm0, $0xb8;
	[tilespmem:$0x14F00] =	vst v63  }
0xcd: {  	_ =	swait.ge [sflag:s21], $0x4000  }
0xce: {  	[sflag:s21] =	ssyncset.done $0x0  }
0xcf: {  	s4 =	simm.s32 $0x3;
	[sflag:s21] =	ssyncadd.s32 $0xFFFFC000  }
0xd0: {  	_ =	swait.ge [sflag:s4], $0x4000  }
0xd1: {  	s22 =	sand.u32 $0x3000, s1;
	s23 =	sand.u32 $0x300, s1;
	[sflag:s4] =	ssyncset.done $0x0  }
0xd2: {  	s2 =	sor.u32 s23, s22;
	[sflag:s4] =	ssyncadd.s32 $0xFFFFC000  }
0xd3: {  	v6 =	vld [tilespmem:s2+$0xCF80]  }
0xd4: {  	v7 =	vld [tilespmem:s2+$0xCF90]  }
0xd5: {  	v8 =	vld [tilespmem:s2+$0xCFA0]  }
0xd6: {  	v9 =	vld [tilespmem:s2+$0xCFB0]  }
0xd7: {  	v10 =	vld [tilespmem:s2+$0xCFC0]  }
0xd8: {  	v11 =	vld [tilespmem:s2+$0xCFD0]  }
0xd9: {  	v12 =	vld [tilespmem:s2+$0xCFE0]  }
0xda: {  	v13 =	vld [tilespmem:s2+$0xCFF0]  }
0xdb: {  	v14 =	vld [tilespmem:s2+$0xD380]  }
0xdc: {  	v15 =	vld [tilespmem:s2+$0xD390]  }
0xdd: {  	v16 =	vld [tilespmem:s2+$0xD3A0]  }
0xde: {  	v17 =	vld [tilespmem:s2+$0xD3B0]  }
0xdf: {  	v18 =	vld [tilespmem:s2+$0xD3C0]  }
0xe0: {  	v19 =	vld [tilespmem:s2+$0xD3D0]  }
0xe1: {  	v20 =	vld [tilespmem:s2+$0xD3E0]  }
0xe2: {  	v21 =	vld [tilespmem:s2+$0xD3F0]  }
0xe3: {  	v22 =	vld [tilespmem:s2+$0xD780]  }
0xe4: {  	v23 =	vld [tilespmem:s2+$0xD790]  }
0xe5: {  	v24 =	vld [tilespmem:s2+$0xD7A0]  }
0xe6: {  	v25 =	vld [tilespmem:s2+$0xD7B0]  }
0xe7: {  	v26 =	vld [tilespmem:s2+$0xD7C0]  }
0xe8: {  	v27 =	vld [tilespmem:s2+$0xD7D0]  }
0xe9: {  	v28 =	vld [tilespmem:s2+$0xD7E0]  }
0xea: {  	v29 =	vld [tilespmem:s2+$0xD7F0]  }
0xeb: {  	v56 =	vld [tilespmem:s2+$0xCF50]  }
0xec: {  	v57 =	vld [tilespmem:s2+$0xCF60]  }
0xed: {  	v58 =	vld [tilespmem:s2+$0xCF70]  }
0xee: {  	v59 =	vld [tilespmem:s2+$0xD300]  }
0xef: {  	v60 =	vld [tilespmem:s2+$0xD310]  }
0xf0: {  	v61 =	vld [tilespmem:s2+$0xD320]  }
0xf1: {  	v62 =	vld [tilespmem:s2+$0xD330]  }
0xf2: {  	v63 =	vld [tilespmem:s2+$0xD340]  }
0xf3: {  	v33 =	vld [tilespmem:s2+$0xD350]  }
0xf4: {  	v34 =	vld [tilespmem:s2+$0xD360]  }
0xf5: {  	v35 =	vld [tilespmem:s2+$0xD370]  }
0xf6: {  	v36 =	vld [tilespmem:s2+$0xD700]  }
0xf7: {  	v37 =	vld [tilespmem:s2+$0xD710]  }
0xf8: {  	v38 =	vld [tilespmem:s2+$0xD720]  }
0xf9: {  	v39 =	vld [tilespmem:s2+$0xD730]  }
0xfa: {  	v40 =	vld [tilespmem:s2+$0xD740]  }
0xfb: {  	v41 =	vld [tilespmem:s2+$0xD750]  }
0xfc: {  	v42 =	vld [tilespmem:s2+$0xD760]  }
0xfd: {  	v30 =	vld [tilespmem:s2+$0xD770]  }
0xfe: {  	[tilespmem:s2+$0x4F80] =	vst.add.f32.msk $0xffff, v6  }
0xff: {  	[tilespmem:s2+$0x4F90] =	vst.add.f32.msk $0xffff, v7  }
0x100: {  	[tilespmem:s2+$0x4FA0] =	vst.add.f32.msk $0xffff, v8  }
0x101: {  	[tilespmem:s2+$0x4FB0] =	vst.add.f32.msk $0xffff, v9  }
0x102: {  	[tilespmem:s2+$0x4FC0] =	vst.add.f32.msk $0xffff, v10  }
0x103: {  	[tilespmem:s2+$0x4FD0] =	vst.add.f32.msk $0xffff, v11  }
0x104: {  	[tilespmem:s2+$0x4FE0] =	vst.add.f32.msk $0xffff, v12  }
0x105: {  	[tilespmem:s2+$0x4FF0] =	vst.add.f32.msk $0xffff, v13  }
0x106: {  	[tilespmem:s2+$0x5380] =	vst.add.f32.msk $0xffff, v14  }
0x107: {  	[tilespmem:s2+$0x5390] =	vst.add.f32.msk $0xffff, v15  }
0x108: {  	[tilespmem:s2+$0x53A0] =	vst.add.f32.msk $0xffff, v16  }
0x109: {  	[tilespmem:s2+$0x53B0] =	vst.add.f32.msk $0xffff, v17  }
0x10a: {  	[tilespmem:s2+$0x53C0] =	vst.add.f32.msk $0xffff, v18  }
0x10b: {  	[tilespmem:s2+$0x53D0] =	vst.add.f32.msk $0xffff, v19  }
0x10c: {  	[tilespmem:s2+$0x53E0] =	vst.add.f32.msk $0xffff, v20  }
0x10d: {  	[tilespmem:s2+$0x53F0] =	vst.add.f32.msk $0xffff, v21  }
0x10e: {  	[tilespmem:s2+$0x5780] =	vst.add.f32.msk $0xffff, v22  }
0x10f: {  	[tilespmem:s2+$0x5790] =	vst.add.f32.msk $0xffff, v23  }
0x110: {  	[tilespmem:s2+$0x57A0] =	vst.add.f32.msk $0xffff, v24  }
0x111: {  	[tilespmem:s2+$0x57B0] =	vst.add.f32.msk $0xffff, v25  }
0x112: {  	[tilespmem:s2+$0x57C0] =	vst.add.f32.msk $0xffff, v26  }
0x113: {  	[tilespmem:s2+$0x57D0] =	vst.add.f32.msk $0xffff, v27  }
0x114: {  	[tilespmem:s2+$0x57E0] =	vst.add.f32.msk $0xffff, v28  }
0x115: {  	[tilespmem:s2+$0x57F0] =	vst.add.f32.msk $0xffff, v29  }
0x116: {  	v7 =	vld [tilespmem:s2+$0xCF00]  }
0x117: {  	v8 =	vld [tilespmem:s2+$0xCF10]  }
0x118: {  	v9 =	vld [tilespmem:s2+$0xCF20]  }
0x119: {  	v10 =	vld [tilespmem:s2+$0xCF30]  }
0x11a: {  	v11 =	vld [tilespmem:s2+$0xCF40]  }
0x11b: {  	[tilespmem:s2+$0x4F50] =	vst.add.f32.msk $0xffff, v56  }
0x11c: {  	[tilespmem:s2+$0x4F60] =	vst.add.f32.msk $0xffff, v57  }
0x11d: {  	[tilespmem:s2+$0x4F70] =	vst.add.f32.msk $0xffff, v58  }
0x11e: {  	[tilespmem:s2+$0x5300] =	vst.add.f32.msk $0xffff, v59  }
0x11f: {  	[tilespmem:s2+$0x5310] =	vst.add.f32.msk $0xffff, v60  }
0x120: {  	[tilespmem:s2+$0x5320] =	vst.add.f32.msk $0xffff, v61  }
0x121: {  	[tilespmem:s2+$0x5330] =	vst.add.f32.msk $0xffff, v62  }
0x122: {  	[tilespmem:s2+$0x5340] =	vst.add.f32.msk $0xffff, v63  }
0x123: {  	[tilespmem:s2+$0x5350] =	vst.add.f32.msk $0xffff, v33  }
0x124: {  	[tilespmem:s2+$0x5360] =	vst.add.f32.msk $0xffff, v34  }
0x125: {  	[tilespmem:s2+$0x5370] =	vst.add.f32.msk $0xffff, v35  }
0x126: {  	[tilespmem:s2+$0x5700] =	vst.add.f32.msk $0xffff, v36  }
0x127: {  	[tilespmem:s2+$0x5710] =	vst.add.f32.msk $0xffff, v37  }
0x128: {  	[tilespmem:s2+$0x5720] =	vst.add.f32.msk $0xffff, v38  }
0x129: {  	s24 =	sand.u32 $0x3, s1;
	[tilespmem:s2+$0x5730] =	vst.add.f32.msk $0xffff, v39  }
0x12a: {  	s3 =	sshll.u32 s24, $0x8;
	[tilespmem:s2+$0x5740] =	vst.add.f32.msk $0xffff, v40  }
0x12b: {  	s12 =	sadd.s32 $0x0, s3;
	[tilespmem:s2+$0x5750] =	vst.add.f32.msk $0xffff, v41  }
0x12c: {  	s3 =	sadd.s32 $0x80, s12;
	[tilespmem:s2+$0x5760] =	vst.add.f32.msk $0xffff, v42  }
0x12d: {  	s25 =	sor.u32 $0xC00, s3;
	[tilespmem:s2+$0x5770] =	vst.add.f32.msk $0xffff, v30  }
0x12e: {  	v6 =	vld [tilespmem:s25+$0xCF00]  }
0x12f: {  	[tilespmem:s2+$0x4F00] =	vst.add.f32.msk $0xffff, v7  }
0x130: {  	[tilespmem:s2+$0x4F10] =	vst.add.f32.msk $0xffff, v8  }
0x131: {  	[tilespmem:s2+$0x4F20] =	vst.add.f32.msk $0xffff, v9  }
0x132: {  	[tilespmem:s2+$0x4F30] =	vst.add.f32.msk $0xffff, v10  }
0x133: {  	[tilespmem:s2+$0x4F40] =	vst.add.f32.msk $0xffff, v11  }
0x134: {  	s5 =	sor.u32 $0xC00, s12;
	[tilespmem:s25+$0x4F00] =	vst.add.f32.msk $0xffff, v6  }
0x135: {  	s26 =	sor.u32 $0xC10, s3;
	v7 =	vld [tilespmem:s5+$0xCF00]  }
0x136: {  	v6 =	vld [tilespmem:s26+$0xCF00];
	_ =	sdelay $0x2  }
0x137: {  	s11 =	sor.u32 $0xC10, s12;
	s28 =	sor.u32 $0xC20, s3  }
0x138: {  	s29 =	sor.u32 $0xC30, s3;
	s30 =	sor.u32 $0xC40, s3;
	s31 =	sor.u32 $0xC50, s3;
	[tilespmem:s5+$0x4F00] =	vst.add.f32.msk $0xffff, v7  }
0x139: {  	s6 =	sor.u32 $0xC70, s3;
	s16 =	simm.s32 $0x100;
	s17 =	simm.s32 $0x400;
	[tilespmem:s26+$0x4F00] =	vst.add.f32.msk $0xffff, v6  }
0x13a: {  	s4 =	sor.u32 $0xC60, s3;
	s3 =	sand.u32 $0x300, s16;
	s5 =	sand.u32 $0x3000, s17;
	v7 =	vld [tilespmem:s11+$0xCF00]  }
0x13b: {  	s5 =	sor.u32 s3, s5;
	v6 =	vld [tilespmem:s28+$0xCF00]  }
0x13c: {  	v8 =	vld [tilespmem:s5+$0xCF80]  }
0x13d: {  	v9 =	vld [tilespmem:s5+$0xCF90]  }
0x13e: {  	v10 =	vld [tilespmem:s5+$0xCFA0]  }
0x13f: {  	v11 =	vld [tilespmem:s5+$0xCFB0]  }
0x140: {  	v43 =	vld [tilespmem:s5+$0xCFC0]  }
0x141: {  	v44 =	vld [tilespmem:s5+$0xCFD0]  }
0x142: {  	v45 =	vld [tilespmem:s5+$0xCFE0]  }
0x143: {  	v46 =	vld [tilespmem:s5+$0xCFF0]  }
0x144: {  	v47 =	vld [tilespmem:s5+$0xD380]  }
0x145: {  	v48 =	vld [tilespmem:s5+$0xD390]  }
0x146: {  	v49 =	vld [tilespmem:s5+$0xD3A0]  }
0x147: {  	v50 =	vld [tilespmem:s5+$0xD3B0]  }
0x148: {  	v51 =	vld [tilespmem:s5+$0xD3C0]  }
0x149: {  	v52 =	vld [tilespmem:s5+$0xD3D0]  }
0x14a: {  	v53 =	vld [tilespmem:s5+$0xD3E0]  }
0x14b: {  	v54 =	vld [tilespmem:s5+$0xD3F0]  }
0x14c: {  	v55 =	vld [tilespmem:s5+$0xD780]  }
0x14d: {  	v56 =	vld [tilespmem:s5+$0xD790]  }
0x14e: {  	v57 =	vld [tilespmem:s5+$0xD7A0]  }
0x14f: {  	v58 =	vld [tilespmem:s5+$0xD7B0]  }
0x150: {  	v59 =	vld [tilespmem:s5+$0xD7C0]  }
0x151: {  	v60 =	vld [tilespmem:s5+$0xD7D0]  }
0x152: {  	v61 =	vld [tilespmem:s5+$0xD7E0]  }
0x153: {  	v31 =	vld [tilespmem:s5+$0xD7F0]  }
0x154: {  	v62 =	vld [tilespmem:s5+$0xCF30]  }
0x155: {  	v63 =	vld [tilespmem:s5+$0xCF40]  }
0x156: {  	v36 =	vld [tilespmem:s5+$0xCF50]  }
0x157: {  	v37 =	vld [tilespmem:s5+$0xCF60]  }
0x158: {  	v38 =	vld [tilespmem:s5+$0xCF70]  }
0x159: {  	v39 =	vld [tilespmem:s5+$0xD300]  }
0x15a: {  	v40 =	vld [tilespmem:s5+$0xD310]  }
0x15b: {  	v41 =	vld [tilespmem:s5+$0xD320]  }
0x15c: {  	v42 =	vld [tilespmem:s5+$0xD330]  }
0x15d: {  	v32 =	vld [tilespmem:s5+$0xD770]  }
0x15e: {  	[tilespmem:s11+$0x4F00] =	vst.add.f32.msk $0xffff, v7  }
0x15f: {  	s18 =	sor.u32 $0xC20, s12;
	[tilespmem:s28+$0x4F00] =	vst.add.f32.msk $0xffff, v6  }
0x160: {  	v7 =	vld [tilespmem:s18+$0xCF00]  }
0x161: {  	[tilespmem:s5+$0x4F80] =	vst.add.f32.msk $0xffff, v8  }
0x162: {  	[tilespmem:s5+$0x4F90] =	vst.add.f32.msk $0xffff, v9  }
0x163: {  	[tilespmem:s5+$0x4FA0] =	vst.add.f32.msk $0xffff, v10  }
0x164: {  	[tilespmem:s5+$0x4FB0] =	vst.add.f32.msk $0xffff, v11  }
0x165: {  	[tilespmem:s5+$0x4FC0] =	vst.add.f32.msk $0xffff, v43  }
0x166: {  	[tilespmem:s5+$0x4FD0] =	vst.add.f32.msk $0xffff, v44  }
0x167: {  	[tilespmem:s5+$0x4FE0] =	vst.add.f32.msk $0xffff, v45  }
0x168: {  	[tilespmem:s5+$0x4FF0] =	vst.add.f32.msk $0xffff, v46  }
0x169: {  	[tilespmem:s5+$0x5380] =	vst.add.f32.msk $0xffff, v47  }
0x16a: {  	[tilespmem:s5+$0x5390] =	vst.add.f32.msk $0xffff, v48  }
0x16b: {  	[tilespmem:s5+$0x53A0] =	vst.add.f32.msk $0xffff, v49  }
0x16c: {  	[tilespmem:s5+$0x53B0] =	vst.add.f32.msk $0xffff, v50  }
0x16d: {  	[tilespmem:s5+$0x53C0] =	vst.add.f32.msk $0xffff, v51  }
0x16e: {  	[tilespmem:s5+$0x53D0] =	vst.add.f32.msk $0xffff, v52  }
0x16f: {  	[tilespmem:s5+$0x53E0] =	vst.add.f32.msk $0xffff, v53  }
0x170: {  	[tilespmem:s5+$0x53F0] =	vst.add.f32.msk $0xffff, v54  }
0x171: {  	[tilespmem:s5+$0x5780] =	vst.add.f32.msk $0xffff, v55  }
0x172: {  	[tilespmem:s5+$0x5790] =	vst.add.f32.msk $0xffff, v56  }
0x173: {  	[tilespmem:s5+$0x57A0] =	vst.add.f32.msk $0xffff, v57  }
0x174: {  	[tilespmem:s5+$0x57B0] =	vst.add.f32.msk $0xffff, v58  }
0x175: {  	[tilespmem:s5+$0x57C0] =	vst.add.f32.msk $0xffff, v59  }
0x176: {  	[tilespmem:s5+$0x57D0] =	vst.add.f32.msk $0xffff, v60  }
0x177: {  	[tilespmem:s5+$0x57E0] =	vst.add.f32.msk $0xffff, v61  }
0x178: {  	[tilespmem:s5+$0x57F0] =	vst.add.f32.msk $0xffff, v31  }
0x179: {  	v9 =	vld [tilespmem:s5+$0xCF00]  }
0x17a: {  	v10 =	vld [tilespmem:s5+$0xCF10]  }
0x17b: {  	v11 =	vld [tilespmem:s5+$0xCF20]  }
0x17c: {  	v43 =	vld [tilespmem:s5+$0xD340]  }
0x17d: {  	v44 =	vld [tilespmem:s5+$0xD350]  }
0x17e: {  	v45 =	vld [tilespmem:s5+$0xD360]  }
0x17f: {  	v46 =	vld [tilespmem:s5+$0xD370]  }
0x180: {  	v47 =	vld [tilespmem:s5+$0xD700]  }
0x181: {  	v48 =	vld [tilespmem:s5+$0xD710]  }
0x182: {  	v49 =	vld [tilespmem:s5+$0xD720]  }
0x183: {  	v50 =	vld [tilespmem:s5+$0xD730]  }
0x184: {  	v51 =	vld [tilespmem:s5+$0xD740]  }
0x185: {  	v52 =	vld [tilespmem:s5+$0xD750]  }
0x186: {  	v53 =	vld [tilespmem:s5+$0xD760]  }
0x187: {  	[tilespmem:s5+$0x4F30] =	vst.add.f32.msk $0xffff, v62  }
0x188: {  	[tilespmem:s5+$0x4F40] =	vst.add.f32.msk $0xffff, v63  }
0x189: {  	[tilespmem:s5+$0x4F50] =	vst.add.f32.msk $0xffff, v36  }
0x18a: {  	[tilespmem:s5+$0x4F60] =	vst.add.f32.msk $0xffff, v37  }
0x18b: {  	[tilespmem:s5+$0x4F70] =	vst.add.f32.msk $0xffff, v38  }
0x18c: {  	s19 =	simm.s32 $0x1;
	[tilespmem:s5+$0x5300] =	vst.add.f32.msk $0xffff, v39  }
0x18d: {  	s3 =	sand.u32 $0x3, s19;
	[tilespmem:s5+$0x5310] =	vst.add.f32.msk $0xffff, v40  }
0x18e: {  	s3 =	sshll.u32 s3, $0x8;
	[tilespmem:s5+$0x5320] =	vst.add.f32.msk $0xffff, v41  }
0x18f: {  	s3 =	sadd.s32 $0x400, s3;
	[tilespmem:s5+$0x5330] =	vst.add.f32.msk $0xffff, v42  }
0x190: {  	s20 =	sadd.s32 $0x80, s3;
	[tilespmem:s5+$0x5770] =	vst.add.f32.msk $0xffff, v32  }
0x191: {  	s14 =	sor.u32 $0xC00, s20;
	v6 =	vld [tilespmem:s29+$0xCF00]  }
0x192: {  	v8 =	vld [tilespmem:s14+$0xCF00]  }
0x193: {  	[tilespmem:s5+$0x4F00] =	vst.add.f32.msk $0xffff, v9  }
0x194: {  	[tilespmem:s5+$0x4F10] =	vst.add.f32.msk $0xffff, v10  }
0x195: {  	[tilespmem:s5+$0x4F20] =	vst.add.f32.msk $0xffff, v11  }
0x196: {  	[tilespmem:s5+$0x5340] =	vst.add.f32.msk $0xffff, v43  }
0x197: {  	[tilespmem:s5+$0x5350] =	vst.add.f32.msk $0xffff, v44  }
0x198: {  	[tilespmem:s5+$0x5360] =	vst.add.f32.msk $0xffff, v45  }
0x199: {  	[tilespmem:s5+$0x5370] =	vst.add.f32.msk $0xffff, v46  }
0x19a: {  	[tilespmem:s5+$0x5700] =	vst.add.f32.msk $0xffff, v47  }
0x19b: {  	[tilespmem:s5+$0x5710] =	vst.add.f32.msk $0xffff, v48  }
0x19c: {  	[tilespmem:s5+$0x5720] =	vst.add.f32.msk $0xffff, v49  }
0x19d: {  	[tilespmem:s5+$0x5730] =	vst.add.f32.msk $0xffff, v50  }
0x19e: {  	[tilespmem:s5+$0x5740] =	vst.add.f32.msk $0xffff, v51  }
0x19f: {  	[tilespmem:s5+$0x5750] =	vst.add.f32.msk $0xffff, v52  }
0x1a0: {  	[tilespmem:s5+$0x5760] =	vst.add.f32.msk $0xffff, v53  }
0x1a1: {  	[tilespmem:s18+$0x4F00] =	vst.add.f32.msk $0xffff, v7  }
0x1a2: {  	[tilespmem:s29+$0x4F00] =	vst.add.f32.msk $0xffff, v6  }
0x1a3: {  	s15 =	sor.u32 $0xC00, s3;
	[tilespmem:s14+$0x4F00] =	vst.add.f32.msk $0xffff, v8  }
0x1a4: {  	s28 =	sor.u32 $0xC30, s12;
	v9 =	vld [tilespmem:s15+$0xCF00]  }
0x1a5: {  	v7 =	vld [tilespmem:s28+$0xCF00]  }
0x1a6: {  	s21 =	sor.u32 $0xC10, s20;
	v6 =	vld [tilespmem:s30+$0xCF00]  }
0x1a7: {  	v8 =	vld [tilespmem:s21+$0xCF00];
	_ =	sdelay $0x1  }
0x1a8: {  	[tilespmem:s15+$0x4F00] =	vst.add.f32.msk $0xffff, v9  }
0x1a9: {  	[tilespmem:s28+$0x4F00] =	vst.add.f32.msk $0xffff, v7  }
0x1aa: {  	[tilespmem:s30+$0x4F00] =	vst.add.f32.msk $0xffff, v6  }
0x1ab: {  	[tilespmem:s21+$0x4F00] =	vst.add.f32.msk $0xffff, v8  }
0x1ac: {  	s16 =	simm.s32 $0x800;
	s22 =	sor.u32 $0xC20, s20;
	s15 =	simm.s32 $0x200;
	v6 =	vld [tilespmem:s31+$0xCF00]  }
0x1ad: {  	s11 =	sand.u32 $0x3000, s16;
	s30 =	sor.u32 $0xC10, s3;
	s5 =	sand.u32 $0x300, s15;
	v8 =	vld [tilespmem:s22+$0xCF00]  }
0x1ae: {  	v9 =	vld [tilespmem:s30+$0xCF00];
	s5 =	sor.u32 s5, s11  }
0x1af: {  	v10 =	vld [tilespmem:s5+$0xCFA0]  }
0x1b0: {  	v11 =	vld [tilespmem:s5+$0xCFB0]  }
0x1b1: {  	v54 =	vld [tilespmem:s5+$0xCFC0]  }
0x1b2: {  	v55 =	vld [tilespmem:s5+$0xCFD0]  }
0x1b3: {  	v56 =	vld [tilespmem:s5+$0xCFE0]  }
0x1b4: {  	v57 =	vld [tilespmem:s5+$0xCFF0]  }
0x1b5: {  	v58 =	vld [tilespmem:s5+$0xD380]  }
0x1b6: {  	v59 =	vld [tilespmem:s5+$0xD390]  }
0x1b7: {  	v60 =	vld [tilespmem:s5+$0xD3A0]  }
0x1b8: {  	v61 =	vld [tilespmem:s5+$0xD3B0]  }
0x1b9: {  	v62 =	vld [tilespmem:s5+$0xD3C0]  }
0x1ba: {  	v63 =	vld [tilespmem:s5+$0xD3D0]  }
0x1bb: {  	v33 =	vld [tilespmem:s5+$0xD3E0]  }
0x1bc: {  	v34 =	vld [tilespmem:s5+$0xD3F0]  }
0x1bd: {  	v35 =	vld [tilespmem:s5+$0xD780]  }
0x1be: {  	v36 =	vld [tilespmem:s5+$0xD790]  }
0x1bf: {  	v37 =	vld [tilespmem:s5+$0xD7A0]  }
0x1c0: {  	v38 =	vld [tilespmem:s5+$0xD7B0]  }
0x1c1: {  	v39 =	vld [tilespmem:s5+$0xD7C0]  }
0x1c2: {  	v40 =	vld [tilespmem:s5+$0xD7D0]  }
0x1c3: {  	v41 =	vld [tilespmem:s5+$0xD7E0]  }
0x1c4: {  	v42 =	vld [tilespmem:s5+$0xD7F0]  }
0x1c5: {  	v43 =	vld [tilespmem:s5+$0xCF30]  }
0x1c6: {  	v44 =	vld [tilespmem:s5+$0xCF40]  }
0x1c7: {  	v45 =	vld [tilespmem:s5+$0xCF50]  }
0x1c8: {  	v46 =	vld [tilespmem:s5+$0xCF60]  }
0x1c9: {  	v47 =	vld [tilespmem:s5+$0xCF70]  }
0x1ca: {  	v48 =	vld [tilespmem:s5+$0xD300]  }
0x1cb: {  	v49 =	vld [tilespmem:s5+$0xD310]  }
0x1cc: {  	v50 =	vld [tilespmem:s5+$0xD320]  }
0x1cd: {  	v51 =	vld [tilespmem:s5+$0xD330]  }
0x1ce: {  	v52 =	vld [tilespmem:s5+$0xD340]  }
0x1cf: {  	v53 =	vld [tilespmem:s5+$0xD350]  }
0x1d0: {  	[tilespmem:s31+$0x4F00] =	vst.add.f32.msk $0xffff, v6  }
0x1d1: {  	[tilespmem:s22+$0x4F00] =	vst.add.f32.msk $0xffff, v8  }
0x1d2: {  	[tilespmem:s30+$0x4F00] =	vst.add.f32.msk $0xffff, v9  }
0x1d3: {  	v9 =	vld [tilespmem:s5+$0xCF90]  }
0x1d4: {  	s23 =	sor.u32 $0xC30, s20;
	v6 =	vld [tilespmem:s4+$0xCF00]  }
0x1d5: {  	s31 =	sor.u32 $0xC40, s12;
	v8 =	vld [tilespmem:s23+$0xCF00]  }
0x1d6: {  	v7 =	vld [tilespmem:s31+$0xCF00]  }
0x1d7: {  	[tilespmem:s5+$0x4FA0] =	vst.add.f32.msk $0xffff, v10  }
0x1d8: {  	[tilespmem:s5+$0x4FB0] =	vst.add.f32.msk $0xffff, v11  }
0x1d9: {  	[tilespmem:s5+$0x4FC0] =	vst.add.f32.msk $0xffff, v54  }
0x1da: {  	[tilespmem:s5+$0x4FD0] =	vst.add.f32.msk $0xffff, v55  }
0x1db: {  	[tilespmem:s5+$0x4FE0] =	vst.add.f32.msk $0xffff, v56  }
0x1dc: {  	[tilespmem:s5+$0x4FF0] =	vst.add.f32.msk $0xffff, v57  }
0x1dd: {  	[tilespmem:s5+$0x5380] =	vst.add.f32.msk $0xffff, v58  }
0x1de: {  	[tilespmem:s5+$0x5390] =	vst.add.f32.msk $0xffff, v59  }
0x1df: {  	[tilespmem:s5+$0x53A0] =	vst.add.f32.msk $0xffff, v60  }
0x1e0: {  	[tilespmem:s5+$0x53B0] =	vst.add.f32.msk $0xffff, v61  }
0x1e1: {  	[tilespmem:s5+$0x53C0] =	vst.add.f32.msk $0xffff, v62  }
0x1e2: {  	[tilespmem:s5+$0x53D0] =	vst.add.f32.msk $0xffff, v63  }
0x1e3: {  	[tilespmem:s5+$0x53E0] =	vst.add.f32.msk $0xffff, v33  }
0x1e4: {  	[tilespmem:s5+$0x53F0] =	vst.add.f32.msk $0xffff, v34  }
0x1e5: {  	[tilespmem:s5+$0x5780] =	vst.add.f32.msk $0xffff, v35  }
0x1e6: {  	[tilespmem:s5+$0x5790] =	vst.add.f32.msk $0xffff, v36  }
0x1e7: {  	s24 =	sor.u32 $0xC40, s20;
	[tilespmem:s23+$0x4F00] =	vst.add.f32.msk $0xffff, v8  }
0x1e8: {  	v8 =	vld [tilespmem:s24+$0xCF00]  }
0x1e9: {  	[tilespmem:s5+$0x57A0] =	vst.add.f32.msk $0xffff, v37  }
0x1ea: {  	[tilespmem:s5+$0x57B0] =	vst.add.f32.msk $0xffff, v38  }
0x1eb: {  	[tilespmem:s5+$0x57C0] =	vst.add.f32.msk $0xffff, v39  }
0x1ec: {  	[tilespmem:s5+$0x57D0] =	vst.add.f32.msk $0xffff, v40  }
0x1ed: {  	s25 =	sor.u32 $0xC50, s20;
	[tilespmem:s24+$0x4F00] =	vst.add.f32.msk $0xffff, v8  }
0x1ee: {  	v8 =	vld [tilespmem:s25+$0xCF00]  }
0x1ef: {  	[tilespmem:s5+$0x57E0] =	vst.add.f32.msk $0xffff, v41  }
0x1f0: {  	[tilespmem:s5+$0x57F0] =	vst.add.f32.msk $0xffff, v42  }
0x1f1: {  	v10 =	vld [tilespmem:s5+$0xCF10]  }
0x1f2: {  	v11 =	vld [tilespmem:s5+$0xCF20]  }
0x1f3: {  	s26 =	sor.u32 $0xC60, s20;
	[tilespmem:s25+$0x4F00] =	vst.add.f32.msk $0xffff, v8  }
0x1f4: {  	v8 =	vld [tilespmem:s26+$0xCF00]  }
0x1f5: {  	v54 =	vld [tilespmem:s5+$0xD360]  }
0x1f6: {  	v55 =	vld [tilespmem:s5+$0xD370]  }
0x1f7: {  	v56 =	vld [tilespmem:s5+$0xD700]  }
0x1f8: {  	v57 =	vld [tilespmem:s5+$0xD710]  }
0x1f9: {  	s29 =	sor.u32 $0xC70, s20;
	[tilespmem:s26+$0x4F00] =	vst.add.f32.msk $0xffff, v8  }
0x1fa: {  	v8 =	vld [tilespmem:s29+$0xCF00]  }
0x1fb: {  	v58 =	vld [tilespmem:s5+$0xD720]  }
0x1fc: {  	v59 =	vld [tilespmem:s5+$0xD730]  }
0x1fd: {  	v60 =	vld [tilespmem:s5+$0xD740]  }
0x1fe: {  	v61 =	vld [tilespmem:s5+$0xD750]  }
0x1ff: {  	[tilespmem:s29+$0x4F00] =	vst.add.f32.msk $0xffff, v8  }
0x200: {  	s11 =	simm.s32 $0x2;
	v8 =	vld [tilespmem:s5+$0xCF80]  }
0x201: {  	s18 =	sand.u32 $0x3, s11;
	v62 =	vld [tilespmem:s5+$0xD760]  }
0x202: {  	s14 =	sshll.u32 s18, $0x8;
	v63 =	vld [tilespmem:s5+$0xD770]  }
0x203: {  	s14 =	sadd.s32 $0x800, s14;
	[tilespmem:s5+$0x4F30] =	vst.add.f32.msk $0xffff, v43  }
0x204: {  	s19 =	sadd.s32 $0x80, s14;
	[tilespmem:s5+$0x4F90] =	vst.add.f32.msk $0xffff, v9  }
0x205: {  	s16 =	sor.u32 $0xC00, s19;
	[tilespmem:s5+$0x4F80] =	vst.add.f32.msk $0xffff, v8  }
0x206: {  	v8 =	vld [tilespmem:s16+$0xCF00]  }
0x207: {  	[tilespmem:s5+$0x4F40] =	vst.add.f32.msk $0xffff, v44  }
0x208: {  	[tilespmem:s5+$0x4F50] =	vst.add.f32.msk $0xffff, v45  }
0x209: {  	[tilespmem:s5+$0x4F60] =	vst.add.f32.msk $0xffff, v46  }
0x20a: {  	[tilespmem:s5+$0x4F70] =	vst.add.f32.msk $0xffff, v47  }
0x20b: {  	s20 =	sor.u32 $0xC10, s19;
	[tilespmem:s16+$0x4F00] =	vst.add.f32.msk $0xffff, v8  }
0x20c: {  	v8 =	vld [tilespmem:s20+$0xCF00]  }
0x20d: {  	[tilespmem:s5+$0x5300] =	vst.add.f32.msk $0xffff, v48  }
0x20e: {  	[tilespmem:s5+$0x5310] =	vst.add.f32.msk $0xffff, v49  }
0x20f: {  	[tilespmem:s5+$0x5320] =	vst.add.f32.msk $0xffff, v50  }
0x210: {  	[tilespmem:s5+$0x5330] =	vst.add.f32.msk $0xffff, v51  }
0x211: {  	s21 =	sor.u32 $0xC20, s19;
	[tilespmem:s20+$0x4F00] =	vst.add.f32.msk $0xffff, v8  }
0x212: {  	v8 =	vld [tilespmem:s21+$0xCF00]  }
0x213: {  	[tilespmem:s5+$0x5340] =	vst.add.f32.msk $0xffff, v52  }
0x214: {  	[tilespmem:s5+$0x5350] =	vst.add.f32.msk $0xffff, v53  }
0x215: {  	v9 =	vld [tilespmem:s5+$0xCF00]  }
0x216: {  	[tilespmem:s4+$0x4F00] =	vst.add.f32.msk $0xffff, v6  }
0x217: {  	s22 =	sor.u32 $0xC30, s19;
	[tilespmem:s21+$0x4F00] =	vst.add.f32.msk $0xffff, v8  }
0x218: {  	v8 =	vld [tilespmem:s22+$0xCF00]  }
0x219: {  	[tilespmem:s31+$0x4F00] =	vst.add.f32.msk $0xffff, v7  }
0x21a: {  	[tilespmem:s5+$0x4F10] =	vst.add.f32.msk $0xffff, v10  }
0x21b: {  	[tilespmem:s5+$0x4F20] =	vst.add.f32.msk $0xffff, v11  }
0x21c: {  	[tilespmem:s5+$0x5360] =	vst.add.f32.msk $0xffff, v54  }
0x21d: {  	s23 =	sor.u32 $0xC40, s19;
	[tilespmem:s22+$0x4F00] =	vst.add.f32.msk $0xffff, v8  }
0x21e: {  	v8 =	vld [tilespmem:s23+$0xCF00]  }
0x21f: {  	[tilespmem:s5+$0x5370] =	vst.add.f32.msk $0xffff, v55  }
0x220: {  	[tilespmem:s5+$0x5700] =	vst.add.f32.msk $0xffff, v56  }
0x221: {  	[tilespmem:s5+$0x5710] =	vst.add.f32.msk $0xffff, v57  }
0x222: {  	[tilespmem:s5+$0x5720] =	vst.add.f32.msk $0xffff, v58  }
0x223: {  	s24 =	sor.u32 $0xC50, s19;
	[tilespmem:s23+$0x4F00] =	vst.add.f32.msk $0xffff, v8  }
0x224: {  	v8 =	vld [tilespmem:s24+$0xCF00]  }
0x225: {  	[tilespmem:s5+$0x5730] =	vst.add.f32.msk $0xffff, v59  }
0x226: {  	[tilespmem:s5+$0x5740] =	vst.add.f32.msk $0xffff, v60  }
0x227: {  	v6 =	vld [tilespmem:s6+$0xCF00]  }
0x228: {  	[tilespmem:s5+$0x5750] =	vst.add.f32.msk $0xffff, v61  }
0x229: {  	s25 =	sor.u32 $0xC60, s19;
	[tilespmem:s24+$0x4F00] =	vst.add.f32.msk $0xffff, v8  }
0x22a: {  	v8 =	vld [tilespmem:s25+$0xCF00]  }
0x22b: {  	[tilespmem:s5+$0x5760] =	vst.add.f32.msk $0xffff, v62  }
0x22c: {  	[tilespmem:s6+$0x4F00] =	vst.add.f32.msk $0xffff, v6;
	s6 =	sor.u32 $0xC20, s3  }
0x22d: {  	v6 =	vld [tilespmem:s6+$0xCF00]  }
0x22e: {  	[tilespmem:s5+$0x5770] =	vst.add.f32.msk $0xffff, v63  }
0x22f: {  	s15 =	sor.u32 $0xC70, s19;
	[tilespmem:s25+$0x4F00] =	vst.add.f32.msk $0xffff, v8  }
0x230: {  	s17 =	sor.u32 $0xC50, s12;
	v8 =	vld [tilespmem:s15+$0xCF00]  }
0x231: {  	v7 =	vld [tilespmem:s17+$0xCF00]  }
0x232: {  	s28 =	sor.u32 $0xC30, s3;
	[tilespmem:s6+$0x4F00] =	vst.add.f32.msk $0xffff, v6  }
0x233: {  	v6 =	vld [tilespmem:s28+$0xCF00]  }
0x234: {  	[tilespmem:s5+$0x4F00] =	vst.add.f32.msk $0xffff, v9  }
0x235: {  	s26 =	sor.u32 $0xC00, s14;
	[tilespmem:s15+$0x4F00] =	vst.add.f32.msk $0xffff, v8  }
0x236: {  	v8 =	vld [tilespmem:s26+$0xCF00]  }
0x237: {  	[tilespmem:s17+$0x4F00] =	vst.add.f32.msk $0xffff, v7  }
0x238: {  	[tilespmem:s28+$0x4F00] =	vst.add.f32.msk $0xffff, v6;
	s29 =	sor.u32 $0xC60, s12  }
0x239: {  	v7 =	vld [tilespmem:s29+$0xCF00];
	s24 =	sor.u32 $0xC40, s3  }
0x23a: {  	v10 =	vld [tilespmem:s24+$0xCF00]  }
0x23b: {  	s30 =	sor.u32 $0xC10, s14;
	[tilespmem:s26+$0x4F00] =	vst.add.f32.msk $0xffff, v8  }
0x23c: {  	s31 =	sor.u32 $0x20, s8;
	v9 =	vld [tilespmem:s30+$0xCF00]  }
0x23d: {  	[dreg:$0x9] =	wrdreg s31  }
0x23e: {  	s12 =	sor.u32 $0xC70, s12;
	[tilespmem:s29+$0x4F00] =	vst.add.f32.msk $0xffff, v7  }
0x23f: {  	s18 =	sor.u32 $0xC60, s14;
	s17 =	sor.u32 $0xC50, s3;
	s19 =	sor.u32 $0xC50, s14;
	v8 =	vld [tilespmem:s12+$0xCF00]  }
0x240: {  	s5 =	simm.s32 $0xC00;
	s16 =	sor.u32 $0xC60, s3;
	s20 =	sor.u32 $0xC40, s14;
	[tilespmem:s24+$0x4F00] =	vst.add.f32.msk $0xffff, v10  }
0x241: {  	s21 =	sor.u32 $0xC30, s14;
	s22 =	simm.s32 $0x4;
	s23 =	sor.u32 $0xC20, s14;
	[tilespmem:s30+$0x4F00] =	vst.add.f32.msk $0xffff, v9  }
0x242: {  	s14 =	sor.u32 $0xC70, s14;
	s15 =	sor.u32 $0xC70, s3;
	s3 =	simm.s32 $0x300;
	v6 =	vld [tilespmem:s23+$0xCF00]  }
.LBB2_5:
0x243: {  	s2 =	sand.u32 $0x3000, s5;
	s4 =	sand.u32 $0x300, s3;
	v7 =	vld [tilespmem:s17+$0xCF00]  }
0x244: {  	s4 =	sor.u32 s4, s2;
	[tilespmem:s12+$0x4F00] =	vst.add.f32.msk $0xffff, v8;
	s12 =	smov.u32 s15;
	s15 =	smov.u32 s14  }
0x245: {  	v8 =	vld [tilespmem:s4+$0xCF80]  }
0x246: {  	v9 =	vld [tilespmem:s4+$0xCF90]  }
0x247: {  	v10 =	vld [tilespmem:s4+$0xCFA0]  }
0x248: {  	v11 =	vld [tilespmem:s4+$0xCFB0]  }
0x249: {  	v12 =	vld [tilespmem:s4+$0xCFC0]  }
0x24a: {  	v13 =	vld [tilespmem:s4+$0xCFD0]  }
0x24b: {  	v14 =	vld [tilespmem:s4+$0xCFE0]  }
0x24c: {  	v15 =	vld [tilespmem:s4+$0xCFF0]  }
0x24d: {  	v16 =	vld [tilespmem:s4+$0xD380]  }
0x24e: {  	v17 =	vld [tilespmem:s4+$0xD390]  }
0x24f: {  	v18 =	vld [tilespmem:s4+$0xD3A0]  }
0x250: {  	v19 =	vld [tilespmem:s4+$0xD3B0]  }
0x251: {  	v20 =	vld [tilespmem:s4+$0xD3C0]  }
0x252: {  	v21 =	vld [tilespmem:s4+$0xD3D0]  }
0x253: {  	v22 =	vld [tilespmem:s4+$0xD3E0]  }
0x254: {  	v23 =	vld [tilespmem:s4+$0xD3F0]  }
0x255: {  	v24 =	vld [tilespmem:s4+$0xD780]  }
0x256: {  	v25 =	vld [tilespmem:s4+$0xD790]  }
0x257: {  	v26 =	vld [tilespmem:s4+$0xD7A0]  }
0x258: {  	v27 =	vld [tilespmem:s4+$0xD7B0]  }
0x259: {  	v28 =	vld [tilespmem:s4+$0xD7C0]  }
0x25a: {  	v29 =	vld [tilespmem:s4+$0xD7D0]  }
0x25b: {  	v30 =	vld [tilespmem:s4+$0xD7E0]  }
0x25c: {  	v31 =	vld [tilespmem:s4+$0xD7F0]  }
0x25d: {  	[tilespmem:s4+$0x4F80] =	vst.add.f32.msk $0xffff, v8  }
0x25e: {  	[tilespmem:s4+$0x4F90] =	vst.add.f32.msk $0xffff, v9  }
0x25f: {  	[tilespmem:s4+$0x4FA0] =	vst.add.f32.msk $0xffff, v10  }
0x260: {  	[tilespmem:s4+$0x4FB0] =	vst.add.f32.msk $0xffff, v11  }
0x261: {  	[tilespmem:s4+$0x4FC0] =	vst.add.f32.msk $0xffff, v12  }
0x262: {  	[tilespmem:s4+$0x4FD0] =	vst.add.f32.msk $0xffff, v13  }
0x263: {  	[tilespmem:s4+$0x4FE0] =	vst.add.f32.msk $0xffff, v14  }
0x264: {  	[tilespmem:s4+$0x4FF0] =	vst.add.f32.msk $0xffff, v15  }
0x265: {  	[tilespmem:s4+$0x5380] =	vst.add.f32.msk $0xffff, v16  }
0x266: {  	[tilespmem:s4+$0x5390] =	vst.add.f32.msk $0xffff, v17  }
0x267: {  	[tilespmem:s4+$0x53A0] =	vst.add.f32.msk $0xffff, v18  }
0x268: {  	[tilespmem:s4+$0x53B0] =	vst.add.f32.msk $0xffff, v19  }
0x269: {  	[tilespmem:s4+$0x53C0] =	vst.add.f32.msk $0xffff, v20  }
0x26a: {  	[tilespmem:s4+$0x53D0] =	vst.add.f32.msk $0xffff, v21  }
0x26b: {  	[tilespmem:s4+$0x53E0] =	vst.add.f32.msk $0xffff, v22  }
0x26c: {  	[tilespmem:s4+$0x53F0] =	vst.add.f32.msk $0xffff, v23  }
0x26d: {  	s22 =	sadd.s32 $0x2, s22;
	[tilespmem:s4+$0x5780] =	vst.add.f32.msk $0xffff, v24  }
0x26e: {  	p0 =	slt.u32 s22, $0x1E;
	[tilespmem:s4+$0x5790] =	vst.add.f32.msk $0xffff, v25  }
0x26f: {  	s11 =	sadd.s32 $0x1, s11;
	[tilespmem:s4+$0x57A0] =	vst.add.f32.msk $0xffff, v26  }
0x270: {  	s2 =	sand.u32 $0x3, s11;
	[tilespmem:s4+$0x57B0] =	vst.add.f32.msk $0xffff, v27  }
0x271: {  	s2 =	sshll.u32 s2, $0x8;
	[tilespmem:s4+$0x57C0] =	vst.add.f32.msk $0xffff, v28  }
0x272: {  	s14 =	sadd.s32 s2, s5;
	[tilespmem:s4+$0x57D0] =	vst.add.f32.msk $0xffff, v29  }
0x273: {  	s26 =	sor.u32 $0xC00, s14;
	s24 =	sor.u32 $0xC10, s14;
	s2 =	sadd.s32 $0x80, s14;
	[tilespmem:s4+$0x57E0] =	vst.add.f32.msk $0xffff, v30  }
0x274: {  	s30 =	sor.u32 $0xC20, s14;
	s28 =	sor.u32 $0xC30, s14;
	s6 =	sor.u32 $0xC00, s2;
	[tilespmem:s4+$0x57F0] =	vst.add.f32.msk $0xffff, v31  }
0x275: {  	s25 =	sor.u32 $0xC40, s14;
	s31 =	sor.u32 $0xC50, s14;
	s29 =	sor.u32 $0xC60, s14;
	v8 =	vld [tilespmem:s6+$0xCF00]  }
0x276: {  	s14 =	sor.u32 $0xC70, s14;
	v9 =	vld [tilespmem:s4+$0xCF00]  }
0x277: {  	v10 =	vld [tilespmem:s4+$0xCF10]  }
0x278: {  	v11 =	vld [tilespmem:s4+$0xCF20]  }
0x279: {  	v12 =	vld [tilespmem:s4+$0xCF30]  }
0x27a: {  	[tilespmem:s6+$0x4F00] =	vst.add.f32.msk $0xffff, v8;
	s6 =	sor.u32 $0xC10, s2  }
0x27b: {  	v8 =	vld [tilespmem:s6+$0xCF00]  }
0x27c: {  	v13 =	vld [tilespmem:s4+$0xCF40]  }
0x27d: {  	v14 =	vld [tilespmem:s4+$0xCF50]  }
0x27e: {  	v15 =	vld [tilespmem:s4+$0xCF60]  }
0x27f: {  	v16 =	vld [tilespmem:s4+$0xCF70]  }
0x280: {  	[tilespmem:s6+$0x4F00] =	vst.add.f32.msk $0xffff, v8;
	s6 =	sor.u32 $0xC20, s2  }
0x281: {  	v8 =	vld [tilespmem:s6+$0xCF00]  }
0x282: {  	v17 =	vld [tilespmem:s4+$0xD300]  }
0x283: {  	v18 =	vld [tilespmem:s4+$0xD310]  }
0x284: {  	v19 =	vld [tilespmem:s4+$0xD320]  }
0x285: {  	v20 =	vld [tilespmem:s4+$0xD330]  }
0x286: {  	[tilespmem:s6+$0x4F00] =	vst.add.f32.msk $0xffff, v8;
	s6 =	sor.u32 $0xC30, s2  }
0x287: {  	v8 =	vld [tilespmem:s6+$0xCF00]  }
0x288: {  	v21 =	vld [tilespmem:s4+$0xD340]  }
0x289: {  	v22 =	vld [tilespmem:s4+$0xD350]  }
0x28a: {  	v23 =	vld [tilespmem:s4+$0xD360]  }
0x28b: {  	v24 =	vld [tilespmem:s4+$0xD370]  }
0x28c: {  	[tilespmem:s6+$0x4F00] =	vst.add.f32.msk $0xffff, v8;
	s6 =	sor.u32 $0xC40, s2  }
0x28d: {  	v8 =	vld [tilespmem:s6+$0xCF00]  }
0x28e: {  	v25 =	vld [tilespmem:s4+$0xD700]  }
0x28f: {  	v26 =	vld [tilespmem:s4+$0xD710]  }
0x290: {  	v27 =	vld [tilespmem:s4+$0xD720]  }
0x291: {  	v28 =	vld [tilespmem:s4+$0xD730]  }
0x292: {  	[tilespmem:s6+$0x4F00] =	vst.add.f32.msk $0xffff, v8;
	s6 =	sor.u32 $0xC50, s2  }
0x293: {  	v8 =	vld [tilespmem:s6+$0xCF00]  }
0x294: {  	v29 =	vld [tilespmem:s4+$0xD740]  }
0x295: {  	v30 =	vld [tilespmem:s4+$0xD750]  }
0x296: {  	v31 =	vld [tilespmem:s4+$0xD760]  }
0x297: {  	v32 =	vld [tilespmem:s4+$0xD770]  }
0x298: {  	[tilespmem:s6+$0x4F00] =	vst.add.f32.msk $0xffff, v8;
	s6 =	sor.u32 $0xC60, s2  }
0x299: {  	v8 =	vld [tilespmem:s6+$0xCF00]  }
0x29a: {  	[tilespmem:s4+$0x4F00] =	vst.add.f32.msk $0xffff, v9  }
0x29b: {  	[tilespmem:s4+$0x4F10] =	vst.add.f32.msk $0xffff, v10  }
0x29c: {  	[tilespmem:s4+$0x4F20] =	vst.add.f32.msk $0xffff, v11  }
0x29d: {  	[tilespmem:s4+$0x4F30] =	vst.add.f32.msk $0xffff, v12  }
0x29e: {  	s2 =	sor.u32 $0xC70, s2;
	[tilespmem:s6+$0x4F00] =	vst.add.f32.msk $0xffff, v8  }
0x29f: {  	v8 =	vld [tilespmem:s2+$0xCF00]  }
0x2a0: {  	[tilespmem:s4+$0x4F40] =	vst.add.f32.msk $0xffff, v13  }
0x2a1: {  	[tilespmem:s4+$0x4F50] =	vst.add.f32.msk $0xffff, v14  }
0x2a2: {  	[tilespmem:s4+$0x4F60] =	vst.add.f32.msk $0xffff, v15  }
0x2a3: {  	[tilespmem:s4+$0x4F70] =	vst.add.f32.msk $0xffff, v16  }
0x2a4: {  	[tilespmem:s2+$0x4F00] =	vst.add.f32.msk $0xffff, v8  }
0x2a5: {  	[tilespmem:s4+$0x5300] =	vst.add.f32.msk $0xffff, v17  }
0x2a6: {  	[tilespmem:s4+$0x5310] =	vst.add.f32.msk $0xffff, v18  }
0x2a7: {  	[tilespmem:s4+$0x5320] =	vst.add.f32.msk $0xffff, v19  }
0x2a8: {  	[tilespmem:s4+$0x5330] =	vst.add.f32.msk $0xffff, v20  }
0x2a9: {  	[tilespmem:s4+$0x5340] =	vst.add.f32.msk $0xffff, v21  }
0x2aa: {  	[tilespmem:s4+$0x5350] =	vst.add.f32.msk $0xffff, v22  }
0x2ab: {  	[tilespmem:s4+$0x5360] =	vst.add.f32.msk $0xffff, v23  }
0x2ac: {  	[tilespmem:s4+$0x5370] =	vst.add.f32.msk $0xffff, v24  }
0x2ad: {  	[tilespmem:s4+$0x5700] =	vst.add.f32.msk $0xffff, v25  }
0x2ae: {  	[tilespmem:s4+$0x5710] =	vst.add.f32.msk $0xffff, v26  }
0x2af: {  	[tilespmem:s4+$0x5720] =	vst.add.f32.msk $0xffff, v27  }
0x2b0: {  	[tilespmem:s4+$0x5730] =	vst.add.f32.msk $0xffff, v28  }
0x2b1: {  	[tilespmem:s4+$0x5740] =	vst.add.f32.msk $0xffff, v29  }
0x2b2: {  	[tilespmem:s4+$0x5750] =	vst.add.f32.msk $0xffff, v30  }
0x2b3: {  	[tilespmem:s4+$0x5760] =	vst.add.f32.msk $0xffff, v31  }
0x2b4: {  	[tilespmem:s4+$0x5770] =	vst.add.f32.msk $0xffff, v32  }
0x2b5: {  	v8 =	vld [tilespmem:s26+$0xCF00]  }
0x2b6: {  	[tilespmem:s23+$0x4F00] =	vst.add.f32.msk $0xffff, v6;
	s23 =	smov.u32 s30  }
0x2b7: {  	v6 =	vld [tilespmem:s21+$0xCF00]  }
0x2b8: {  	[tilespmem:s17+$0x4F00] =	vst.add.f32.msk $0xffff, v7;
	s17 =	smov.u32 s19;
	s19 =	smov.u32 s31  }
0x2b9: {  	v7 =	vld [tilespmem:s16+$0xCF00]  }
0x2ba: {  	[tilespmem:s26+$0x4F00] =	vst.add.f32.msk $0xffff, v8  }
0x2bb: {  	v9 =	vld [tilespmem:s24+$0xCF00]  }
0x2bc: {  	[tilespmem:s21+$0x4F00] =	vst.add.f32.msk $0xffff, v6;
	s21 =	smov.u32 s28  }
0x2bd: {  	v10 =	vld [tilespmem:s20+$0xCF00]  }
.Ltmp1:
0x2be: {  	[tilespmem:s16+$0x4F00] =	vst.add.f32.msk $0xffff, v7;
	s16 =	smov.u32 s18;
	s18 =	smov.u32 s29;
	(pc) =	sbr.rel @p0 .LBB2_5-.Ltmp1, $4  }
0x2bf: {  	v8 =	vld [tilespmem:s12+$0xCF00]  }
0x2c0: {  	[tilespmem:s24+$0x4F00] =	vst.add.f32.msk $0xffff, v9  }
0x2c1: {  	v6 =	vld [tilespmem:s23+$0xCF00]  }
0x2c2: {  	s3 =	sadd.s32 $0x100, s3;
	s5 =	sadd.s32 $0x400, s5;
	[tilespmem:s20+$0x4F00] =	vst.add.f32.msk $0xffff, v10;
	s20 =	smov.u32 s25  }
0x2c3: {  	_ =	sdelay $0x2  }
0x2c4: {  	[tilespmem:s23+$0x4F00] =	vst.add.f32.msk $0xffff, v6  }
0x2c5: {  	v6 =	vld [tilespmem:s21+$0xCF00];
	_ =	sdelay $0x4  }
0x2c6: {  	[tilespmem:s21+$0x4F00] =	vst.add.f32.msk $0xffff, v6  }
0x2c7: {  	v6 =	vld [tilespmem:s20+$0xCF00];
	_ =	sdelay $0x3  }
0x2c8: {  	v7 =	vld [tilespmem:s17+$0xCF00]  }
0x2c9: {  	[tilespmem:s20+$0x4F00] =	vst.add.f32.msk $0xffff, v6  }
0x2ca: {  	v6 =	vld [tilespmem:s19+$0xCF00];
	_ =	sdelay $0x2  }
0x2cb: {  	[tilespmem:s17+$0x4F00] =	vst.add.f32.msk $0xffff, v7  }
0x2cc: {  	v7 =	vld [tilespmem:s16+$0xCF00]  }
0x2cd: {  	[tilespmem:s19+$0x4F00] =	vst.add.f32.msk $0xffff, v6  }
0x2ce: {  	v6 =	vld [tilespmem:s18+$0xCF00];
	_ =	sdelay $0x2  }
0x2cf: {  	[tilespmem:s16+$0x4F00] =	vst.add.f32.msk $0xffff, v7  }
0x2d0: {  	v7 =	vld [tilespmem:s15+$0xCF00]  }
0x2d1: {  	[tilespmem:s18+$0x4F00] =	vst.add.f32.msk $0xffff, v6  }
0x2d2: {  	v6 =	vld [tilespmem:s14+$0xCF00]  }
0x2d3: {  	[tilespmem:s12+$0x4F00] =	vst.add.f32.msk $0xffff, v8  }
0x2d4: {  	s2 =	rddreg [dreg:$0x4]  }
0x2d5: {  	s2 =	sadd.s32 s2, s8  }
0x2d6: {  	s3 =	rddreg [dreg:$0x2];
	s4 =	simm.s32 $0x4F00;
	[tilespmem:s15+$0x4F00] =	vst.add.f32.msk $0xffff, v7;
	s2 =	sshll.u32 s2, $0x6  }
0x2d7: {  	s17 =	simm.s32 $0x2;
	s16 =	simm.s32 $0x0;
	s2 =	sadd.s32 s3, s2;
	[tilespmem:s14+$0x4F00] =	vst.add.f32.msk $0xffff, v6  }
0x2d8: {  	[hbm4b:s2+s16] =	stream.linear.scatter [tilespmem:s4], [sflag:$0x5], $0x4000, $0x38;
	[tilespmem:$0x14F00] =	vst v63  }
0x2d9: {  	_ =	swait.ge [sflag:s17], $0x4000  }
0x2da: {  	[sflag:s17] =	ssyncset.done $0x0  }
0x2db: {  	s5 =	simm.s32 $0x4;
	[sflag:s17] =	ssyncadd.s32 $0xFFFFC000  }
0x2dc: {  	_ =	swait.ge [sflag:s5], $0x4000  }
0x2dd: {  	s19 =	sand.u32 $0x300, s16;
	s18 =	sand.u32 $0x3000, s16;
	[sflag:s5] =	ssyncset.done $0x0  }
0x2de: {  	s4 =	sor.u32 s19, s18;
	[sflag:s5] =	ssyncadd.s32 $0xFFFFC000  }
0x2df: {  	v6 =	vld [tilespmem:s4+$0x10F80]  }
0x2e0: {  	v7 =	vld [tilespmem:s4+$0x10F90]  }
0x2e1: {  	v8 =	vld [tilespmem:s4+$0x10FA0]  }
0x2e2: {  	v9 =	vld [tilespmem:s4+$0x10FB0]  }
0x2e3: {  	v10 =	vld [tilespmem:s4+$0x10FC0]  }
0x2e4: {  	v11 =	vld [tilespmem:s4+$0x10FD0]  }
0x2e5: {  	v12 =	vld [tilespmem:s4+$0x10FE0]  }
0x2e6: {  	v13 =	vld [tilespmem:s4+$0x10FF0]  }
0x2e7: {  	v14 =	vld [tilespmem:s4+$0x11380]  }
0x2e8: {  	v15 =	vld [tilespmem:s4+$0x11390]  }
0x2e9: {  	v16 =	vld [tilespmem:s4+$0x113A0]  }
0x2ea: {  	v17 =	vld [tilespmem:s4+$0x113B0]  }
0x2eb: {  	v18 =	vld [tilespmem:s4+$0x113C0]  }
0x2ec: {  	v19 =	vld [tilespmem:s4+$0x113D0]  }
0x2ed: {  	v20 =	vld [tilespmem:s4+$0x113E0]  }
0x2ee: {  	v21 =	vld [tilespmem:s4+$0x113F0]  }
0x2ef: {  	v22 =	vld [tilespmem:s4+$0x11780]  }
0x2f0: {  	v23 =	vld [tilespmem:s4+$0x11790]  }
0x2f1: {  	v24 =	vld [tilespmem:s4+$0x117A0]  }
0x2f2: {  	v25 =	vld [tilespmem:s4+$0x117B0]  }
0x2f3: {  	v26 =	vld [tilespmem:s4+$0x117C0]  }
0x2f4: {  	v27 =	vld [tilespmem:s4+$0x117D0]  }
0x2f5: {  	v28 =	vld [tilespmem:s4+$0x117E0]  }
0x2f6: {  	v29 =	vld [tilespmem:s4+$0x117F0]  }
0x2f7: {  	v56 =	vld [tilespmem:s4+$0x10F50]  }
0x2f8: {  	v57 =	vld [tilespmem:s4+$0x10F60]  }
0x2f9: {  	v58 =	vld [tilespmem:s4+$0x10F70]  }
0x2fa: {  	v59 =	vld [tilespmem:s4+$0x11300]  }
0x2fb: {  	v60 =	vld [tilespmem:s4+$0x11310]  }
0x2fc: {  	v61 =	vld [tilespmem:s4+$0x11320]  }
0x2fd: {  	v62 =	vld [tilespmem:s4+$0x11330]  }
0x2fe: {  	v63 =	vld [tilespmem:s4+$0x11340]  }
0x2ff: {  	v33 =	vld [tilespmem:s4+$0x11350]  }
0x300: {  	v34 =	vld [tilespmem:s4+$0x11360]  }
0x301: {  	v35 =	vld [tilespmem:s4+$0x11370]  }
0x302: {  	v36 =	vld [tilespmem:s4+$0x11700]  }
0x303: {  	v37 =	vld [tilespmem:s4+$0x11710]  }
0x304: {  	v38 =	vld [tilespmem:s4+$0x11720]  }
0x305: {  	v39 =	vld [tilespmem:s4+$0x11730]  }
0x306: {  	v40 =	vld [tilespmem:s4+$0x11740]  }
0x307: {  	s29 =	simm.s32 $0x100;
	s30 =	simm.s32 $0x400;
	v41 =	vld [tilespmem:s4+$0x11750]  }
0x308: {  	s15 =	sand.u32 $0x300, s29;
	s14 =	sand.u32 $0x3000, s30;
	v42 =	vld [tilespmem:s4+$0x11760]  }
0x309: {  	s11 =	sor.u32 s16, s16;
	s20 =	sand.u32 $0x3, s16;
	s16 =	sor.u32 s15, s14;
	v30 =	vld [tilespmem:s4+$0x11770]  }
0x30a: {  	v43 =	vld [tilespmem:s16+$0x10FC0]  }
0x30b: {  	v44 =	vld [tilespmem:s16+$0x10FD0]  }
0x30c: {  	v45 =	vld [tilespmem:s16+$0x10FE0]  }
0x30d: {  	v46 =	vld [tilespmem:s16+$0x10FF0]  }
0x30e: {  	v47 =	vld [tilespmem:s16+$0x11380]  }
0x30f: {  	v48 =	vld [tilespmem:s16+$0x11390]  }
0x310: {  	v49 =	vld [tilespmem:s16+$0x113A0]  }
0x311: {  	v50 =	vld [tilespmem:s16+$0x113B0]  }
0x312: {  	v51 =	vld [tilespmem:s16+$0x113C0]  }
0x313: {  	v52 =	vld [tilespmem:s16+$0x113D0]  }
0x314: {  	v53 =	vld [tilespmem:s16+$0x113E0]  }
0x315: {  	v54 =	vld [tilespmem:s16+$0x113F0]  }
0x316: {  	v55 =	vld [tilespmem:s16+$0x11780]  }
0x317: {  	v31 =	vld [tilespmem:s16+$0x117F0]  }
0x318: {  	v32 =	vld [tilespmem:s16+$0x11770]  }
0x319: {  	[tilespmem:s4+$0x8F80] =	vst.add.f32.msk $0xffff, v6  }
0x31a: {  	[tilespmem:s4+$0x8F90] =	vst.add.f32.msk $0xffff, v7  }
0x31b: {  	[tilespmem:s4+$0x8FA0] =	vst.add.f32.msk $0xffff, v8  }
0x31c: {  	[tilespmem:s4+$0x8FB0] =	vst.add.f32.msk $0xffff, v9  }
0x31d: {  	[tilespmem:s4+$0x8FC0] =	vst.add.f32.msk $0xffff, v10  }
0x31e: {  	[tilespmem:s4+$0x8FD0] =	vst.add.f32.msk $0xffff, v11  }
0x31f: {  	[tilespmem:s4+$0x8FE0] =	vst.add.f32.msk $0xffff, v12  }
0x320: {  	[tilespmem:s4+$0x8FF0] =	vst.add.f32.msk $0xffff, v13  }
0x321: {  	[tilespmem:s4+$0x9380] =	vst.add.f32.msk $0xffff, v14  }
0x322: {  	[tilespmem:s4+$0x9390] =	vst.add.f32.msk $0xffff, v15  }
0x323: {  	[tilespmem:s4+$0x93A0] =	vst.add.f32.msk $0xffff, v16  }
0x324: {  	[tilespmem:s4+$0x93B0] =	vst.add.f32.msk $0xffff, v17  }
0x325: {  	[tilespmem:s4+$0x93C0] =	vst.add.f32.msk $0xffff, v18  }
0x326: {  	[tilespmem:s4+$0x93D0] =	vst.add.f32.msk $0xffff, v19  }
0x327: {  	[tilespmem:s4+$0x93E0] =	vst.add.f32.msk $0xffff, v20  }
0x328: {  	[tilespmem:s4+$0x93F0] =	vst.add.f32.msk $0xffff, v21  }
0x329: {  	[tilespmem:s4+$0x9780] =	vst.add.f32.msk $0xffff, v22  }
0x32a: {  	[tilespmem:s4+$0x9790] =	vst.add.f32.msk $0xffff, v23  }
0x32b: {  	[tilespmem:s4+$0x97A0] =	vst.add.f32.msk $0xffff, v24  }
0x32c: {  	[tilespmem:s4+$0x97B0] =	vst.add.f32.msk $0xffff, v25  }
0x32d: {  	[tilespmem:s4+$0x97C0] =	vst.add.f32.msk $0xffff, v26  }
0x32e: {  	[tilespmem:s4+$0x97D0] =	vst.add.f32.msk $0xffff, v27  }
0x32f: {  	[tilespmem:s4+$0x97E0] =	vst.add.f32.msk $0xffff, v28  }
0x330: {  	[tilespmem:s4+$0x97F0] =	vst.add.f32.msk $0xffff, v29  }
0x331: {  	v7 =	vld [tilespmem:s4+$0x10F00]  }
0x332: {  	v8 =	vld [tilespmem:s4+$0x10F10]  }
0x333: {  	v9 =	vld [tilespmem:s4+$0x10F20]  }
0x334: {  	v10 =	vld [tilespmem:s4+$0x10F30]  }
0x335: {  	v11 =	vld [tilespmem:s4+$0x10F40]  }
0x336: {  	[tilespmem:s4+$0x8F50] =	vst.add.f32.msk $0xffff, v56  }
0x337: {  	[tilespmem:s4+$0x8F60] =	vst.add.f32.msk $0xffff, v57  }
0x338: {  	[tilespmem:s4+$0x8F70] =	vst.add.f32.msk $0xffff, v58  }
0x339: {  	[tilespmem:s4+$0x9300] =	vst.add.f32.msk $0xffff, v59  }
0x33a: {  	[tilespmem:s4+$0x9310] =	vst.add.f32.msk $0xffff, v60  }
0x33b: {  	[tilespmem:s4+$0x9320] =	vst.add.f32.msk $0xffff, v61  }
0x33c: {  	[tilespmem:s4+$0x9330] =	vst.add.f32.msk $0xffff, v62  }
0x33d: {  	[tilespmem:s4+$0x9340] =	vst.add.f32.msk $0xffff, v63  }
0x33e: {  	[tilespmem:s4+$0x9350] =	vst.add.f32.msk $0xffff, v33  }
0x33f: {  	[tilespmem:s4+$0x9360] =	vst.add.f32.msk $0xffff, v34  }
0x340: {  	[tilespmem:s4+$0x9370] =	vst.add.f32.msk $0xffff, v35  }
0x341: {  	[tilespmem:s4+$0x9700] =	vst.add.f32.msk $0xffff, v36  }
0x342: {  	[tilespmem:s4+$0x9710] =	vst.add.f32.msk $0xffff, v37  }
0x343: {  	[tilespmem:s4+$0x9720] =	vst.add.f32.msk $0xffff, v38  }
0x344: {  	[tilespmem:s4+$0x9730] =	vst.add.f32.msk $0xffff, v39  }
0x345: {  	[tilespmem:s4+$0x9740] =	vst.add.f32.msk $0xffff, v40  }
0x346: {  	[tilespmem:s4+$0x9750] =	vst.add.f32.msk $0xffff, v41  }
0x347: {  	[tilespmem:s4+$0x9760] =	vst.add.f32.msk $0xffff, v42  }
0x348: {  	[tilespmem:s4+$0x9770] =	vst.add.f32.msk $0xffff, v30  }
0x349: {  	v56 =	vld [tilespmem:s16+$0x11790]  }
0x34a: {  	v57 =	vld [tilespmem:s16+$0x117A0]  }
0x34b: {  	v58 =	vld [tilespmem:s16+$0x117B0]  }
0x34c: {  	v59 =	vld [tilespmem:s16+$0x117C0]  }
0x34d: {  	v60 =	vld [tilespmem:s16+$0x117D0]  }
0x34e: {  	v61 =	vld [tilespmem:s16+$0x117E0]  }
0x34f: {  	[tilespmem:s16+$0x8FC0] =	vst.add.f32.msk $0xffff, v43  }
0x350: {  	[tilespmem:s16+$0x8FD0] =	vst.add.f32.msk $0xffff, v44  }
0x351: {  	[tilespmem:s16+$0x8FE0] =	vst.add.f32.msk $0xffff, v45  }
0x352: {  	[tilespmem:s16+$0x8FF0] =	vst.add.f32.msk $0xffff, v46  }
0x353: {  	[tilespmem:s16+$0x9380] =	vst.add.f32.msk $0xffff, v47  }
0x354: {  	[tilespmem:s16+$0x9390] =	vst.add.f32.msk $0xffff, v48  }
0x355: {  	[tilespmem:s16+$0x93A0] =	vst.add.f32.msk $0xffff, v49  }
0x356: {  	[tilespmem:s16+$0x93B0] =	vst.add.f32.msk $0xffff, v50  }
0x357: {  	[tilespmem:s16+$0x93C0] =	vst.add.f32.msk $0xffff, v51  }
0x358: {  	[tilespmem:s16+$0x93D0] =	vst.add.f32.msk $0xffff, v52  }
0x359: {  	[tilespmem:s16+$0x93E0] =	vst.add.f32.msk $0xffff, v53  }
0x35a: {  	[tilespmem:s16+$0x93F0] =	vst.add.f32.msk $0xffff, v54  }
0x35b: {  	[tilespmem:s16+$0x9780] =	vst.add.f32.msk $0xffff, v55  }
0x35c: {  	[tilespmem:s16+$0x97F0] =	vst.add.f32.msk $0xffff, v31  }
0x35d: {  	v62 =	vld [tilespmem:s16+$0x10F30]  }
0x35e: {  	v63 =	vld [tilespmem:s16+$0x10F40]  }
0x35f: {  	v36 =	vld [tilespmem:s16+$0x10F50]  }
0x360: {  	v37 =	vld [tilespmem:s16+$0x10F60]  }
0x361: {  	v38 =	vld [tilespmem:s16+$0x10F70]  }
0x362: {  	v39 =	vld [tilespmem:s16+$0x11300]  }
0x363: {  	v40 =	vld [tilespmem:s16+$0x11310]  }
0x364: {  	v41 =	vld [tilespmem:s16+$0x11320]  }
0x365: {  	v42 =	vld [tilespmem:s16+$0x11330]  }
0x366: {  	v43 =	vld [tilespmem:s16+$0x11340]  }
0x367: {  	v44 =	vld [tilespmem:s16+$0x11350]  }
0x368: {  	v45 =	vld [tilespmem:s16+$0x11360]  }
0x369: {  	v46 =	vld [tilespmem:s16+$0x11370]  }
0x36a: {  	v47 =	vld [tilespmem:s16+$0x11700]  }
0x36b: {  	v48 =	vld [tilespmem:s16+$0x11710]  }
0x36c: {  	v49 =	vld [tilespmem:s16+$0x11720]  }
0x36d: {  	v50 =	vld [tilespmem:s16+$0x11730]  }
0x36e: {  	v51 =	vld [tilespmem:s16+$0x11740]  }
0x36f: {  	s2 =	sshll.u32 s20, $0x8;
	v52 =	vld [tilespmem:s16+$0x11750]  }
0x370: {  	s2 =	sadd.s32 $0x80, s2;
	v53 =	vld [tilespmem:s16+$0x11760]  }
0x371: {  	s21 =	sor.u32 $0x4C00, s2;
	[tilespmem:s16+$0x9770] =	vst.add.f32.msk $0xffff, v32  }
0x372: {  	v6 =	vld [tilespmem:s21+$0xCF00]  }
0x373: {  	[tilespmem:s4+$0x8F00] =	vst.add.f32.msk $0xffff, v7  }
0x374: {  	[tilespmem:s4+$0x8F10] =	vst.add.f32.msk $0xffff, v8  }
0x375: {  	[tilespmem:s4+$0x8F20] =	vst.add.f32.msk $0xffff, v9  }
0x376: {  	[tilespmem:s4+$0x8F30] =	vst.add.f32.msk $0xffff, v10  }
0x377: {  	[tilespmem:s4+$0x8F40] =	vst.add.f32.msk $0xffff, v11  }
0x378: {  	v8 =	vld [tilespmem:s16+$0x10F80]  }
0x379: {  	v9 =	vld [tilespmem:s16+$0x10F90]  }
0x37a: {  	v10 =	vld [tilespmem:s16+$0x10FA0]  }
0x37b: {  	v11 =	vld [tilespmem:s16+$0x10FB0]  }
0x37c: {  	[tilespmem:s16+$0x9790] =	vst.add.f32.msk $0xffff, v56  }
0x37d: {  	[tilespmem:s16+$0x97A0] =	vst.add.f32.msk $0xffff, v57  }
0x37e: {  	[tilespmem:s16+$0x97B0] =	vst.add.f32.msk $0xffff, v58  }
0x37f: {  	[tilespmem:s16+$0x97C0] =	vst.add.f32.msk $0xffff, v59  }
0x380: {  	[tilespmem:s16+$0x97D0] =	vst.add.f32.msk $0xffff, v60  }
0x381: {  	[tilespmem:s16+$0x97E0] =	vst.add.f32.msk $0xffff, v61  }
0x382: {  	[tilespmem:s16+$0x8F30] =	vst.add.f32.msk $0xffff, v62  }
0x383: {  	[tilespmem:s16+$0x8F40] =	vst.add.f32.msk $0xffff, v63  }
0x384: {  	[tilespmem:s16+$0x8F50] =	vst.add.f32.msk $0xffff, v36  }
0x385: {  	[tilespmem:s16+$0x8F60] =	vst.add.f32.msk $0xffff, v37  }
0x386: {  	[tilespmem:s16+$0x8F70] =	vst.add.f32.msk $0xffff, v38  }
0x387: {  	[tilespmem:s16+$0x9300] =	vst.add.f32.msk $0xffff, v39  }
0x388: {  	[tilespmem:s16+$0x9310] =	vst.add.f32.msk $0xffff, v40  }
0x389: {  	[tilespmem:s16+$0x9320] =	vst.add.f32.msk $0xffff, v41  }
0x38a: {  	[tilespmem:s16+$0x9330] =	vst.add.f32.msk $0xffff, v42  }
0x38b: {  	[tilespmem:s16+$0x9340] =	vst.add.f32.msk $0xffff, v43  }
0x38c: {  	[tilespmem:s16+$0x9350] =	vst.add.f32.msk $0xffff, v44  }
0x38d: {  	[tilespmem:s16+$0x9360] =	vst.add.f32.msk $0xffff, v45  }
0x38e: {  	[tilespmem:s16+$0x9370] =	vst.add.f32.msk $0xffff, v46  }
0x38f: {  	[tilespmem:s16+$0x9700] =	vst.add.f32.msk $0xffff, v47  }
0x390: {  	[tilespmem:s16+$0x9710] =	vst.add.f32.msk $0xffff, v48  }
0x391: {  	[tilespmem:s16+$0x9720] =	vst.add.f32.msk $0xffff, v49  }
0x392: {  	[tilespmem:s16+$0x9730] =	vst.add.f32.msk $0xffff, v50  }
0x393: {  	[tilespmem:s16+$0x9740] =	vst.add.f32.msk $0xffff, v51  }
0x394: {  	[tilespmem:s16+$0x9750] =	vst.add.f32.msk $0xffff, v52  }
0x395: {  	[tilespmem:s16+$0x9760] =	vst.add.f32.msk $0xffff, v53  }
0x396: {  	s3 =	sor.u32 $0x4C00, s11;
	[tilespmem:s21+$0x4F00] =	vst.add.f32.msk $0xffff, v6  }
0x397: {  	s22 =	sor.u32 $0x4C10, s2;
	v7 =	vld [tilespmem:s3+$0xCF00]  }
0x398: {  	v6 =	vld [tilespmem:s22+$0xCF00]  }
0x399: {  	[tilespmem:s16+$0x8F80] =	vst.add.f32.msk $0xffff, v8  }
0x39a: {  	[tilespmem:s16+$0x8F90] =	vst.add.f32.msk $0xffff, v9  }
0x39b: {  	s23 =	sor.u32 $0x4C20, s2;
	s24 =	sor.u32 $0x4C30, s2;
	[tilespmem:s16+$0x8FA0] =	vst.add.f32.msk $0xffff, v10  }
0x39c: {  	s25 =	sor.u32 $0x4C40, s2;
	s26 =	sor.u32 $0x4C50, s2;
	s17 =	simm.s32 $0x1;
	[tilespmem:s16+$0x8FB0] =	vst.add.f32.msk $0xffff, v11  }
0x39d: {  	s28 =	sor.u32 $0x4C60, s2;
	s4 =	sor.u32 $0x4C70, s2;
	s2 =	sand.u32 $0x3, s17;
	v9 =	vld [tilespmem:s16+$0x10F00]  }
0x39e: {  	s2 =	sshll.u32 s2, $0x8;
	v10 =	vld [tilespmem:s16+$0x10F10]  }
0x39f: {  	s2 =	sadd.s32 $0x480, s2;
	v11 =	vld [tilespmem:s16+$0x10F20]  }
0x3a0: {  	s18 =	sor.u32 $0x4C00, s2;
	[tilespmem:s3+$0x4F00] =	vst.add.f32.msk $0xffff, v7  }
0x3a1: {  	v8 =	vld [tilespmem:s18+$0xCF00]  }
0x3a2: {  	s6 =	sor.u32 $0x4C10, s11;
	[tilespmem:s22+$0x4F00] =	vst.add.f32.msk $0xffff, v6  }
0x3a3: {  	v7 =	vld [tilespmem:s6+$0xCF00]  }
0x3a4: {  	v6 =	vld [tilespmem:s23+$0xCF00]  }
0x3a5: {  	[tilespmem:s16+$0x8F00] =	vst.add.f32.msk $0xffff, v9  }
0x3a6: {  	[tilespmem:s16+$0x8F10] =	vst.add.f32.msk $0xffff, v10  }
0x3a7: {  	s3 =	sor.u32 s29, s30;
	[tilespmem:s16+$0x8F20] =	vst.add.f32.msk $0xffff, v11  }
0x3a8: {  	s8 =	sor.u32 $0x4C00, s3;
	[tilespmem:s18+$0x4F00] =	vst.add.f32.msk $0xffff, v8  }
0x3a9: {  	v9 =	vld [tilespmem:s8+$0xCF00]  }
0x3aa: {  	s19 =	sor.u32 $0x4C10, s2;
	[tilespmem:s6+$0x4F00] =	vst.add.f32.msk $0xffff, v7  }
0x3ab: {  	v8 =	vld [tilespmem:s19+$0xCF00]  }
0x3ac: {  	s31 =	sor.u32 $0x4C20, s11;
	[tilespmem:s23+$0x4F00] =	vst.add.f32.msk $0xffff, v6  }
0x3ad: {  	v7 =	vld [tilespmem:s31+$0xCF00]  }
0x3ae: {  	v6 =	vld [tilespmem:s24+$0xCF00]  }
0x3af: {  	[tilespmem:s8+$0x4F00] =	vst.add.f32.msk $0xffff, v9  }
0x3b0: {  	s20 =	sor.u32 $0x4C20, s2;
	s29 =	simm.s32 $0x200;
	s30 =	simm.s32 $0x800;
	[tilespmem:s19+$0x4F00] =	vst.add.f32.msk $0xffff, v8  }
0x3b1: {  	s15 =	sand.u32 $0x300, s29;
	s8 =	sand.u32 $0x3000, s30;
	v8 =	vld [tilespmem:s20+$0xCF00]  }
0x3b2: {  	s16 =	sor.u32 s15, s8;
	[tilespmem:s31+$0x4F00] =	vst.add.f32.msk $0xffff, v7  }
0x3b3: {  	v10 =	vld [tilespmem:s16+$0x10FA0]  }
0x3b4: {  	v11 =	vld [tilespmem:s16+$0x10FB0]  }
0x3b5: {  	v54 =	vld [tilespmem:s16+$0x10FC0]  }
0x3b6: {  	v55 =	vld [tilespmem:s16+$0x10FD0]  }
0x3b7: {  	v56 =	vld [tilespmem:s16+$0x10FE0]  }
0x3b8: {  	v57 =	vld [tilespmem:s16+$0x10FF0]  }
0x3b9: {  	v58 =	vld [tilespmem:s16+$0x11380]  }
0x3ba: {  	v59 =	vld [tilespmem:s16+$0x11390]  }
0x3bb: {  	v60 =	vld [tilespmem:s16+$0x113A0]  }
0x3bc: {  	v61 =	vld [tilespmem:s16+$0x113B0]  }
0x3bd: {  	v62 =	vld [tilespmem:s16+$0x113C0]  }
0x3be: {  	v63 =	vld [tilespmem:s16+$0x113D0]  }
0x3bf: {  	v33 =	vld [tilespmem:s16+$0x113E0]  }
0x3c0: {  	v34 =	vld [tilespmem:s16+$0x113F0]  }
0x3c1: {  	v35 =	vld [tilespmem:s16+$0x11780]  }
0x3c2: {  	v36 =	vld [tilespmem:s16+$0x11790]  }
0x3c3: {  	v37 =	vld [tilespmem:s16+$0x117A0]  }
0x3c4: {  	v38 =	vld [tilespmem:s16+$0x117B0]  }
0x3c5: {  	v39 =	vld [tilespmem:s16+$0x117C0]  }
0x3c6: {  	v40 =	vld [tilespmem:s16+$0x117D0]  }
0x3c7: {  	v41 =	vld [tilespmem:s16+$0x117E0]  }
0x3c8: {  	v42 =	vld [tilespmem:s16+$0x117F0]  }
0x3c9: {  	v43 =	vld [tilespmem:s16+$0x10F30]  }
0x3ca: {  	v44 =	vld [tilespmem:s16+$0x10F40]  }
0x3cb: {  	v45 =	vld [tilespmem:s16+$0x10F50]  }
0x3cc: {  	v46 =	vld [tilespmem:s16+$0x10F60]  }
0x3cd: {  	v47 =	vld [tilespmem:s16+$0x10F70]  }
0x3ce: {  	v48 =	vld [tilespmem:s16+$0x11300]  }
0x3cf: {  	v49 =	vld [tilespmem:s16+$0x11310]  }
0x3d0: {  	v50 =	vld [tilespmem:s16+$0x11320]  }
0x3d1: {  	v51 =	vld [tilespmem:s16+$0x11330]  }
0x3d2: {  	v52 =	vld [tilespmem:s16+$0x11340]  }
0x3d3: {  	v53 =	vld [tilespmem:s16+$0x11350]  }
0x3d4: {  	[tilespmem:s24+$0x4F00] =	vst.add.f32.msk $0xffff, v6  }
0x3d5: {  	v6 =	vld [tilespmem:s25+$0xCF00]  }
0x3d6: {  	[tilespmem:s20+$0x4F00] =	vst.add.f32.msk $0xffff, v8  }
0x3d7: {  	[tilespmem:s16+$0x8FA0] =	vst.add.f32.msk $0xffff, v10  }
0x3d8: {  	[tilespmem:s16+$0x8FB0] =	vst.add.f32.msk $0xffff, v11  }
0x3d9: {  	[tilespmem:s16+$0x8FC0] =	vst.add.f32.msk $0xffff, v54  }
0x3da: {  	[tilespmem:s16+$0x8FD0] =	vst.add.f32.msk $0xffff, v55  }
0x3db: {  	[tilespmem:s16+$0x8FE0] =	vst.add.f32.msk $0xffff, v56  }
0x3dc: {  	[tilespmem:s16+$0x8FF0] =	vst.add.f32.msk $0xffff, v57  }
0x3dd: {  	[tilespmem:s16+$0x9380] =	vst.add.f32.msk $0xffff, v58  }
0x3de: {  	[tilespmem:s16+$0x9390] =	vst.add.f32.msk $0xffff, v59  }
0x3df: {  	[tilespmem:s16+$0x93A0] =	vst.add.f32.msk $0xffff, v60  }
0x3e0: {  	[tilespmem:s16+$0x93B0] =	vst.add.f32.msk $0xffff, v61  }
0x3e1: {  	[tilespmem:s16+$0x93C0] =	vst.add.f32.msk $0xffff, v62  }
0x3e2: {  	[tilespmem:s16+$0x93D0] =	vst.add.f32.msk $0xffff, v63  }
0x3e3: {  	[tilespmem:s16+$0x93E0] =	vst.add.f32.msk $0xffff, v33  }
0x3e4: {  	[tilespmem:s16+$0x93F0] =	vst.add.f32.msk $0xffff, v34  }
0x3e5: {  	[tilespmem:s16+$0x9780] =	vst.add.f32.msk $0xffff, v35  }
0x3e6: {  	[tilespmem:s16+$0x9790] =	vst.add.f32.msk $0xffff, v36  }
0x3e7: {  	[tilespmem:s16+$0x97A0] =	vst.add.f32.msk $0xffff, v37  }
0x3e8: {  	[tilespmem:s16+$0x97B0] =	vst.add.f32.msk $0xffff, v38  }
0x3e9: {  	[tilespmem:s16+$0x97C0] =	vst.add.f32.msk $0xffff, v39  }
0x3ea: {  	[tilespmem:s16+$0x97D0] =	vst.add.f32.msk $0xffff, v40  }
0x3eb: {  	[tilespmem:s16+$0x97E0] =	vst.add.f32.msk $0xffff, v41  }
0x3ec: {  	s21 =	sor.u32 $0x4C30, s2;
	[tilespmem:s16+$0x97F0] =	vst.add.f32.msk $0xffff, v42  }
0x3ed: {  	v8 =	vld [tilespmem:s21+$0xCF00]  }
0x3ee: {  	v10 =	vld [tilespmem:s16+$0x10F10]  }
0x3ef: {  	v11 =	vld [tilespmem:s16+$0x10F20]  }
0x3f0: {  	v54 =	vld [tilespmem:s16+$0x11360]  }
0x3f1: {  	v55 =	vld [tilespmem:s16+$0x11370]  }
0x3f2: {  	s22 =	sor.u32 $0x4C40, s2;
	[tilespmem:s21+$0x4F00] =	vst.add.f32.msk $0xffff, v8  }
0x3f3: {  	v8 =	vld [tilespmem:s22+$0xCF00]  }
0x3f4: {  	v56 =	vld [tilespmem:s16+$0x11700]  }
0x3f5: {  	v57 =	vld [tilespmem:s16+$0x11710]  }
0x3f6: {  	v58 =	vld [tilespmem:s16+$0x11720]  }
0x3f7: {  	v59 =	vld [tilespmem:s16+$0x11730]  }
0x3f8: {  	s23 =	sor.u32 $0x4C50, s2;
	[tilespmem:s22+$0x4F00] =	vst.add.f32.msk $0xffff, v8  }
0x3f9: {  	v8 =	vld [tilespmem:s23+$0xCF00]  }
0x3fa: {  	v60 =	vld [tilespmem:s16+$0x11740]  }
0x3fb: {  	v61 =	vld [tilespmem:s16+$0x11750]  }
0x3fc: {  	[tilespmem:s25+$0x4F00] =	vst.add.f32.msk $0xffff, v6  }
0x3fd: {  	v6 =	vld [tilespmem:s26+$0xCF00]  }
0x3fe: {  	s24 =	sor.u32 $0x4C60, s2;
	[tilespmem:s23+$0x4F00] =	vst.add.f32.msk $0xffff, v8  }
0x3ff: {  	v8 =	vld [tilespmem:s24+$0xCF00]  }
0x400: {  	v62 =	vld [tilespmem:s16+$0x11760]  }
0x401: {  	v63 =	vld [tilespmem:s16+$0x11770]  }
0x402: {  	[tilespmem:s26+$0x4F00] =	vst.add.f32.msk $0xffff, v6;
	s26 =	sor.u32 $0x4C10, s3  }
0x403: {  	v9 =	vld [tilespmem:s26+$0xCF00]  }
0x404: {  	s2 =	sor.u32 $0x4C70, s2;
	[tilespmem:s24+$0x4F00] =	vst.add.f32.msk $0xffff, v8  }
0x405: {  	v8 =	vld [tilespmem:s2+$0xCF00]  }
0x406: {  	[tilespmem:s16+$0x8F30] =	vst.add.f32.msk $0xffff, v43  }
0x407: {  	[tilespmem:s16+$0x8F40] =	vst.add.f32.msk $0xffff, v44  }
0x408: {  	[tilespmem:s26+$0x4F00] =	vst.add.f32.msk $0xffff, v9  }
0x409: {  	v9 =	vld [tilespmem:s16+$0x10F90]  }
0x40a: {  	[tilespmem:s2+$0x4F00] =	vst.add.f32.msk $0xffff, v8  }
0x40b: {  	v8 =	vld [tilespmem:s16+$0x10F80]  }
0x40c: {  	s8 =	simm.s32 $0x2;
	[tilespmem:s16+$0x8F50] =	vst.add.f32.msk $0xffff, v45  }
0x40d: {  	s17 =	sand.u32 $0x3, s8;
	[tilespmem:s16+$0x8F60] =	vst.add.f32.msk $0xffff, v46  }
0x40e: {  	[tilespmem:s16+$0x8F70] =	vst.add.f32.msk $0xffff, v47;
	s2 =	sshll.u32 s17, $0x8  }
0x40f: {  	[tilespmem:s16+$0x8F90] =	vst.add.f32.msk $0xffff, v9;
	s2 =	sadd.s32 $0x880, s2  }
0x410: {  	s18 =	sor.u32 $0x4C00, s2;
	[tilespmem:s16+$0x8F80] =	vst.add.f32.msk $0xffff, v8  }
0x411: {  	v8 =	vld [tilespmem:s18+$0xCF00]  }
0x412: {  	[tilespmem:s16+$0x9300] =	vst.add.f32.msk $0xffff, v48  }
0x413: {  	[tilespmem:s16+$0x9310] =	vst.add.f32.msk $0xffff, v49  }
0x414: {  	[tilespmem:s16+$0x9320] =	vst.add.f32.msk $0xffff, v50  }
0x415: {  	[tilespmem:s16+$0x9330] =	vst.add.f32.msk $0xffff, v51  }
0x416: {  	s19 =	sor.u32 $0x4C10, s2;
	[tilespmem:s18+$0x4F00] =	vst.add.f32.msk $0xffff, v8  }
0x417: {  	v8 =	vld [tilespmem:s19+$0xCF00]  }
0x418: {  	[tilespmem:s16+$0x9340] =	vst.add.f32.msk $0xffff, v52  }
0x419: {  	[tilespmem:s16+$0x9350] =	vst.add.f32.msk $0xffff, v53;
	s25 =	sor.u32 $0x4C30, s11  }
0x41a: {  	v7 =	vld [tilespmem:s25+$0xCF00]  }
0x41b: {  	[tilespmem:s16+$0x8F10] =	vst.add.f32.msk $0xffff, v10  }
0x41c: {  	s20 =	sor.u32 $0x4C20, s2;
	[tilespmem:s19+$0x4F00] =	vst.add.f32.msk $0xffff, v8  }
0x41d: {  	v8 =	vld [tilespmem:s20+$0xCF00]  }
0x41e: {  	[tilespmem:s16+$0x8F20] =	vst.add.f32.msk $0xffff, v11  }
0x41f: {  	[tilespmem:s16+$0x9360] =	vst.add.f32.msk $0xffff, v54  }
0x420: {  	[tilespmem:s16+$0x9370] =	vst.add.f32.msk $0xffff, v55  }
0x421: {  	[tilespmem:s16+$0x9700] =	vst.add.f32.msk $0xffff, v56  }
0x422: {  	s21 =	sor.u32 $0x4C30, s2;
	[tilespmem:s20+$0x4F00] =	vst.add.f32.msk $0xffff, v8  }
0x423: {  	v8 =	vld [tilespmem:s21+$0xCF00]  }
0x424: {  	[tilespmem:s16+$0x9710] =	vst.add.f32.msk $0xffff, v57  }
0x425: {  	[tilespmem:s16+$0x9720] =	vst.add.f32.msk $0xffff, v58  }
0x426: {  	[tilespmem:s16+$0x9730] =	vst.add.f32.msk $0xffff, v59  }
0x427: {  	[tilespmem:s16+$0x9740] =	vst.add.f32.msk $0xffff, v60  }
0x428: {  	s22 =	sor.u32 $0x4C40, s2;
	[tilespmem:s21+$0x4F00] =	vst.add.f32.msk $0xffff, v8  }
0x429: {  	v8 =	vld [tilespmem:s22+$0xCF00]  }
0x42a: {  	[tilespmem:s16+$0x9750] =	vst.add.f32.msk $0xffff, v61  }
0x42b: {  	[tilespmem:s16+$0x9760] =	vst.add.f32.msk $0xffff, v62  }
0x42c: {  	v6 =	vld [tilespmem:s28+$0xCF00]  }
0x42d: {  	[tilespmem:s16+$0x9770] =	vst.add.f32.msk $0xffff, v63  }
0x42e: {  	s23 =	sor.u32 $0x4C50, s2;
	[tilespmem:s22+$0x4F00] =	vst.add.f32.msk $0xffff, v8  }
0x42f: {  	v8 =	vld [tilespmem:s23+$0xCF00]  }
0x430: {  	[tilespmem:s25+$0x4F00] =	vst.add.f32.msk $0xffff, v7  }
0x431: {  	[tilespmem:s28+$0x4F00] =	vst.add.f32.msk $0xffff, v6  }
0x432: {  	s28 =	sor.u32 $0x4C40, s11;
	v6 =	vld [tilespmem:s4+$0xCF00]  }
0x433: {  	v7 =	vld [tilespmem:s28+$0xCF00]  }
0x434: {  	s24 =	sor.u32 $0x4C60, s2;
	[tilespmem:s23+$0x4F00] =	vst.add.f32.msk $0xffff, v8  }
0x435: {  	v8 =	vld [tilespmem:s24+$0xCF00]  }
0x436: {  	v9 =	vld [tilespmem:s16+$0x10F00]  }
0x437: {  	[tilespmem:s4+$0x4F00] =	vst.add.f32.msk $0xffff, v6  }
0x438: {  	s4 =	sor.u32 $0x4C20, s3;
	[tilespmem:s28+$0x4F00] =	vst.add.f32.msk $0xffff, v7  }
0x439: {  	v6 =	vld [tilespmem:s4+$0xCF00]  }
0x43a: {  	s2 =	sor.u32 $0x4C70, s2;
	[tilespmem:s24+$0x4F00] =	vst.add.f32.msk $0xffff, v8  }
0x43b: {  	s31 =	sor.u32 $0x4C50, s11;
	v8 =	vld [tilespmem:s2+$0xCF00]  }
0x43c: {  	v7 =	vld [tilespmem:s31+$0xCF00]  }
0x43d: {  	[tilespmem:s16+$0x8F00] =	vst.add.f32.msk $0xffff, v9  }
0x43e: {  	s28 =	sor.u32 $0x4C30, s3;
	[tilespmem:s4+$0x4F00] =	vst.add.f32.msk $0xffff, v6  }
0x43f: {  	s25 =	sor.u32 s29, s30;
	v6 =	vld [tilespmem:s28+$0xCF00]  }
0x440: {  	s26 =	sor.u32 $0x4C00, s25;
	[tilespmem:s2+$0x4F00] =	vst.add.f32.msk $0xffff, v8  }
0x441: {  	v8 =	vld [tilespmem:s26+$0xCF00]  }
0x442: {  	s29 =	sor.u32 $0x4C60, s11;
	[tilespmem:s31+$0x4F00] =	vst.add.f32.msk $0xffff, v7  }
0x443: {  	v7 =	vld [tilespmem:s29+$0xCF00]  }
0x444: {  	s31 =	sor.u32 $0x4C40, s3;
	[tilespmem:s28+$0x4F00] =	vst.add.f32.msk $0xffff, v6  }
0x445: {  	v10 =	vld [tilespmem:s31+$0xCF00]  }
0x446: {  	s30 =	sor.u32 $0x4C10, s25;
	[tilespmem:s26+$0x4F00] =	vst.add.f32.msk $0xffff, v8  }
0x447: {  	v9 =	vld [tilespmem:s30+$0xCF00];
	_ =	sdelay $0x1  }
0x448: {  	s14 =	simm.s32 $0xC00;
	s17 =	sor.u32 $0x4C70, s11;
	[tilespmem:s29+$0x4F00] =	vst.add.f32.msk $0xffff, v7  }
0x449: {  	s5 =	simm.s32 $0x880;
	s12 =	sor.u32 $0x4C60, s3;
	s15 =	sor.u32 $0x4C70, s25;
	v8 =	vld [tilespmem:s17+$0xCF00]  }
0x44a: {  	s11 =	sor.u32 $0x4C70, s3;
	s16 =	sor.u32 $0x4C50, s3;
	s3 =	simm.s32 $0x300;
	[tilespmem:s31+$0x4F00] =	vst.add.f32.msk $0xffff, v10  }
0x44b: {  	s18 =	sor.u32 $0x4C60, s25;
	s19 =	sor.u32 $0x4C50, s25;
	s21 =	sor.u32 $0x4C20, s25;
	[tilespmem:s30+$0x4F00] =	vst.add.f32.msk $0xffff, v9  }
0x44c: {  	s20 =	sor.u32 $0x4C40, s25;
	s22 =	sor.u32 $0x4C30, s25;
	s23 =	simm.s32 $0x4;
	v6 =	vld [tilespmem:s21+$0xCF00]  }
.LBB2_7:
0x44d: {  	s2 =	sand.u32 $0x3000, s14;
	s4 =	sand.u32 $0x300, s3;
	s6 =	sor.u32 s3, s14;
	v7 =	vld [tilespmem:s16+$0xCF00]  }
0x44e: {  	s30 =	sor.u32 s4, s2;
	s26 =	sor.u32 $0x4C00, s6;
	s24 =	sor.u32 $0x4C10, s6;
	[tilespmem:s17+$0x4F00] =	vst.add.f32.msk $0xffff, v8  }
0x44f: {  	s4 =	sor.u32 $0x4C20, s6;
	s28 =	sor.u32 $0x4C30, s6;
	s31 =	sor.u32 $0x4C40, s6;
	v8 =	vld [tilespmem:s30+$0x10F80]  }
0x450: {  	s29 =	sor.u32 $0x4C50, s6;
	s25 =	sor.u32 $0x4C60, s6;
	s2 =	sor.u32 $0x4C70, s6;
	v9 =	vld [tilespmem:s30+$0x10F90]  }
0x451: {  	s17 =	smov.u32 s11;
	s11 =	smov.u32 s15;
	s15 =	smov.u32 s2;
	v10 =	vld [tilespmem:s30+$0x10FA0]  }
0x452: {  	v11 =	vld [tilespmem:s30+$0x10FB0]  }
0x453: {  	v12 =	vld [tilespmem:s30+$0x10FC0]  }
0x454: {  	v13 =	vld [tilespmem:s30+$0x10FD0]  }
0x455: {  	v14 =	vld [tilespmem:s30+$0x10FE0]  }
0x456: {  	v15 =	vld [tilespmem:s30+$0x10FF0]  }
0x457: {  	v16 =	vld [tilespmem:s30+$0x11380]  }
0x458: {  	v17 =	vld [tilespmem:s30+$0x11390]  }
0x459: {  	v18 =	vld [tilespmem:s30+$0x113A0]  }
0x45a: {  	v19 =	vld [tilespmem:s30+$0x113B0]  }
0x45b: {  	v20 =	vld [tilespmem:s30+$0x113C0]  }
0x45c: {  	v21 =	vld [tilespmem:s30+$0x113D0]  }
0x45d: {  	v22 =	vld [tilespmem:s30+$0x113E0]  }
0x45e: {  	v23 =	vld [tilespmem:s30+$0x113F0]  }
0x45f: {  	v24 =	vld [tilespmem:s30+$0x11780]  }
0x460: {  	v25 =	vld [tilespmem:s30+$0x11790]  }
0x461: {  	v26 =	vld [tilespmem:s30+$0x117A0]  }
0x462: {  	v27 =	vld [tilespmem:s30+$0x117B0]  }
0x463: {  	v28 =	vld [tilespmem:s30+$0x117C0]  }
0x464: {  	v29 =	vld [tilespmem:s30+$0x117D0]  }
0x465: {  	v30 =	vld [tilespmem:s30+$0x117E0]  }
0x466: {  	v31 =	vld [tilespmem:s30+$0x117F0]  }
0x467: {  	[tilespmem:s30+$0x8F80] =	vst.add.f32.msk $0xffff, v8  }
0x468: {  	[tilespmem:s30+$0x8F90] =	vst.add.f32.msk $0xffff, v9  }
0x469: {  	[tilespmem:s30+$0x8FA0] =	vst.add.f32.msk $0xffff, v10  }
0x46a: {  	[tilespmem:s30+$0x8FB0] =	vst.add.f32.msk $0xffff, v11  }
0x46b: {  	[tilespmem:s30+$0x8FC0] =	vst.add.f32.msk $0xffff, v12  }
0x46c: {  	[tilespmem:s30+$0x8FD0] =	vst.add.f32.msk $0xffff, v13  }
0x46d: {  	[tilespmem:s30+$0x8FE0] =	vst.add.f32.msk $0xffff, v14  }
0x46e: {  	[tilespmem:s30+$0x8FF0] =	vst.add.f32.msk $0xffff, v15  }
0x46f: {  	[tilespmem:s30+$0x9380] =	vst.add.f32.msk $0xffff, v16  }
0x470: {  	[tilespmem:s30+$0x9390] =	vst.add.f32.msk $0xffff, v17  }
0x471: {  	[tilespmem:s30+$0x93A0] =	vst.add.f32.msk $0xffff, v18  }
0x472: {  	[tilespmem:s30+$0x93B0] =	vst.add.f32.msk $0xffff, v19  }
0x473: {  	[tilespmem:s30+$0x93C0] =	vst.add.f32.msk $0xffff, v20  }
0x474: {  	[tilespmem:s30+$0x93D0] =	vst.add.f32.msk $0xffff, v21  }
0x475: {  	[tilespmem:s30+$0x93E0] =	vst.add.f32.msk $0xffff, v22  }
0x476: {  	[tilespmem:s30+$0x93F0] =	vst.add.f32.msk $0xffff, v23  }
0x477: {  	s23 =	sadd.s32 $0x2, s23;
	[tilespmem:s30+$0x9780] =	vst.add.f32.msk $0xffff, v24  }
0x478: {  	p0 =	slt.u32 s23, $0x1E;
	[tilespmem:s30+$0x9790] =	vst.add.f32.msk $0xffff, v25  }
0x479: {  	[tilespmem:s30+$0x97A0] =	vst.add.f32.msk $0xffff, v26  }
0x47a: {  	s8 =	sadd.s32 $0x1, s8;
	[tilespmem:s30+$0x97B0] =	vst.add.f32.msk $0xffff, v27  }
0x47b: {  	s2 =	sand.u32 $0x3, s8;
	[tilespmem:s30+$0x97C0] =	vst.add.f32.msk $0xffff, v28  }
0x47c: {  	s5 =	sadd.s32 $0x400, s5;
	s2 =	sshll.u32 s2, $0x8;
	[tilespmem:s30+$0x97D0] =	vst.add.f32.msk $0xffff, v29  }
0x47d: {  	s2 =	sadd.s32 s2, s5;
	[tilespmem:s30+$0x97E0] =	vst.add.f32.msk $0xffff, v30  }
0x47e: {  	s6 =	sor.u32 $0x4C00, s2;
	[tilespmem:s30+$0x97F0] =	vst.add.f32.msk $0xffff, v31  }
0x47f: {  	v8 =	vld [tilespmem:s6+$0xCF00]  }
0x480: {  	v9 =	vld [tilespmem:s30+$0x10F00]  }
0x481: {  	v10 =	vld [tilespmem:s30+$0x10F10]  }
0x482: {  	v11 =	vld [tilespmem:s30+$0x10F20]  }
0x483: {  	v12 =	vld [tilespmem:s30+$0x10F30]  }
0x484: {  	[tilespmem:s6+$0x4F00] =	vst.add.f32.msk $0xffff, v8;
	s6 =	sor.u32 $0x4C10, s2  }
0x485: {  	v8 =	vld [tilespmem:s6+$0xCF00]  }
0x486: {  	v13 =	vld [tilespmem:s30+$0x10F40]  }
0x487: {  	v14 =	vld [tilespmem:s30+$0x10F50]  }
0x488: {  	v15 =	vld [tilespmem:s30+$0x10F60]  }
0x489: {  	v16 =	vld [tilespmem:s30+$0x10F70]  }
0x48a: {  	[tilespmem:s6+$0x4F00] =	vst.add.f32.msk $0xffff, v8;
	s6 =	sor.u32 $0x4C20, s2  }
0x48b: {  	v8 =	vld [tilespmem:s6+$0xCF00]  }
0x48c: {  	v17 =	vld [tilespmem:s30+$0x11300]  }
0x48d: {  	v18 =	vld [tilespmem:s30+$0x11310]  }
0x48e: {  	v19 =	vld [tilespmem:s30+$0x11320]  }
0x48f: {  	v20 =	vld [tilespmem:s30+$0x11330]  }
0x490: {  	[tilespmem:s6+$0x4F00] =	vst.add.f32.msk $0xffff, v8;
	s6 =	sor.u32 $0x4C30, s2  }
0x491: {  	v8 =	vld [tilespmem:s6+$0xCF00]  }
0x492: {  	v21 =	vld [tilespmem:s30+$0x11340]  }
0x493: {  	v22 =	vld [tilespmem:s30+$0x11350]  }
0x494: {  	v23 =	vld [tilespmem:s30+$0x11360]  }
0x495: {  	v24 =	vld [tilespmem:s30+$0x11370]  }
0x496: {  	[tilespmem:s6+$0x4F00] =	vst.add.f32.msk $0xffff, v8;
	s6 =	sor.u32 $0x4C40, s2  }
0x497: {  	v8 =	vld [tilespmem:s6+$0xCF00]  }
0x498: {  	v25 =	vld [tilespmem:s30+$0x11700]  }
0x499: {  	v26 =	vld [tilespmem:s30+$0x11710]  }
0x49a: {  	v27 =	vld [tilespmem:s30+$0x11720]  }
0x49b: {  	v28 =	vld [tilespmem:s30+$0x11730]  }
0x49c: {  	[tilespmem:s6+$0x4F00] =	vst.add.f32.msk $0xffff, v8;
	s6 =	sor.u32 $0x4C50, s2  }
0x49d: {  	v8 =	vld [tilespmem:s6+$0xCF00]  }
0x49e: {  	v29 =	vld [tilespmem:s30+$0x11740]  }
0x49f: {  	v30 =	vld [tilespmem:s30+$0x11750]  }
0x4a0: {  	v31 =	vld [tilespmem:s30+$0x11760]  }
0x4a1: {  	v32 =	vld [tilespmem:s30+$0x11770]  }
0x4a2: {  	[tilespmem:s6+$0x4F00] =	vst.add.f32.msk $0xffff, v8;
	s6 =	sor.u32 $0x4C60, s2  }
0x4a3: {  	v8 =	vld [tilespmem:s6+$0xCF00]  }
0x4a4: {  	[tilespmem:s30+$0x8F00] =	vst.add.f32.msk $0xffff, v9  }
0x4a5: {  	[tilespmem:s30+$0x8F10] =	vst.add.f32.msk $0xffff, v10  }
0x4a6: {  	[tilespmem:s30+$0x8F20] =	vst.add.f32.msk $0xffff, v11  }
0x4a7: {  	[tilespmem:s30+$0x8F30] =	vst.add.f32.msk $0xffff, v12  }
0x4a8: {  	s2 =	sor.u32 $0x4C70, s2;
	[tilespmem:s6+$0x4F00] =	vst.add.f32.msk $0xffff, v8  }
0x4a9: {  	v8 =	vld [tilespmem:s2+$0xCF00]  }
0x4aa: {  	[tilespmem:s30+$0x8F40] =	vst.add.f32.msk $0xffff, v13  }
0x4ab: {  	[tilespmem:s30+$0x8F50] =	vst.add.f32.msk $0xffff, v14  }
0x4ac: {  	[tilespmem:s30+$0x8F60] =	vst.add.f32.msk $0xffff, v15  }
0x4ad: {  	[tilespmem:s30+$0x8F70] =	vst.add.f32.msk $0xffff, v16  }
0x4ae: {  	[tilespmem:s2+$0x4F00] =	vst.add.f32.msk $0xffff, v8  }
0x4af: {  	[tilespmem:s30+$0x9300] =	vst.add.f32.msk $0xffff, v17  }
0x4b0: {  	[tilespmem:s30+$0x9310] =	vst.add.f32.msk $0xffff, v18  }
0x4b1: {  	[tilespmem:s30+$0x9320] =	vst.add.f32.msk $0xffff, v19  }
0x4b2: {  	[tilespmem:s30+$0x9330] =	vst.add.f32.msk $0xffff, v20  }
0x4b3: {  	[tilespmem:s30+$0x9340] =	vst.add.f32.msk $0xffff, v21  }
0x4b4: {  	[tilespmem:s30+$0x9350] =	vst.add.f32.msk $0xffff, v22  }
0x4b5: {  	[tilespmem:s30+$0x9360] =	vst.add.f32.msk $0xffff, v23  }
0x4b6: {  	[tilespmem:s30+$0x9370] =	vst.add.f32.msk $0xffff, v24  }
0x4b7: {  	[tilespmem:s30+$0x9700] =	vst.add.f32.msk $0xffff, v25  }
0x4b8: {  	[tilespmem:s30+$0x9710] =	vst.add.f32.msk $0xffff, v26  }
0x4b9: {  	[tilespmem:s30+$0x9720] =	vst.add.f32.msk $0xffff, v27  }
0x4ba: {  	[tilespmem:s30+$0x9730] =	vst.add.f32.msk $0xffff, v28  }
0x4bb: {  	[tilespmem:s30+$0x9740] =	vst.add.f32.msk $0xffff, v29  }
0x4bc: {  	[tilespmem:s30+$0x9750] =	vst.add.f32.msk $0xffff, v30  }
0x4bd: {  	[tilespmem:s30+$0x9760] =	vst.add.f32.msk $0xffff, v31  }
0x4be: {  	[tilespmem:s30+$0x9770] =	vst.add.f32.msk $0xffff, v32  }
0x4bf: {  	v8 =	vld [tilespmem:s26+$0xCF00]  }
0x4c0: {  	[tilespmem:s21+$0x4F00] =	vst.add.f32.msk $0xffff, v6;
	s21 =	smov.u32 s4  }
0x4c1: {  	v6 =	vld [tilespmem:s22+$0xCF00]  }
0x4c2: {  	[tilespmem:s16+$0x4F00] =	vst.add.f32.msk $0xffff, v7;
	s16 =	smov.u32 s19;
	s19 =	smov.u32 s29  }
0x4c3: {  	v7 =	vld [tilespmem:s12+$0xCF00]  }
0x4c4: {  	[tilespmem:s26+$0x4F00] =	vst.add.f32.msk $0xffff, v8  }
0x4c5: {  	v9 =	vld [tilespmem:s24+$0xCF00]  }
0x4c6: {  	[tilespmem:s22+$0x4F00] =	vst.add.f32.msk $0xffff, v6;
	s22 =	smov.u32 s28  }
0x4c7: {  	v10 =	vld [tilespmem:s20+$0xCF00]  }
.Ltmp2:
0x4c8: {  	[tilespmem:s12+$0x4F00] =	vst.add.f32.msk $0xffff, v7;
	s12 =	smov.u32 s18;
	s18 =	smov.u32 s25;
	(pc) =	sbr.rel @p0 .LBB2_7-.Ltmp2, $4  }
0x4c9: {  	v8 =	vld [tilespmem:s17+$0xCF00]  }
0x4ca: {  	[tilespmem:s24+$0x4F00] =	vst.add.f32.msk $0xffff, v9  }
0x4cb: {  	v6 =	vld [tilespmem:s21+$0xCF00]  }
0x4cc: {  	s3 =	sadd.s32 $0x100, s3;
	s14 =	sadd.s32 $0x400, s14;
	[tilespmem:s20+$0x4F00] =	vst.add.f32.msk $0xffff, v10;
	s20 =	smov.u32 s31  }
0x4cd: {  	_ =	sdelay $0x2  }
0x4ce: {  	[tilespmem:s21+$0x4F00] =	vst.add.f32.msk $0xffff, v6  }
0x4cf: {  	v6 =	vld [tilespmem:s22+$0xCF00];
	_ =	sdelay $0x4  }
0x4d0: {  	[tilespmem:s22+$0x4F00] =	vst.add.f32.msk $0xffff, v6  }
0x4d1: {  	v6 =	vld [tilespmem:s20+$0xCF00];
	_ =	sdelay $0x3  }
0x4d2: {  	v7 =	vld [tilespmem:s16+$0xCF00]  }
0x4d3: {  	[tilespmem:s20+$0x4F00] =	vst.add.f32.msk $0xffff, v6  }
0x4d4: {  	v6 =	vld [tilespmem:s19+$0xCF00];
	_ =	sdelay $0x2  }
0x4d5: {  	[tilespmem:s16+$0x4F00] =	vst.add.f32.msk $0xffff, v7  }
0x4d6: {  	v7 =	vld [tilespmem:s12+$0xCF00]  }
0x4d7: {  	[tilespmem:s19+$0x4F00] =	vst.add.f32.msk $0xffff, v6  }
0x4d8: {  	v6 =	vld [tilespmem:s18+$0xCF00];
	_ =	sdelay $0x1  }
0x4d9: {  	[tilespmem:s17+$0x4F00] =	vst.add.f32.msk $0xffff, v8  }
0x4da: {  	[tilespmem:s12+$0x4F00] =	vst.add.f32.msk $0xffff, v7  }
0x4db: {  	v7 =	vld [tilespmem:s11+$0xCF00]  }
0x4dc: {  	[tilespmem:s18+$0x4F00] =	vst.add.f32.msk $0xffff, v6  }
0x4dd: {  	v6 =	vld [tilespmem:s15+$0xCF00]  }
0x4de: {  	s2 =	rddreg [dreg:$0x4]  }
0x4df: {  	s3 =	rddreg [dreg:$0x9]  }
0x4e0: {  	s28 =	rddreg [dreg:$0x2];
	s2 =	sadd.s32 s2, s3  }
0x4e1: {  	s29 =	simm.s32 $0x0;
	s6 =	simm.s32 $0x8F00;
	[tilespmem:s11+$0x4F00] =	vst.add.f32.msk $0xffff, v7;
	s2 =	sshll.u32 s2, $0x6  }
0x4e2: {  	s30 =	simm.s32 $0x5;
	s0 =	sadd.s32 $0x1, s0;
	s2 =	sadd.s32 s28, s2;
	[tilespmem:s15+$0x4F00] =	vst.add.f32.msk $0xffff, v6  }
0x4e3: {  	[hbm4b:s2+s29] =	stream.linear.scatter [tilespmem:s6], [sflag:$0x6], $0x4000, $0x38;
	[tilespmem:$0x14F00] =	vst v63  }
0x4e4: {  	p0 =	sne.s32 s0, $0x64;
	_ =	swait.ge [sflag:s30], $0x4000  }
.Ltmp3:
0x4e5: {  	[sflag:s30] =	ssyncset.done $0x0;
	(pc) =	sbr.rel @p0 .LBB2_4-.Ltmp3, $4  }
0x4e6: {  	s31 =	simm.s32 $0x6;
	[sflag:s30] =	ssyncadd.s32 $0xFFFFC000  }
0x4e7: {  	_ =	swait.ge [sflag:s31], $0x4000  }
0x4e8: {  	[sflag:s31] =	ssyncset.done $0x0  }
0x4e9: {  	[sflag:s31] =	ssyncadd.s32 $0xFFFFC000  }
0x4ea: {  	s1 =	rddreg [dreg:$0x8]  }
0x4eb: {  	s0 =	rddreg [dreg:$0x7];
	s1 =	sadd.s32 $0x1, s1  }
0x4ec: {  	p0 =	sne.s32 s1, s0  }
.Ltmp4:
0x4ed: {  	_ = 	snop;
	(pc) =	sbr.rel @p0 .LBB2_1-.Ltmp4, $1  }
0x4ee: {  	_ =	sdelay $0x3  }
0x4ef: {  	_ =	sfence.sel $0x180000  }
0x4f0: {  	[bflag:$0x0] =	sbarrier.arrive $0xFFFF  }
0x4f1: {  	_ =	strace $0x90000047  }
0x4f2: {  	s0 =	stileid.u32;
	[bflag:$0x2] =	sbarrier.arrive $0xFFFF  }
0x4f3: {  	p0 =	sne.s32 s0, $0x0;
	s0 =	rddreg [dreg:$0x3]  }
0x4f4: {  	s0 =	sadd.s32 @!p0 $0x100000, s0  }
0x4f5: {  	[sflag:s0] =	ssyncadd.tile.s32 @!p0 $0x1;
	_ =	shalt  }
.Lfunc_end2:
_tile_overlayer_lowered:
.L_overlay_start_2:
0x4f6: {  	(tag) =	ssettag $0x2  }
0x4f7: {  	s0 =	rddreg [dreg:$0x0];
	s2 =	stileid.u32  }
0x4f8: {  	s1 =	rddreg [dreg:$0x1];
	p0 =	sne.s32 s2, $0x0  }
0x4f9: {  	s3 =	rddreg [dreg:$0x2];
	[bflag:$0x3] =	sbarrier.arrive $0xFFFF;
	s2 =	simm.s32 @!p0 $0x1C07  }
0x4fa: {  	[timem:s3], [sflag:s2] =	dma.local @!p0 [hbm:s0], s1  }
0x4fb: {  	s0 =	simm.s32 @!p0 $0x7  }
0x4fc: {  	_ =	swait.ge @!p0 [sflag:s0], s1  }
0x4fd: {  	s1 =	ssub.s32 @!p0 $0x0, s1;
	[sflag:s0] =	ssyncset.done @!p0 $0x0  }
0x4fe: {  	[sflag:s0] =	ssyncadd.s32 @!p0 s1  }
0x4ff: {  	[bflag:$0x3] =	sbarrier.arrive $0xFFFF  }
0x500: {  	_ =	shalt  }

</sc_bundles>
